<compile_context>
chip_gen: v7x
topology: tpu7x:2x2x1
jax: 0.10.2.dev20260603
libtpu: 0.0.44.dev20260713+nightly
codegen_flags: <defaults>
</compile_context>

<pallas_src>
import functools

import jax
import jax.numpy as jnp
from jax import lax
from jax.experimental import pallas as pl
from jax.experimental.pallas import tpu as pltpu
from jax.experimental.pallas import tpu_sc as plsc

NUM_COLLISIONS = 4
D = 64
L16 = 16

CQ = 125
CT = CQ * NUM_COLLISIONS
NCHUNKS1 = 2000

C = 512
G = 128
NG = C // G

_PARAMS = pltpu.CompilerParams(use_tc_tiling_on_sc=False,
                               needs_layout_passes=False)


def _build_body(num_workers, wq_hbm, wr_hbm, t_hbm,
                wq_a, wq_b, t_a, t_b, wr_v, isem_a, isem_b, osem_a, osem_b):
    nc = num_workers // 16
    wid = lax.axis_index("s") * nc + lax.axis_index("c")

    pltpu.sync_copy(wr_hbm, wr_v)
    wrv = [[wr_v[r, pl.ds(dj * L16, L16)] for dj in range(D // L16)]
           for r in range(NUM_COLLISIONS)]

    bufs = ((wq_a, t_a, isem_a, osem_a), (wq_b, t_b, isem_b, osem_b))
    last = NCHUNKS1 - 1

    def g_of(k):
        return jnp.minimum(wid + num_workers * k, last)

    def start_in(k, s):
        wq, _, isem, _ = bufs[s]
        pltpu.make_async_copy(
            wq_hbm.at[pl.ds(g_of(k) * CQ, CQ)], wq, isem).start()

    def wait_in(s):
        wq, _, isem, _ = bufs[s]
        pltpu.make_async_copy(wq_hbm.at[pl.ds(0, CQ)], wq, isem).wait()

    def compute(s):
        wq, tb, _, _ = bufs[s]

        def row(i, _):
            for dj in range(D // L16):
                sl = pl.ds(dj * L16, L16)
                w = wq[i, sl]
                for r in range(NUM_COLLISIONS):
                    tb[i * NUM_COLLISIONS + r, sl] = w * wrv[r][dj]
            return 0
        lax.fori_loop(0, CQ, row, 0)

    def start_out(k, s):
        _, tb, _, osem = bufs[s]
        pltpu.make_async_copy(
            tb, t_hbm.at[pl.ds(g_of(k) * CT, CT)], osem).start()

    def wait_out(s):
        _, tb, _, osem = bufs[s]
        pltpu.make_async_copy(tb, t_hbm.at[pl.ds(0, CT)], osem).wait()

    start_in(0, 0)
    start_in(1, 1)
    wait_in(0)
    compute(0)
    start_out(0, 0)
    start_in(2, 0)
    wait_in(1)
    compute(1)
    start_out(1, 1)

    def pair(p, carry):
        k = 2 * p
        start_in(k + 1, 1)
        wait_out(0)
        wait_in(0)
        compute(0)
        start_out(k, 0)
        start_in(k + 2, 0)
        wait_out(1)
        wait_in(1)
        compute(1)
        start_out(k + 1, 1)
        return carry

    lax.fori_loop(1, 31, pair, 0)

    wait_in(0)
    wait_out(0)

    def tail():
        compute(0)
        start_out(62, 0)
        wait_out(0)

    lax.cond(wid < NCHUNKS1 - 62 * num_workers, tail, lambda: None)
    wait_out(1)


def _lookup_body(total_rows, num_workers, idx_hbm, t_hbm, out_hbm,
                 idx_a, idx_b, rows_a, rows_b, sem_a, sem_b):
    nc = num_workers // 16
    wid = lax.axis_index("s") * nc + lax.axis_index("c")
    rows_per_w = total_rows // num_workers
    nchunks = rows_per_w // C
    base = wid * rows_per_w
    gbase = base // G

    bufs = ((idx_a, rows_a, sem_a), (idx_b, rows_b, sem_b))

    def load_idx(c, s):
        idxb, _, _ = bufs[s]
        pltpu.sync_copy(idx_hbm.at[pl.ds(gbase + c * NG, NG)], idxb)

    def gathers(s):
        idxb, rows, sem = bufs[s]
        return [pltpu.make_async_copy(
            t_hbm.at[idxb.at[j]], rows.at[pl.ds(j * G, G)], sem)
            for j in range(NG)]

    def issue(s):
        for cp in gathers(s):
            cp.start()

    def drain_out(c, s):
        _, rows, _ = bufs[s]
        for cp in gathers(s):
            cp.wait()
        pltpu.sync_copy(rows, out_hbm.at[pl.ds(base + c * C, C)])

    load_idx(0, 0)
    issue(0)

    def pair(c2, carry):
        c = 2 * c2
        load_idx(c + 1, 1)
        issue(1)
        drain_out(c, 0)
        load_idx(c + 2, 0)
        issue(0)
        drain_out(c + 1, 1)
        return carry

    lax.fori_loop(0, nchunks // 2 - 1, pair, 0)

    c_last = nchunks - 2
    load_idx(c_last + 1, 1)
    issue(1)
    drain_out(c_last, 0)
    drain_out(c_last + 1, 1)


def kernel(input, W_q, W_r):
    B, L = input.shape
    total = B * L
    idx2d = input.reshape(total // G, G).astype(jnp.int32)

    info = plsc.get_sparse_core_info()
    nw = info.num_cores * info.num_subcores
    mesh = plsc.VectorSubcoreMesh(core_axis_name="c", subcore_axis_name="s")

    table = pl.kernel(
        functools.partial(_build_body, nw),
        out_type=jax.ShapeDtypeStruct((W_q.shape[0] * NUM_COLLISIONS, D),
                                      jnp.float32),
        mesh=mesh,
        scratch_types=[
            pltpu.VMEM((CQ, D), jnp.float32),
            pltpu.VMEM((CQ, D), jnp.float32),
            pltpu.VMEM((CT, D), jnp.float32),
            pltpu.VMEM((CT, D), jnp.float32),
            pltpu.VMEM((NUM_COLLISIONS, D), jnp.float32),
            pltpu.SemaphoreType.DMA,
            pltpu.SemaphoreType.DMA,
            pltpu.SemaphoreType.DMA,
            pltpu.SemaphoreType.DMA,
        ],
        compiler_params=_PARAMS,
    )(W_q, W_r[:NUM_COLLISIONS])

    out_flat = pl.kernel(
        functools.partial(_lookup_body, total, nw),
        out_type=jax.ShapeDtypeStruct((total, D), jnp.float32),
        mesh=mesh,
        scratch_types=[
            pltpu.VMEM((NG, G), jnp.int32),
            pltpu.VMEM((NG, G), jnp.int32),
            pltpu.VMEM((C, D), jnp.float32),
            pltpu.VMEM((C, D), jnp.float32),
            pltpu.SemaphoreType.DMA,
            pltpu.SemaphoreType.DMA,
        ],
        compiler_params=_PARAMS,
    )(idx2d, table)

    return out_flat.reshape(B, L, D)

# --- scband reference (transcript-rebuilt; emitter-appended) ---
"""Pipeline reference for scband-qrembedding-bag-63316407878208 (READ-ONLY COPY).

The authoritative reference and input builder live on the scoring server;
editing this copy changes nothing except your own understanding.
"""

import jax, jax.numpy as jnp
import numpy as np

NUM_CATEGORIES = 1000000
EMBEDDING_DIM = 64
NUM_COLLISIONS = 4
TABLE_ROWS = NUM_CATEGORIES // NUM_COLLISIONS
B = 4096
L = 200

def setup_inputs(seed: int = 0) -> dict:
    key = jax.random.key(seed)
    k1, k2, k3 = jax.random.split(key, 3)
    input_idx = jax.random.randint(k1, (B, L), 0, NUM_CATEGORIES, dtype=jnp.int64) if jax.config.jax_enable_x64 else jax.random.randint(k1, (B, L), 0, NUM_CATEGORIES, dtype=jnp.int32)
    W_q = jax.random.normal(k2, (TABLE_ROWS, EMBEDDING_DIM), dtype=jnp.float32)
    W_r = jax.random.normal(k3, (TABLE_ROWS, EMBEDDING_DIM), dtype=jnp.float32)
    return {"input": input_idx, "W_q": W_q, "W_r": W_r}

def reference(input, W_q, W_r):
    # input_q = (input / num_collisions).long()  -> floor division for non-negative ints
    input_q = input // NUM_COLLISIONS
    # input_r = torch.remainder(input, num_collisions)
    input_r = jnp.remainder(input, NUM_COLLISIONS)
    embed_q = jnp.take(W_q, input_q, axis=0)
    embed_r = jnp.take(W_r, input_r, axis=0)
    # operation == 'mult'
    embed = embed_q * embed_r
    return embed

if __name__ == "__main__":
    import jax
    _d = setup_inputs()
    print(jax.jit(kernel)(*tuple(_d.values())))

</pallas_src>

<mosaic_0001>
#map = affine_map<(d0, d1) -> (0, 0)>
module attributes {stable_mosaic.version = 14 : i64} {
  func.func @_build_body(%arg0: i32, %arg1: i32, %arg2: memref<250000x64xf32, #tpu.memory_space<hbm>>, %arg3: memref<4x64xf32, #tpu.memory_space<hbm>>, %arg4: memref<1000000x64xf32, #tpu.memory_space<hbm>>, %arg5: memref<125x64xf32, #tpu.memory_space<vmem>>, %arg6: memref<125x64xf32, #tpu.memory_space<vmem>>, %arg7: memref<500x64xf32, #tpu.memory_space<vmem>>, %arg8: memref<500x64xf32, #tpu.memory_space<vmem>>, %arg9: memref<4x64xf32, #tpu.memory_space<vmem>>, %arg10: memref<!tpu.dma_semaphore, #tpu.memory_space<semaphore_mem>>, %arg11: memref<!tpu.dma_semaphore, #tpu.memory_space<semaphore_mem>>, %arg12: memref<!tpu.dma_semaphore, #tpu.memory_space<semaphore_mem>>, %arg13: memref<!tpu.dma_semaphore, #tpu.memory_space<semaphore_mem>>) attributes {dimension_semantics = [#tpu.dimension_semantics<core_parallel>, #tpu.dimension_semantics<subcore_parallel>], iteration_bounds = array<i64: 2, 16>, scalar_prefetch = 0 : i64, scratch_operands = 9 : i64, tpu.core_type = #tpu.core_type<sc_vector_subcore>, window_params = [{transform_indices = #map}, {transform_indices = #map}, {transform_indices = #map}]} {
    %mul3A = arith.constant 2 : i32
    %mul3A_0 = arith.muli %arg1, %mul3A : i32
    %add3A = arith.addi %mul3A_0, %arg0 : i32
    "tpu.region"() ({
      %run_scoped3A = tpu.sem_alloc : memref<!tpu.dma_semaphore, #tpu.memory_space<semaphore_mem>>
      tpu.enqueue_dma source(%arg3 : memref<4x64xf32, #tpu.memory_space<hbm>>) target(%arg9 : memref<4x64xf32, #tpu.memory_space<vmem>>) target_semaphore(%run_scoped3A : memref<!tpu.dma_semaphore, #tpu.memory_space<semaphore_mem>>)
      tpu.wait_dma2 semaphore(%run_scoped3A : memref<!tpu.dma_semaphore, #tpu.memory_space<semaphore_mem>>) src(%arg3 : memref<4x64xf32, #tpu.memory_space<hbm>>) dst(%arg9 : memref<4x64xf32, #tpu.memory_space<vmem>>)
      tpu.yield
    }) : () -> ()
    %get3A = arith.constant 0 : i32
    %get3A_1 = arith.index_cast %get3A : i32 to index
    %get3A_2 = arith.constant 0 : index
    %get3A_3 = tpu.vector_load %arg9[%get3A_1, %get3A_2] {strides = array<i32>} : memref<4x64xf32, #tpu.memory_space<vmem>>, vector<16xf32>,
    %get3A_4 = arith.constant 0 : i32
    %get3A_5 = arith.index_cast %get3A_4 : i32 to index
    %get3A_6 = arith.constant 16 : index
    %get3A_7 = tpu.vector_load %arg9[%get3A_5, %get3A_6] {strides = array<i32>} : memref<4x64xf32, #tpu.memory_space<vmem>>, vector<16xf32>,
    %get3A_8 = arith.constant 0 : i32
    %get3A_9 = arith.index_cast %get3A_8 : i32 to index
    %get3A_10 = arith.constant 32 : index
    %get3A_11 = tpu.vector_load %arg9[%get3A_9, %get3A_10] {strides = array<i32>} : memref<4x64xf32, #tpu.memory_space<vmem>>, vector<16xf32>,
    %get3A_12 = arith.constant 0 : i32
    %get3A_13 = arith.index_cast %get3A_12 : i32 to index
    %get3A_14 = arith.constant 48 : index
    %get3A_15 = tpu.vector_load %arg9[%get3A_13, %get3A_14] {strides = array<i32>} : memref<4x64xf32, #tpu.memory_space<vmem>>, vector<16xf32>,
    %get3A_16 = arith.constant 1 : i32
    %get3A_17 = arith.index_cast %get3A_16 : i32 to index
    %get3A_18 = arith.constant 0 : index
    %get3A_19 = tpu.vector_load %arg9[%get3A_17, %get3A_18] {strides = array<i32>} : memref<4x64xf32, #tpu.memory_space<vmem>>, vector<16xf32>,
    %get3A_20 = arith.constant 1 : i32
    %get3A_21 = arith.index_cast %get3A_20 : i32 to index
    %get3A_22 = arith.constant 16 : index
    %get3A_23 = tpu.vector_load %arg9[%get3A_21, %get3A_22] {strides = array<i32>} : memref<4x64xf32, #tpu.memory_space<vmem>>, vector<16xf32>,
    %get3A_24 = arith.constant 1 : i32
    %get3A_25 = arith.index_cast %get3A_24 : i32 to index
    %get3A_26 = arith.constant 32 : index
    %get3A_27 = tpu.vector_load %arg9[%get3A_25, %get3A_26] {strides = array<i32>} : memref<4x64xf32, #tpu.memory_space<vmem>>, vector<16xf32>,
    %get3A_28 = arith.constant 1 : i32
    %get3A_29 = arith.index_cast %get3A_28 : i32 to index
    %get3A_30 = arith.constant 48 : index
    %get3A_31 = tpu.vector_load %arg9[%get3A_29, %get3A_30] {strides = array<i32>} : memref<4x64xf32, #tpu.memory_space<vmem>>, vector<16xf32>,
    %get3A_32 = arith.constant 2 : i32
    %get3A_33 = arith.index_cast %get3A_32 : i32 to index
    %get3A_34 = arith.constant 0 : index
    %get3A_35 = tpu.vector_load %arg9[%get3A_33, %get3A_34] {strides = array<i32>} : memref<4x64xf32, #tpu.memory_space<vmem>>, vector<16xf32>,
    %get3A_36 = arith.constant 2 : i32
    %get3A_37 = arith.index_cast %get3A_36 : i32 to index
    %get3A_38 = arith.constant 16 : index
    %get3A_39 = tpu.vector_load %arg9[%get3A_37, %get3A_38] {strides = array<i32>} : memref<4x64xf32, #tpu.memory_space<vmem>>, vector<16xf32>,
    %get3A_40 = arith.constant 2 : i32
    %get3A_41 = arith.index_cast %get3A_40 : i32 to index
    %get3A_42 = arith.constant 32 : index
    %get3A_43 = tpu.vector_load %arg9[%get3A_41, %get3A_42] {strides = array<i32>} : memref<4x64xf32, #tpu.memory_space<vmem>>, vector<16xf32>,
    %get3A_44 = arith.constant 2 : i32
    %get3A_45 = arith.index_cast %get3A_44 : i32 to index
    %get3A_46 = arith.constant 48 : index
    %get3A_47 = tpu.vector_load %arg9[%get3A_45, %get3A_46] {strides = array<i32>} : memref<4x64xf32, #tpu.memory_space<vmem>>, vector<16xf32>,
    %get3A_48 = arith.constant 3 : i32
    %get3A_49 = arith.index_cast %get3A_48 : i32 to index
    %get3A_50 = arith.constant 0 : index
    %get3A_51 = tpu.vector_load %arg9[%get3A_49, %get3A_50] {strides = array<i32>} : memref<4x64xf32, #tpu.memory_space<vmem>>, vector<16xf32>,
    %get3A_52 = arith.constant 3 : i32
    %get3A_53 = arith.index_cast %get3A_52 : i32 to index
    %get3A_54 = arith.constant 16 : index
    %get3A_55 = tpu.vector_load %arg9[%get3A_53, %get3A_54] {strides = array<i32>} : memref<4x64xf32, #tpu.memory_space<vmem>>, vector<16xf32>,
    %get3A_56 = arith.constant 3 : i32
    %get3A_57 = arith.index_cast %get3A_56 : i32 to index
    %get3A_58 = arith.constant 32 : index
    %get3A_59 = tpu.vector_load %arg9[%get3A_57, %get3A_58] {strides = array<i32>} : memref<4x64xf32, #tpu.memory_space<vmem>>, vector<16xf32>,
    %get3A_60 = arith.constant 3 : i32
    %get3A_61 = arith.index_cast %get3A_60 : i32 to index
    %get3A_62 = arith.constant 48 : index
    %get3A_63 = tpu.vector_load %arg9[%get3A_61, %get3A_62] {strides = array<i32>} : memref<4x64xf32, #tpu.memory_space<vmem>>, vector<16xf32>,
    %add3A_64 = arith.constant 0 : i32
    %add3A_65 = arith.addi %add3A, %add3A_64 : i32
    %min3A = arith.constant 1999 : i32
    %min3A_66 = arith.minsi %add3A_65, %min3A : i32
    %mul3A_67 = arith.constant 125 : i32
    %mul3A_68 = arith.muli %min3A_66, %mul3A_67 : i32
    %dma_start3A = arith.constant 0 : i32
    %dma_start3A_69 = tpu.memref_slice %arg2[%mul3A_68, %dma_start3A] : memref<250000x64xf32, #tpu.memory_space<hbm>> -> memref<125x64xf32, #tpu.memory_space<hbm>>
    %dma_start3A_70 = arith.constant 0 : i32
    %dma_start3A_71 = tpu.memref_slice %arg2[%mul3A_68, %dma_start3A_70] : memref<250000x64xf32, #tpu.memory_space<hbm>> -> memref<125x64xf32, #tpu.memory_space<hbm>>
    tpu.enqueue_dma source(%dma_start3A_71 : memref<125x64xf32, #tpu.memory_space<hbm>>) target(%arg5 : memref<125x64xf32, #tpu.memory_space<vmem>>) target_semaphore(%arg10 : memref<!tpu.dma_semaphore, #tpu.memory_space<semaphore_mem>>)
    %add3A_72 = arith.constant 32 : i32
    %add3A_73 = arith.addi %add3A, %add3A_72 : i32
    %min3A_74 = arith.constant 1999 : i32
    %min3A_75 = arith.minsi %add3A_73, %min3A_74 : i32
    %mul3A_76 = arith.constant 125 : i32
    %mul3A_77 = arith.muli %min3A_75, %mul3A_76 : i32
    %dma_start3A_78 = arith.constant 0 : i32
    %dma_start3A_79 = tpu.memref_slice %arg2[%mul3A_77, %dma_start3A_78] : memref<250000x64xf32, #tpu.memory_space<hbm>> -> memref<125x64xf32, #tpu.memory_space<hbm>>
    %dma_start3A_80 = arith.constant 0 : i32
    %dma_start3A_81 = tpu.memref_slice %arg2[%mul3A_77, %dma_start3A_80] : memref<250000x64xf32, #tpu.memory_space<hbm>> -> memref<125x64xf32, #tpu.memory_space<hbm>>
    tpu.enqueue_dma source(%dma_start3A_81 : memref<125x64xf32, #tpu.memory_space<hbm>>) target(%arg6 : memref<125x64xf32, #tpu.memory_space<vmem>>) target_semaphore(%arg11 : memref<!tpu.dma_semaphore, #tpu.memory_space<semaphore_mem>>)
    %dma_wait3A = arith.constant 0 : i32
    %dma_wait3A_82 = arith.constant 0 : i32
    %dma_wait3A_83 = tpu.memref_slice %arg2[%dma_wait3A, %dma_wait3A_82] : memref<250000x64xf32, #tpu.memory_space<hbm>> -> memref<125x64xf32, #tpu.memory_space<hbm>>
    %dma_wait3A_84 = arith.constant 0 : i32
    %dma_wait3A_85 = arith.constant 0 : i32
    %dma_wait3A_86 = tpu.memref_slice %arg2[%dma_wait3A_84, %dma_wait3A_85] : memref<250000x64xf32, #tpu.memory_space<hbm>> -> memref<125x64xf32, #tpu.memory_space<hbm>>
    tpu.wait_dma2 semaphore(%arg10 : memref<!tpu.dma_semaphore, #tpu.memory_space<semaphore_mem>>) src(%dma_wait3A_86 : memref<125x64xf32, #tpu.memory_space<hbm>>) dst(%arg5 : memref<125x64xf32, #tpu.memory_space<vmem>>)
    %scan3A = arith.constant 0 : i32
    %scan3A_87 = arith.constant 0 : i32
    %scan3A_88 = arith.constant 125 : i32
    %scan3A_89 = arith.addi %scan3A_87, %scan3A_88 : i32
    %scan3A_90 = arith.constant 1 : i32
    %scan3A_91 = scf.for %scan3A_162 = %scan3A_87 to %scan3A_89 step %scan3A_90 iter_args(%scan3A_163 = %scan3A) -> (i32)  : i32 {
      %get3A_164 = arith.index_cast %scan3A_162 : i32 to index
      %get3A_165 = arith.constant 0 : index
      %get3A_166 = tpu.vector_load %arg5[%get3A_164, %get3A_165] {strides = array<i32>} : memref<125x64xf32, #tpu.memory_space<vmem>>, vector<16xf32>,
      %mul3A_167 = arith.mulf %get3A_166, %get3A_3 : vector<16xf32>
      %mul3A_168 = arith.constant 4 : i32
      %mul3A_169 = arith.muli %scan3A_162, %mul3A_168 : i32
      %add3A_170 = arith.constant 0 : i32
      %add3A_171 = arith.addi %mul3A_169, %add3A_170 : i32
      %swap3A = arith.index_cast %add3A_171 : i32 to index
      %swap3A_172 = arith.constant 0 : index
      %swap3A_173 = tpu.vector_load %arg7[%swap3A, %swap3A_172] {strides = array<i32>} : memref<500x64xf32, #tpu.memory_space<vmem>>, vector<16xf32>,
      tpu.vector_store %arg7[%swap3A, %swap3A_172], %mul3A_167 {strides = array<i32>} : memref<500x64xf32, #tpu.memory_space<vmem>>, vector<16xf32>,
      %mul3A_174 = arith.mulf %get3A_166, %get3A_19 : vector<16xf32>
      %mul3A_175 = arith.constant 4 : i32
      %mul3A_176 = arith.muli %scan3A_162, %mul3A_175 : i32
      %add3A_177 = arith.constant 1 : i32
      %add3A_178 = arith.addi %mul3A_176, %add3A_177 : i32
      %swap3A_179 = arith.index_cast %add3A_178 : i32 to index
      %swap3A_180 = arith.constant 0 : index
      %swap3A_181 = tpu.vector_load %arg7[%swap3A_179, %swap3A_180] {strides = array<i32>} : memref<500x64xf32, #tpu.memory_space<vmem>>, vector<16xf32>,
      tpu.vector_store %arg7[%swap3A_179, %swap3A_180], %mul3A_174 {strides = array<i32>} : memref<500x64xf32, #tpu.memory_space<vmem>>, vector<16xf32>,
      %mul3A_182 = arith.mulf %get3A_166, %get3A_35 : vector<16xf32>
      %mul3A_183 = arith.constant 4 : i32
      %mul3A_184 = arith.muli %scan3A_162, %mul3A_183 : i32
      %add3A_185 = arith.constant 2 : i32
      %add3A_186 = arith.addi %mul3A_184, %add3A_185 : i32
      %swap3A_187 = arith.index_cast %add3A_186 : i32 to index
      %swap3A_188 = arith.constant 0 : index
      %swap3A_189 = tpu.vector_load %arg7[%swap3A_187, %swap3A_188] {strides = array<i32>} : memref<500x64xf32, #tpu.memory_space<vmem>>, vector<16xf32>,
      tpu.vector_store %arg7[%swap3A_187, %swap3A_188], %mul3A_182 {strides = array<i32>} : memref<500x64xf32, #tpu.memory_space<vmem>>, vector<16xf32>,
      %mul3A_190 = arith.mulf %get3A_166, %get3A_51 : vector<16xf32>
      %mul3A_191 = arith.constant 4 : i32
      %mul3A_192 = arith.muli %scan3A_162, %mul3A_191 : i32
      %add3A_193 = arith.constant 3 : i32
      %add3A_194 = arith.addi %mul3A_192, %add3A_193 : i32
      %swap3A_195 = arith.index_cast %add3A_194 : i32 to index
      %swap3A_196 = arith.constant 0 : index
      %swap3A_197 = tpu.vector_load %arg7[%swap3A_195, %swap3A_196] {strides = array<i32>} : memref<500x64xf32, #tpu.memory_space<vmem>>, vector<16xf32>,
      tpu.vector_store %arg7[%swap3A_195, %swap3A_196], %mul3A_190 {strides = array<i32>} : memref<500x64xf32, #tpu.memory_space<vmem>>, vector<16xf32>,
      %get3A_198 = arith.index_cast %scan3A_162 : i32 to index
      %get3A_199 = arith.constant 16 : index
      %get3A_200 = tpu.vector_load %arg5[%get3A_198, %get3A_199] {strides = array<i32>} : memref<125x64xf32, #tpu.memory_space<vmem>>, vector<16xf32>,
      %mul3A_201 = arith.mulf %get3A_200, %get3A_7 : vector<16xf32>
      %mul3A_202 = arith.constant 4 : i32
      %mul3A_203 = arith.muli %scan3A_162, %mul3A_202 : i32
      %add3A_204 = arith.constant 0 : i32
      %add3A_205 = arith.addi %mul3A_203, %add3A_204 : i32
      %swap3A_206 = arith.index_cast %add3A_205 : i32 to index
      %swap3A_207 = arith.constant 16 : index
      %swap3A_208 = tpu.vector_load %arg7[%swap3A_206, %swap3A_207] {strides = array<i32>} : memref<500x64xf32, #tpu.memory_space<vmem>>, vector<16xf32>,
      tpu.vector_store %arg7[%swap3A_206, %swap3A_207], %mul3A_201 {strides = array<i32>} : memref<500x64xf32, #tpu.memory_space<vmem>>, vector<16xf32>,
      %mul3A_209 = arith.mulf %get3A_200, %get3A_23 : vector<16xf32>
      %mul3A_210 = arith.constant 4 : i32
      %mul3A_211 = arith.muli %scan3A_162, %mul3A_210 : i32
      %add3A_212 = arith.constant 1 : i32
      %add3A_213 = arith.addi %mul3A_211, %add3A_212 : i32
      %swap3A_214 = arith.index_cast %add3A_213 : i32 to index
      %swap3A_215 = arith.constant 16 : index
      %swap3A_216 = tpu.vector_load %arg7[%swap3A_214, %swap3A_215] {strides = array<i32>} : memref<500x64xf32, #tpu.memory_space<vmem>>, vector<16xf32>,
      tpu.vector_store %arg7[%swap3A_214, %swap3A_215], %mul3A_209 {strides = array<i32>} : memref<500x64xf32, #tpu.memory_space<vmem>>, vector<16xf32>,
      %mul3A_217 = arith.mulf %get3A_200, %get3A_39 : vector<16xf32>
      %mul3A_218 = arith.constant 4 : i32
      %mul3A_219 = arith.muli %scan3A_162, %mul3A_218 : i32
      %add3A_220 = arith.constant 2 : i32
      %add3A_221 = arith.addi %mul3A_219, %add3A_220 : i32
      %swap3A_222 = arith.index_cast %add3A_221 : i32 to index
      %swap3A_223 = arith.constant 16 : index
      %swap3A_224 = tpu.vector_load %arg7[%swap3A_222, %swap3A_223] {strides = array<i32>} : memref<500x64xf32, #tpu.memory_space<vmem>>, vector<16xf32>,
      tpu.vector_store %arg7[%swap3A_222, %swap3A_223], %mul3A_217 {strides = array<i32>} : memref<500x64xf32, #tpu.memory_space<vmem>>, vector<16xf32>,
      %mul3A_225 = arith.mulf %get3A_200, %get3A_55 : vector<16xf32>
      %mul3A_226 = arith.constant 4 : i32
      %mul3A_227 = arith.muli %scan3A_162, %mul3A_226 : i32
      %add3A_228 = arith.constant 3 : i32
      %add3A_229 = arith.addi %mul3A_227, %add3A_228 : i32
      %swap3A_230 = arith.index_cast %add3A_229 : i32 to index
      %swap3A_231 = arith.constant 16 : index
      %swap3A_232 = tpu.vector_load %arg7[%swap3A_230, %swap3A_231] {strides = array<i32>} : memref<500x64xf32, #tpu.memory_space<vmem>>, vector<16xf32>,
      tpu.vector_store %arg7[%swap3A_230, %swap3A_231], %mul3A_225 {strides = array<i32>} : memref<500x64xf32, #tpu.memory_space<vmem>>, vector<16xf32>,
      %get3A_233 = arith.index_cast %scan3A_162 : i32 to index
      %get3A_234 = arith.constant 32 : index
      %get3A_235 = tpu.vector_load %arg5[%get3A_233, %get3A_234] {strides = array<i32>} : memref<125x64xf32, #tpu.memory_space<vmem>>, vector<16xf32>,
      %mul3A_236 = arith.mulf %get3A_235, %get3A_11 : vector<16xf32>
      %mul3A_237 = arith.constant 4 : i32
      %mul3A_238 = arith.muli %scan3A_162, %mul3A_237 : i32
      %add3A_239 = arith.constant 0 : i32
      %add3A_240 = arith.addi %mul3A_238, %add3A_239 : i32
      %swap3A_241 = arith.index_cast %add3A_240 : i32 to index
      %swap3A_242 = arith.constant 32 : index
      %swap3A_243 = tpu.vector_load %arg7[%swap3A_241, %swap3A_242] {strides = array<i32>} : memref<500x64xf32, #tpu.memory_space<vmem>>, vector<16xf32>,
      tpu.vector_store %arg7[%swap3A_241, %swap3A_242], %mul3A_236 {strides = array<i32>} : memref<500x64xf32, #tpu.memory_space<vmem>>, vector<16xf32>,
      %mul3A_244 = arith.mulf %get3A_235, %get3A_27 : vector<16xf32>
      %mul3A_245 = arith.constant 4 : i32
      %mul3A_246 = arith.muli %scan3A_162, %mul3A_245 : i32
      %add3A_247 = arith.constant 1 : i32
      %add3A_248 = arith.addi %mul3A_246, %add3A_247 : i32
      %swap3A_249 = arith.index_cast %add3A_248 : i32 to index
      %swap3A_250 = arith.constant 32 : index
      %swap3A_251 = tpu.vector_load %arg7[%swap3A_249, %swap3A_250] {strides = array<i32>} : memref<500x64xf32, #tpu.memory_space<vmem>>, vector<16xf32>,
      tpu.vector_store %arg7[%swap3A_249, %swap3A_250], %mul3A_244 {strides = array<i32>} : memref<500x64xf32, #tpu.memory_space<vmem>>, vector<16xf32>,
      %mul3A_252 = arith.mulf %get3A_235, %get3A_43 : vector<16xf32>
      %mul3A_253 = arith.constant 4 : i32
      %mul3A_254 = arith.muli %scan3A_162, %mul3A_253 : i32
      %add3A_255 = arith.constant 2 : i32
      %add3A_256 = arith.addi %mul3A_254, %add3A_255 : i32
      %swap3A_257 = arith.index_cast %add3A_256 : i32 to index
      %swap3A_258 = arith.constant 32 : index
      %swap3A_259 = tpu.vector_load %arg7[%swap3A_257, %swap3A_258] {strides = array<i32>} : memref<500x64xf32, #tpu.memory_space<vmem>>, vector<16xf32>,
      tpu.vector_store %arg7[%swap3A_257, %swap3A_258], %mul3A_252 {strides = array<i32>} : memref<500x64xf32, #tpu.memory_space<vmem>>, vector<16xf32>,
      %mul3A_260 = arith.mulf %get3A_235, %get3A_59 : vector<16xf32>
      %mul3A_261 = arith.constant 4 : i32
      %mul3A_262 = arith.muli %scan3A_162, %mul3A_261 : i32
      %add3A_263 = arith.constant 3 : i32
      %add3A_264 = arith.addi %mul3A_262, %add3A_263 : i32
      %swap3A_265 = arith.index_cast %add3A_264 : i32 to index
      %swap3A_266 = arith.constant 32 : index
      %swap3A_267 = tpu.vector_load %arg7[%swap3A_265, %swap3A_266] {strides = array<i32>} : memref<500x64xf32, #tpu.memory_space<vmem>>, vector<16xf32>,
      tpu.vector_store %arg7[%swap3A_265, %swap3A_266], %mul3A_260 {strides = array<i32>} : memref<500x64xf32, #tpu.memory_space<vmem>>, vector<16xf32>,
      %get3A_268 = arith.index_cast %scan3A_162 : i32 to index
      %get3A_269 = arith.constant 48 : index
      %get3A_270 = tpu.vector_load %arg5[%get3A_268, %get3A_269] {strides = array<i32>} : memref<125x64xf32, #tpu.memory_space<vmem>>, vector<16xf32>,
      %mul3A_271 = arith.mulf %get3A_270, %get3A_15 : vector<16xf32>
      %mul3A_272 = arith.constant 4 : i32
      %mul3A_273 = arith.muli %scan3A_162, %mul3A_272 : i32
      %add3A_274 = arith.constant 0 : i32
      %add3A_275 = arith.addi %mul3A_273, %add3A_274 : i32
      %swap3A_276 = arith.index_cast %add3A_275 : i32 to index
      %swap3A_277 = arith.constant 48 : index
      %swap3A_278 = tpu.vector_load %arg7[%swap3A_276, %swap3A_277] {strides = array<i32>} : memref<500x64xf32, #tpu.memory_space<vmem>>, vector<16xf32>,
      tpu.vector_store %arg7[%swap3A_276, %swap3A_277], %mul3A_271 {strides = array<i32>} : memref<500x64xf32, #tpu.memory_space<vmem>>, vector<16xf32>,
      %mul3A_279 = arith.mulf %get3A_270, %get3A_31 : vector<16xf32>
      %mul3A_280 = arith.constant 4 : i32
      %mul3A_281 = arith.muli %scan3A_162, %mul3A_280 : i32
      %add3A_282 = arith.constant 1 : i32
      %add3A_283 = arith.addi %mul3A_281, %add3A_282 : i32
      %swap3A_284 = arith.index_cast %add3A_283 : i32 to index
      %swap3A_285 = arith.constant 48 : index
      %swap3A_286 = tpu.vector_load %arg7[%swap3A_284, %swap3A_285] {strides = array<i32>} : memref<500x64xf32, #tpu.memory_space<vmem>>, vector<16xf32>,
      tpu.vector_store %arg7[%swap3A_284, %swap3A_285], %mul3A_279 {strides = array<i32>} : memref<500x64xf32, #tpu.memory_space<vmem>>, vector<16xf32>,
      %mul3A_287 = arith.mulf %get3A_270, %get3A_47 : vector<16xf32>
      %mul3A_288 = arith.constant 4 : i32
      %mul3A_289 = arith.muli %scan3A_162, %mul3A_288 : i32
      %add3A_290 = arith.constant 2 : i32
      %add3A_291 = arith.addi %mul3A_289, %add3A_290 : i32
      %swap3A_292 = arith.index_cast %add3A_291 : i32 to index
      %swap3A_293 = arith.constant 48 : index
      %swap3A_294 = tpu.vector_load %arg7[%swap3A_292, %swap3A_293] {strides = array<i32>} : memref<500x64xf32, #tpu.memory_space<vmem>>, vector<16xf32>,
      tpu.vector_store %arg7[%swap3A_292, %swap3A_293], %mul3A_287 {strides = array<i32>} : memref<500x64xf32, #tpu.memory_space<vmem>>, vector<16xf32>,
      %mul3A_295 = arith.mulf %get3A_270, %get3A_63 : vector<16xf32>
      %mul3A_296 = arith.constant 4 : i32
      %mul3A_297 = arith.muli %scan3A_162, %mul3A_296 : i32
      %add3A_298 = arith.constant 3 : i32
      %add3A_299 = arith.addi %mul3A_297, %add3A_298 : i32
      %swap3A_300 = arith.index_cast %add3A_299 : i32 to index
      %swap3A_301 = arith.constant 48 : index
      %swap3A_302 = tpu.vector_load %arg7[%swap3A_300, %swap3A_301] {strides = array<i32>} : memref<500x64xf32, #tpu.memory_space<vmem>>, vector<16xf32>,
      tpu.vector_store %arg7[%swap3A_300, %swap3A_301], %mul3A_295 {strides = array<i32>} : memref<500x64xf32, #tpu.memory_space<vmem>>, vector<16xf32>,
      %scan3A_303 = arith.constant 0 : i32
      scf.yield %scan3A_303 : i32
    }
    %scan3A_92 = arith.constant 125 : i32
    %add3A_93 = arith.constant 0 : i32
    %add3A_94 = arith.addi %add3A, %add3A_93 : i32
    %min3A_95 = arith.constant 1999 : i32
    %min3A_96 = arith.minsi %add3A_94, %min3A_95 : i32
    %mul3A_97 = arith.constant 500 : i32
    %mul3A_98 = arith.muli %min3A_96, %mul3A_97 : i32
    %dma_start3A_99 = arith.constant 0 : i32
    %dma_start3A_100 = tpu.memref_slice %arg4[%mul3A_98, %dma_start3A_99] : memref<1000000x64xf32, #tpu.memory_space<hbm>> -> memref<500x64xf32, #tpu.memory_space<hbm>>
    %dma_start3A_101 = arith.constant 0 : i32
    %dma_start3A_102 = tpu.memref_slice %arg4[%mul3A_98, %dma_start3A_101] : memref<1000000x64xf32, #tpu.memory_space<hbm>> -> memref<500x64xf32, #tpu.memory_space<hbm>>
    tpu.enqueue_dma source(%arg7 : memref<500x64xf32, #tpu.memory_space<vmem>>) target(%dma_start3A_102 : memref<500x64xf32, #tpu.memory_space<hbm>>) target_semaphore(%arg12 : memref<!tpu.dma_semaphore, #tpu.memory_space<semaphore_mem>>)
    %add3A_103 = arith.constant 64 : i32
    %add3A_104 = arith.addi %add3A, %add3A_103 : i32
    %min3A_105 = arith.constant 1999 : i32
    %min3A_106 = arith.minsi %add3A_104, %min3A_105 : i32
    %mul3A_107 = arith.constant 125 : i32
    %mul3A_108 = arith.muli %min3A_106, %mul3A_107 : i32
    %dma_start3A_109 = arith.constant 0 : i32
    %dma_start3A_110 = tpu.memref_slice %arg2[%mul3A_108, %dma_start3A_109] : memref<250000x64xf32, #tpu.memory_space<hbm>> -> memref<125x64xf32, #tpu.memory_space<hbm>>
    %dma_start3A_111 = arith.constant 0 : i32
    %dma_start3A_112 = tpu.memref_slice %arg2[%mul3A_108, %dma_start3A_111] : memref<250000x64xf32, #tpu.memory_space<hbm>> -> memref<125x64xf32, #tpu.memory_space<hbm>>
    tpu.enqueue_dma source(%dma_start3A_112 : memref<125x64xf32, #tpu.memory_space<hbm>>) target(%arg5 : memref<125x64xf32, #tpu.memory_space<vmem>>) target_semaphore(%arg10 : memref<!tpu.dma_semaphore, #tpu.memory_space<semaphore_mem>>)
    %dma_wait3A_113 = arith.constant 0 : i32
    %dma_wait3A_114 = arith.constant 0 : i32
    %dma_wait3A_115 = tpu.memref_slice %arg2[%dma_wait3A_113, %dma_wait3A_114] : memref<250000x64xf32, #tpu.memory_space<hbm>> -> memref<125x64xf32, #tpu.memory_space<hbm>>
    %dma_wait3A_116 = arith.constant 0 : i32
    %dma_wait3A_117 = arith.constant 0 : i32
    %dma_wait3A_118 = tpu.memref_slice %arg2[%dma_wait3A_116, %dma_wait3A_117] : memref<250000x64xf32, #tpu.memory_space<hbm>> -> memref<125x64xf32, #tpu.memory_space<hbm>>
    tpu.wait_dma2 semaphore(%arg11 : memref<!tpu.dma_semaphore, #tpu.memory_space<semaphore_mem>>) src(%dma_wait3A_118 : memref<125x64xf32, #tpu.memory_space<hbm>>) dst(%arg6 : memref<125x64xf32, #tpu.memory_space<vmem>>)
    %scan3A_119 = arith.constant 0 : i32
    %scan3A_120 = arith.constant 0 : i32
    %scan3A_121 = arith.constant 125 : i32
    %scan3A_122 = arith.addi %scan3A_120, %scan3A_121 : i32
    %scan3A_123 = arith.constant 1 : i32
    %scan3A_124 = scf.for %scan3A_162 = %scan3A_120 to %scan3A_122 step %scan3A_123 iter_args(%scan3A_163 = %scan3A_119) -> (i32)  : i32 {
      %get3A_164 = arith.index_cast %scan3A_162 : i32 to index
      %get3A_165 = arith.constant 0 : index
      %get3A_166 = tpu.vector_load %arg6[%get3A_164, %get3A_165] {strides = array<i32>} : memref<125x64xf32, #tpu.memory_space<vmem>>, vector<16xf32>,
      %mul3A_167 = arith.mulf %get3A_166, %get3A_3 : vector<16xf32>
      %mul3A_168 = arith.constant 4 : i32
      %mul3A_169 = arith.muli %scan3A_162, %mul3A_168 : i32
      %add3A_170 = arith.constant 0 : i32
      %add3A_171 = arith.addi %mul3A_169, %add3A_170 : i32
      %swap3A = arith.index_cast %add3A_171 : i32 to index
      %swap3A_172 = arith.constant 0 : index
      %swap3A_173 = tpu.vector_load %arg8[%swap3A, %swap3A_172] {strides = array<i32>} : memref<500x64xf32, #tpu.memory_space<vmem>>, vector<16xf32>,
      tpu.vector_store %arg8[%swap3A, %swap3A_172], %mul3A_167 {strides = array<i32>} : memref<500x64xf32, #tpu.memory_space<vmem>>, vector<16xf32>,
      %mul3A_174 = arith.mulf %get3A_166, %get3A_19 : vector<16xf32>
      %mul3A_175 = arith.constant 4 : i32
      %mul3A_176 = arith.muli %scan3A_162, %mul3A_175 : i32
      %add3A_177 = arith.constant 1 : i32
      %add3A_178 = arith.addi %mul3A_176, %add3A_177 : i32
      %swap3A_179 = arith.index_cast %add3A_178 : i32 to index
      %swap3A_180 = arith.constant 0 : index
      %swap3A_181 = tpu.vector_load %arg8[%swap3A_179, %swap3A_180] {strides = array<i32>} : memref<500x64xf32, #tpu.memory_space<vmem>>, vector<16xf32>,
      tpu.vector_store %arg8[%swap3A_179, %swap3A_180], %mul3A_174 {strides = array<i32>} : memref<500x64xf32, #tpu.memory_space<vmem>>, vector<16xf32>,
      %mul3A_182 = arith.mulf %get3A_166, %get3A_35 : vector<16xf32>
      %mul3A_183 = arith.constant 4 : i32
      %mul3A_184 = arith.muli %scan3A_162, %mul3A_183 : i32
      %add3A_185 = arith.constant 2 : i32
      %add3A_186 = arith.addi %mul3A_184, %add3A_185 : i32
      %swap3A_187 = arith.index_cast %add3A_186 : i32 to index
      %swap3A_188 = arith.constant 0 : index
      %swap3A_189 = tpu.vector_load %arg8[%swap3A_187, %swap3A_188] {strides = array<i32>} : memref<500x64xf32, #tpu.memory_space<vmem>>, vector<16xf32>,
      tpu.vector_store %arg8[%swap3A_187, %swap3A_188], %mul3A_182 {strides = array<i32>} : memref<500x64xf32, #tpu.memory_space<vmem>>, vector<16xf32>,
      %mul3A_190 = arith.mulf %get3A_166, %get3A_51 : vector<16xf32>
      %mul3A_191 = arith.constant 4 : i32
      %mul3A_192 = arith.muli %scan3A_162, %mul3A_191 : i32
      %add3A_193 = arith.constant 3 : i32
      %add3A_194 = arith.addi %mul3A_192, %add3A_193 : i32
      %swap3A_195 = arith.index_cast %add3A_194 : i32 to index
      %swap3A_196 = arith.constant 0 : index
      %swap3A_197 = tpu.vector_load %arg8[%swap3A_195, %swap3A_196] {strides = array<i32>} : memref<500x64xf32, #tpu.memory_space<vmem>>, vector<16xf32>,
      tpu.vector_store %arg8[%swap3A_195, %swap3A_196], %mul3A_190 {strides = array<i32>} : memref<500x64xf32, #tpu.memory_space<vmem>>, vector<16xf32>,
      %get3A_198 = arith.index_cast %scan3A_162 : i32 to index
      %get3A_199 = arith.constant 16 : index
      %get3A_200 = tpu.vector_load %arg6[%get3A_198, %get3A_199] {strides = array<i32>} : memref<125x64xf32, #tpu.memory_space<vmem>>, vector<16xf32>,
      %mul3A_201 = arith.mulf %get3A_200, %get3A_7 : vector<16xf32>
      %mul3A_202 = arith.constant 4 : i32
      %mul3A_203 = arith.muli %scan3A_162, %mul3A_202 : i32
      %add3A_204 = arith.constant 0 : i32
      %add3A_205 = arith.addi %mul3A_203, %add3A_204 : i32
      %swap3A_206 = arith.index_cast %add3A_205 : i32 to index
      %swap3A_207 = arith.constant 16 : index
      %swap3A_208 = tpu.vector_load %arg8[%swap3A_206, %swap3A_207] {strides = array<i32>} : memref<500x64xf32, #tpu.memory_space<vmem>>, vector<16xf32>,
      tpu.vector_store %arg8[%swap3A_206, %swap3A_207], %mul3A_201 {strides = array<i32>} : memref<500x64xf32, #tpu.memory_space<vmem>>, vector<16xf32>,
      %mul3A_209 = arith.mulf %get3A_200, %get3A_23 : vector<16xf32>
      %mul3A_210 = arith.constant 4 : i32
      %mul3A_211 = arith.muli %scan3A_162, %mul3A_210 : i32
      %add3A_212 = arith.constant 1 : i32
      %add3A_213 = arith.addi %mul3A_211, %add3A_212 : i32
      %swap3A_214 = arith.index_cast %add3A_213 : i32 to index
      %swap3A_215 = arith.constant 16 : index
      %swap3A_216 = tpu.vector_load %arg8[%swap3A_214, %swap3A_215] {strides = array<i32>} : memref<500x64xf32, #tpu.memory_space<vmem>>, vector<16xf32>,
      tpu.vector_store %arg8[%swap3A_214, %swap3A_215], %mul3A_209 {strides = array<i32>} : memref<500x64xf32, #tpu.memory_space<vmem>>, vector<16xf32>,
      %mul3A_217 = arith.mulf %get3A_200, %get3A_39 : vector<16xf32>
      %mul3A_218 = arith.constant 4 : i32
      %mul3A_219 = arith.muli %scan3A_162, %mul3A_218 : i32
      %add3A_220 = arith.constant 2 : i32
      %add3A_221 = arith.addi %mul3A_219, %add3A_220 : i32
      %swap3A_222 = arith.index_cast %add3A_221 : i32 to index
      %swap3A_223 = arith.constant 16 : index
      %swap3A_224 = tpu.vector_load %arg8[%swap3A_222, %swap3A_223] {strides = array<i32>} : memref<500x64xf32, #tpu.memory_space<vmem>>, vector<16xf32>,
      tpu.vector_store %arg8[%swap3A_222, %swap3A_223], %mul3A_217 {strides = array<i32>} : memref<500x64xf32, #tpu.memory_space<vmem>>, vector<16xf32>,
      %mul3A_225 = arith.mulf %get3A_200, %get3A_55 : vector<16xf32>
      %mul3A_226 = arith.constant 4 : i32
      %mul3A_227 = arith.muli %scan3A_162, %mul3A_226 : i32
      %add3A_228 = arith.constant 3 : i32
      %add3A_229 = arith.addi %mul3A_227, %add3A_228 : i32
      %swap3A_230 = arith.index_cast %add3A_229 : i32 to index
      %swap3A_231 = arith.constant 16 : index
      %swap3A_232 = tpu.vector_load %arg8[%swap3A_230, %swap3A_231] {strides = array<i32>} : memref<500x64xf32, #tpu.memory_space<vmem>>, vector<16xf32>,
      tpu.vector_store %arg8[%swap3A_230, %swap3A_231], %mul3A_225 {strides = array<i32>} : memref<500x64xf32, #tpu.memory_space<vmem>>, vector<16xf32>,
      %get3A_233 = arith.index_cast %scan3A_162 : i32 to index
      %get3A_234 = arith.constant 32 : index
      %get3A_235 = tpu.vector_load %arg6[%get3A_233, %get3A_234] {strides = array<i32>} : memref<125x64xf32, #tpu.memory_space<vmem>>, vector<16xf32>,
      %mul3A_236 = arith.mulf %get3A_235, %get3A_11 : vector<16xf32>
      %mul3A_237 = arith.constant 4 : i32
      %mul3A_238 = arith.muli %scan3A_162, %mul3A_237 : i32
      %add3A_239 = arith.constant 0 : i32
      %add3A_240 = arith.addi %mul3A_238, %add3A_239 : i32
      %swap3A_241 = arith.index_cast %add3A_240 : i32 to index
      %swap3A_242 = arith.constant 32 : index
      %swap3A_243 = tpu.vector_load %arg8[%swap3A_241, %swap3A_242] {strides = array<i32>} : memref<500x64xf32, #tpu.memory_space<vmem>>, vector<16xf32>,
      tpu.vector_store %arg8[%swap3A_241, %swap3A_242], %mul3A_236 {strides = array<i32>} : memref<500x64xf32, #tpu.memory_space<vmem>>, vector<16xf32>,
      %mul3A_244 = arith.mulf %get3A_235, %get3A_27 : vector<16xf32>
      %mul3A_245 = arith.constant 4 : i32
      %mul3A_246 = arith.muli %scan3A_162, %mul3A_245 : i32
      %add3A_247 = arith.constant 1 : i32
      %add3A_248 = arith.addi %mul3A_246, %add3A_247 : i32
      %swap3A_249 = arith.index_cast %add3A_248 : i32 to index
      %swap3A_250 = arith.constant 32 : index
      %swap3A_251 = tpu.vector_load %arg8[%swap3A_249, %swap3A_250] {strides = array<i32>} : memref<500x64xf32, #tpu.memory_space<vmem>>, vector<16xf32>,
      tpu.vector_store %arg8[%swap3A_249, %swap3A_250], %mul3A_244 {strides = array<i32>} : memref<500x64xf32, #tpu.memory_space<vmem>>, vector<16xf32>,
      %mul3A_252 = arith.mulf %get3A_235, %get3A_43 : vector<16xf32>
      %mul3A_253 = arith.constant 4 : i32
      %mul3A_254 = arith.muli %scan3A_162, %mul3A_253 : i32
      %add3A_255 = arith.constant 2 : i32
      %add3A_256 = arith.addi %mul3A_254, %add3A_255 : i32
      %swap3A_257 = arith.index_cast %add3A_256 : i32 to index
      %swap3A_258 = arith.constant 32 : index
      %swap3A_259 = tpu.vector_load %arg8[%swap3A_257, %swap3A_258] {strides = array<i32>} : memref<500x64xf32, #tpu.memory_space<vmem>>, vector<16xf32>,
      tpu.vector_store %arg8[%swap3A_257, %swap3A_258], %mul3A_252 {strides = array<i32>} : memref<500x64xf32, #tpu.memory_space<vmem>>, vector<16xf32>,
      %mul3A_260 = arith.mulf %get3A_235, %get3A_59 : vector<16xf32>
      %mul3A_261 = arith.constant 4 : i32
      %mul3A_262 = arith.muli %scan3A_162, %mul3A_261 : i32
      %add3A_263 = arith.constant 3 : i32
      %add3A_264 = arith.addi %mul3A_262, %add3A_263 : i32
      %swap3A_265 = arith.index_cast %add3A_264 : i32 to index
      %swap3A_266 = arith.constant 32 : index
      %swap3A_267 = tpu.vector_load %arg8[%swap3A_265, %swap3A_266] {strides = array<i32>} : memref<500x64xf32, #tpu.memory_space<vmem>>, vector<16xf32>,
      tpu.vector_store %arg8[%swap3A_265, %swap3A_266], %mul3A_260 {strides = array<i32>} : memref<500x64xf32, #tpu.memory_space<vmem>>, vector<16xf32>,
      %get3A_268 = arith.index_cast %scan3A_162 : i32 to index
      %get3A_269 = arith.constant 48 : index
      %get3A_270 = tpu.vector_load %arg6[%get3A_268, %get3A_269] {strides = array<i32>} : memref<125x64xf32, #tpu.memory_space<vmem>>, vector<16xf32>,
      %mul3A_271 = arith.mulf %get3A_270, %get3A_15 : vector<16xf32>
      %mul3A_272 = arith.constant 4 : i32
      %mul3A_273 = arith.muli %scan3A_162, %mul3A_272 : i32
      %add3A_274 = arith.constant 0 : i32
      %add3A_275 = arith.addi %mul3A_273, %add3A_274 : i32
      %swap3A_276 = arith.index_cast %add3A_275 : i32 to index
      %swap3A_277 = arith.constant 48 : index
      %swap3A_278 = tpu.vector_load %arg8[%swap3A_276, %swap3A_277] {strides = array<i32>} : memref<500x64xf32, #tpu.memory_space<vmem>>, vector<16xf32>,
      tpu.vector_store %arg8[%swap3A_276, %swap3A_277], %mul3A_271 {strides = array<i32>} : memref<500x64xf32, #tpu.memory_space<vmem>>, vector<16xf32>,
      %mul3A_279 = arith.mulf %get3A_270, %get3A_31 : vector<16xf32>
      %mul3A_280 = arith.constant 4 : i32
      %mul3A_281 = arith.muli %scan3A_162, %mul3A_280 : i32
      %add3A_282 = arith.constant 1 : i32
      %add3A_283 = arith.addi %mul3A_281, %add3A_282 : i32
      %swap3A_284 = arith.index_cast %add3A_283 : i32 to index
      %swap3A_285 = arith.constant 48 : index
      %swap3A_286 = tpu.vector_load %arg8[%swap3A_284, %swap3A_285] {strides = array<i32>} : memref<500x64xf32, #tpu.memory_space<vmem>>, vector<16xf32>,
      tpu.vector_store %arg8[%swap3A_284, %swap3A_285], %mul3A_279 {strides = array<i32>} : memref<500x64xf32, #tpu.memory_space<vmem>>, vector<16xf32>,
      %mul3A_287 = arith.mulf %get3A_270, %get3A_47 : vector<16xf32>
      %mul3A_288 = arith.constant 4 : i32
      %mul3A_289 = arith.muli %scan3A_162, %mul3A_288 : i32
      %add3A_290 = arith.constant 2 : i32
      %add3A_291 = arith.addi %mul3A_289, %add3A_290 : i32
      %swap3A_292 = arith.index_cast %add3A_291 : i32 to index
      %swap3A_293 = arith.constant 48 : index
      %swap3A_294 = tpu.vector_load %arg8[%swap3A_292, %swap3A_293] {strides = array<i32>} : memref<500x64xf32, #tpu.memory_space<vmem>>, vector<16xf32>,
      tpu.vector_store %arg8[%swap3A_292, %swap3A_293], %mul3A_287 {strides = array<i32>} : memref<500x64xf32, #tpu.memory_space<vmem>>, vector<16xf32>,
      %mul3A_295 = arith.mulf %get3A_270, %get3A_63 : vector<16xf32>
      %mul3A_296 = arith.constant 4 : i32
      %mul3A_297 = arith.muli %scan3A_162, %mul3A_296 : i32
      %add3A_298 = arith.constant 3 : i32
      %add3A_299 = arith.addi %mul3A_297, %add3A_298 : i32
      %swap3A_300 = arith.index_cast %add3A_299 : i32 to index
      %swap3A_301 = arith.constant 48 : index
      %swap3A_302 = tpu.vector_load %arg8[%swap3A_300, %swap3A_301] {strides = array<i32>} : memref<500x64xf32, #tpu.memory_space<vmem>>, vector<16xf32>,
      tpu.vector_store %arg8[%swap3A_300, %swap3A_301], %mul3A_295 {strides = array<i32>} : memref<500x64xf32, #tpu.memory_space<vmem>>, vector<16xf32>,
      %scan3A_303 = arith.constant 0 : i32
      scf.yield %scan3A_303 : i32
    }
    %scan3A_125 = arith.constant 125 : i32
    %add3A_126 = arith.constant 32 : i32
    %add3A_127 = arith.addi %add3A, %add3A_126 : i32
    %min3A_128 = arith.constant 1999 : i32
    %min3A_129 = arith.minsi %add3A_127, %min3A_128 : i32
    %mul3A_130 = arith.constant 500 : i32
    %mul3A_131 = arith.muli %min3A_129, %mul3A_130 : i32
    %dma_start3A_132 = arith.constant 0 : i32
    %dma_start3A_133 = tpu.memref_slice %arg4[%mul3A_131, %dma_start3A_132] : memref<1000000x64xf32, #tpu.memory_space<hbm>> -> memref<500x64xf32, #tpu.memory_space<hbm>>
    %dma_start3A_134 = arith.constant 0 : i32
    %dma_start3A_135 = tpu.memref_slice %arg4[%mul3A_131, %dma_start3A_134] : memref<1000000x64xf32, #tpu.memory_space<hbm>> -> memref<500x64xf32, #tpu.memory_space<hbm>>
    tpu.enqueue_dma source(%arg8 : memref<500x64xf32, #tpu.memory_space<vmem>>) target(%dma_start3A_135 : memref<500x64xf32, #tpu.memory_space<hbm>>) target_semaphore(%arg13 : memref<!tpu.dma_semaphore, #tpu.memory_space<semaphore_mem>>)
    %scan3A_136 = arith.constant 0 : i32
    %scan3A_137 = arith.constant 1 : i32
    %scan3A_138 = arith.constant 30 : i32
    %scan3A_139 = arith.addi %scan3A_137, %scan3A_138 : i32
    %scan3A_140 = arith.constant 1 : i32
    scf.for %scan3A_162 = %scan3A_137 to %scan3A_139 step %scan3A_140  : i32 {
      %mul3A_163 = arith.constant 2 : i32
      %mul3A_164 = arith.muli %mul3A_163, %scan3A_162 : i32
      %add3A_165 = arith.constant 1 : i32
      %add3A_166 = arith.addi %mul3A_164, %add3A_165 : i32
      %mul3A_167 = arith.constant 32 : i32
      %mul3A_168 = arith.muli %mul3A_167, %add3A_166 : i32
      %add3A_169 = arith.addi %add3A, %mul3A_168 : i32
      %min3A_170 = arith.constant 1999 : i32
      %min3A_171 = arith.minsi %add3A_169, %min3A_170 : i32
      %mul3A_172 = arith.constant 125 : i32
      %mul3A_173 = arith.muli %min3A_171, %mul3A_172 : i32
      %dma_start3A_174 = arith.constant 0 : i32
      %dma_start3A_175 = tpu.memref_slice %arg2[%mul3A_173, %dma_start3A_174] : memref<250000x64xf32, #tpu.memory_space<hbm>> -> memref<125x64xf32, #tpu.memory_space<hbm>>
      %dma_start3A_176 = arith.constant 0 : i32
      %dma_start3A_177 = tpu.memref_slice %arg2[%mul3A_173, %dma_start3A_176] : memref<250000x64xf32, #tpu.memory_space<hbm>> -> memref<125x64xf32, #tpu.memory_space<hbm>>
      tpu.enqueue_dma source(%dma_start3A_177 : memref<125x64xf32, #tpu.memory_space<hbm>>) target(%arg6 : memref<125x64xf32, #tpu.memory_space<vmem>>) target_semaphore(%arg11 : memref<!tpu.dma_semaphore, #tpu.memory_space<semaphore_mem>>)
      %dma_wait3A_178 = arith.constant 0 : i32
      %dma_wait3A_179 = arith.constant 0 : i32
      %dma_wait3A_180 = tpu.memref_slice %arg4[%dma_wait3A_178, %dma_wait3A_179] : memref<1000000x64xf32, #tpu.memory_space<hbm>> -> memref<500x64xf32, #tpu.memory_space<hbm>>
      %dma_wait3A_181 = arith.constant 0 : i32
      %dma_wait3A_182 = arith.constant 0 : i32
      %dma_wait3A_183 = tpu.memref_slice %arg4[%dma_wait3A_181, %dma_wait3A_182] : memref<1000000x64xf32, #tpu.memory_space<hbm>> -> memref<500x64xf32, #tpu.memory_space<hbm>>
      tpu.wait_dma2 semaphore(%arg12 : memref<!tpu.dma_semaphore, #tpu.memory_space<semaphore_mem>>) src(%arg7 : memref<500x64xf32, #tpu.memory_space<vmem>>) dst(%dma_wait3A_183 : memref<500x64xf32, #tpu.memory_space<hbm>>)
      %dma_wait3A_184 = arith.constant 0 : i32
      %dma_wait3A_185 = arith.constant 0 : i32
      %dma_wait3A_186 = tpu.memref_slice %arg2[%dma_wait3A_184, %dma_wait3A_185] : memref<250000x64xf32, #tpu.memory_space<hbm>> -> memref<125x64xf32, #tpu.memory_space<hbm>>
      %dma_wait3A_187 = arith.constant 0 : i32
      %dma_wait3A_188 = arith.constant 0 : i32
      %dma_wait3A_189 = tpu.memref_slice %arg2[%dma_wait3A_187, %dma_wait3A_188] : memref<250000x64xf32, #tpu.memory_space<hbm>> -> memref<125x64xf32, #tpu.memory_space<hbm>>
      tpu.wait_dma2 semaphore(%arg10 : memref<!tpu.dma_semaphore, #tpu.memory_space<semaphore_mem>>) src(%dma_wait3A_189 : memref<125x64xf32, #tpu.memory_space<hbm>>) dst(%arg5 : memref<125x64xf32, #tpu.memory_space<vmem>>)
      %scan3A_190 = arith.constant 0 : i32
      %scan3A_191 = arith.constant 0 : i32
      %scan3A_192 = arith.constant 125 : i32
      %scan3A_193 = arith.addi %scan3A_191, %scan3A_192 : i32
      %scan3A_194 = arith.constant 1 : i32
      %scan3A_195 = scf.for %scan3A_253 = %scan3A_191 to %scan3A_193 step %scan3A_194 iter_args(%scan3A_254 = %scan3A_190) -> (i32)  : i32 {
        %get3A_255 = arith.index_cast %scan3A_253 : i32 to index
        %get3A_256 = arith.constant 0 : index
        %get3A_257 = tpu.vector_load %arg5[%get3A_255, %get3A_256] {strides = array<i32>} : memref<125x64xf32, #tpu.memory_space<vmem>>, vector<16xf32>,
        %mul3A_258 = arith.mulf %get3A_257, %get3A_3 : vector<16xf32>
        %mul3A_259 = arith.constant 4 : i32
        %mul3A_260 = arith.muli %scan3A_253, %mul3A_259 : i32
        %add3A_261 = arith.constant 0 : i32
        %add3A_262 = arith.addi %mul3A_260, %add3A_261 : i32
        %swap3A = arith.index_cast %add3A_262 : i32 to index
        %swap3A_263 = arith.constant 0 : index
        %swap3A_264 = tpu.vector_load %arg7[%swap3A, %swap3A_263] {strides = array<i32>} : memref<500x64xf32, #tpu.memory_space<vmem>>, vector<16xf32>,
        tpu.vector_store %arg7[%swap3A, %swap3A_263], %mul3A_258 {strides = array<i32>} : memref<500x64xf32, #tpu.memory_space<vmem>>, vector<16xf32>,
        %mul3A_265 = arith.mulf %get3A_257, %get3A_19 : vector<16xf32>
        %mul3A_266 = arith.constant 4 : i32
        %mul3A_267 = arith.muli %scan3A_253, %mul3A_266 : i32
        %add3A_268 = arith.constant 1 : i32
        %add3A_269 = arith.addi %mul3A_267, %add3A_268 : i32
        %swap3A_270 = arith.index_cast %add3A_269 : i32 to index
        %swap3A_271 = arith.constant 0 : index
        %swap3A_272 = tpu.vector_load %arg7[%swap3A_270, %swap3A_271] {strides = array<i32>} : memref<500x64xf32, #tpu.memory_space<vmem>>, vector<16xf32>,
        tpu.vector_store %arg7[%swap3A_270, %swap3A_271], %mul3A_265 {strides = array<i32>} : memref<500x64xf32, #tpu.memory_space<vmem>>, vector<16xf32>,
        %mul3A_273 = arith.mulf %get3A_257, %get3A_35 : vector<16xf32>
        %mul3A_274 = arith.constant 4 : i32
        %mul3A_275 = arith.muli %scan3A_253, %mul3A_274 : i32
        %add3A_276 = arith.constant 2 : i32
        %add3A_277 = arith.addi %mul3A_275, %add3A_276 : i32
        %swap3A_278 = arith.index_cast %add3A_277 : i32 to index
        %swap3A_279 = arith.constant 0 : index
        %swap3A_280 = tpu.vector_load %arg7[%swap3A_278, %swap3A_279] {strides = array<i32>} : memref<500x64xf32, #tpu.memory_space<vmem>>, vector<16xf32>,
        tpu.vector_store %arg7[%swap3A_278, %swap3A_279], %mul3A_273 {strides = array<i32>} : memref<500x64xf32, #tpu.memory_space<vmem>>, vector<16xf32>,
        %mul3A_281 = arith.mulf %get3A_257, %get3A_51 : vector<16xf32>
        %mul3A_282 = arith.constant 4 : i32
        %mul3A_283 = arith.muli %scan3A_253, %mul3A_282 : i32
        %add3A_284 = arith.constant 3 : i32
        %add3A_285 = arith.addi %mul3A_283, %add3A_284 : i32
        %swap3A_286 = arith.index_cast %add3A_285 : i32 to index
        %swap3A_287 = arith.constant 0 : index
        %swap3A_288 = tpu.vector_load %arg7[%swap3A_286, %swap3A_287] {strides = array<i32>} : memref<500x64xf32, #tpu.memory_space<vmem>>, vector<16xf32>,
        tpu.vector_store %arg7[%swap3A_286, %swap3A_287], %mul3A_281 {strides = array<i32>} : memref<500x64xf32, #tpu.memory_space<vmem>>, vector<16xf32>,
        %get3A_289 = arith.index_cast %scan3A_253 : i32 to index
        %get3A_290 = arith.constant 16 : index
        %get3A_291 = tpu.vector_load %arg5[%get3A_289, %get3A_290] {strides = array<i32>} : memref<125x64xf32, #tpu.memory_space<vmem>>, vector<16xf32>,
        %mul3A_292 = arith.mulf %get3A_291, %get3A_7 : vector<16xf32>
        %mul3A_293 = arith.constant 4 : i32
        %mul3A_294 = arith.muli %scan3A_253, %mul3A_293 : i32
        %add3A_295 = arith.constant 0 : i32
        %add3A_296 = arith.addi %mul3A_294, %add3A_295 : i32
        %swap3A_297 = arith.index_cast %add3A_296 : i32 to index
        %swap3A_298 = arith.constant 16 : index
        %swap3A_299 = tpu.vector_load %arg7[%swap3A_297, %swap3A_298] {strides = array<i32>} : memref<500x64xf32, #tpu.memory_space<vmem>>, vector<16xf32>,
        tpu.vector_store %arg7[%swap3A_297, %swap3A_298], %mul3A_292 {strides = array<i32>} : memref<500x64xf32, #tpu.memory_space<vmem>>, vector<16xf32>,
        %mul3A_300 = arith.mulf %get3A_291, %get3A_23 : vector<16xf32>
        %mul3A_301 = arith.constant 4 : i32
        %mul3A_302 = arith.muli %scan3A_253, %mul3A_301 : i32
        %add3A_303 = arith.constant 1 : i32
        %add3A_304 = arith.addi %mul3A_302, %add3A_303 : i32
        %swap3A_305 = arith.index_cast %add3A_304 : i32 to index
        %swap3A_306 = arith.constant 16 : index
        %swap3A_307 = tpu.vector_load %arg7[%swap3A_305, %swap3A_306] {strides = array<i32>} : memref<500x64xf32, #tpu.memory_space<vmem>>, vector<16xf32>,
        tpu.vector_store %arg7[%swap3A_305, %swap3A_306], %mul3A_300 {strides = array<i32>} : memref<500x64xf32, #tpu.memory_space<vmem>>, vector<16xf32>,
        %mul3A_308 = arith.mulf %get3A_291, %get3A_39 : vector<16xf32>
        %mul3A_309 = arith.constant 4 : i32
        %mul3A_310 = arith.muli %scan3A_253, %mul3A_309 : i32
        %add3A_311 = arith.constant 2 : i32
        %add3A_312 = arith.addi %mul3A_310, %add3A_311 : i32
        %swap3A_313 = arith.index_cast %add3A_312 : i32 to index
        %swap3A_314 = arith.constant 16 : index
        %swap3A_315 = tpu.vector_load %arg7[%swap3A_313, %swap3A_314] {strides = array<i32>} : memref<500x64xf32, #tpu.memory_space<vmem>>, vector<16xf32>,
        tpu.vector_store %arg7[%swap3A_313, %swap3A_314], %mul3A_308 {strides = array<i32>} : memref<500x64xf32, #tpu.memory_space<vmem>>, vector<16xf32>,
        %mul3A_316 = arith.mulf %get3A_291, %get3A_55 : vector<16xf32>
        %mul3A_317 = arith.constant 4 : i32
        %mul3A_318 = arith.muli %scan3A_253, %mul3A_317 : i32
        %add3A_319 = arith.constant 3 : i32
        %add3A_320 = arith.addi %mul3A_318, %add3A_319 : i32
        %swap3A_321 = arith.index_cast %add3A_320 : i32 to index
        %swap3A_322 = arith.constant 16 : index
        %swap3A_323 = tpu.vector_load %arg7[%swap3A_321, %swap3A_322] {strides = array<i32>} : memref<500x64xf32, #tpu.memory_space<vmem>>, vector<16xf32>,
        tpu.vector_store %arg7[%swap3A_321, %swap3A_322], %mul3A_316 {strides = array<i32>} : memref<500x64xf32, #tpu.memory_space<vmem>>, vector<16xf32>,
        %get3A_324 = arith.index_cast %scan3A_253 : i32 to index
        %get3A_325 = arith.constant 32 : index
        %get3A_326 = tpu.vector_load %arg5[%get3A_324, %get3A_325] {strides = array<i32>} : memref<125x64xf32, #tpu.memory_space<vmem>>, vector<16xf32>,
        %mul3A_327 = arith.mulf %get3A_326, %get3A_11 : vector<16xf32>
        %mul3A_328 = arith.constant 4 : i32
        %mul3A_329 = arith.muli %scan3A_253, %mul3A_328 : i32
        %add3A_330 = arith.constant 0 : i32
        %add3A_331 = arith.addi %mul3A_329, %add3A_330 : i32
        %swap3A_332 = arith.index_cast %add3A_331 : i32 to index
        %swap3A_333 = arith.constant 32 : index
        %swap3A_334 = tpu.vector_load %arg7[%swap3A_332, %swap3A_333] {strides = array<i32>} : memref<500x64xf32, #tpu.memory_space<vmem>>, vector<16xf32>,
        tpu.vector_store %arg7[%swap3A_332, %swap3A_333], %mul3A_327 {strides = array<i32>} : memref<500x64xf32, #tpu.memory_space<vmem>>, vector<16xf32>,
        %mul3A_335 = arith.mulf %get3A_326, %get3A_27 : vector<16xf32>
        %mul3A_336 = arith.constant 4 : i32
        %mul3A_337 = arith.muli %scan3A_253, %mul3A_336 : i32
        %add3A_338 = arith.constant 1 : i32
        %add3A_339 = arith.addi %mul3A_337, %add3A_338 : i32
        %swap3A_340 = arith.index_cast %add3A_339 : i32 to index
        %swap3A_341 = arith.constant 32 : index
        %swap3A_342 = tpu.vector_load %arg7[%swap3A_340, %swap3A_341] {strides = array<i32>} : memref<500x64xf32, #tpu.memory_space<vmem>>, vector<16xf32>,
        tpu.vector_store %arg7[%swap3A_340, %swap3A_341], %mul3A_335 {strides = array<i32>} : memref<500x64xf32, #tpu.memory_space<vmem>>, vector<16xf32>,
        %mul3A_343 = arith.mulf %get3A_326, %get3A_43 : vector<16xf32>
        %mul3A_344 = arith.constant 4 : i32
        %mul3A_345 = arith.muli %scan3A_253, %mul3A_344 : i32
        %add3A_346 = arith.constant 2 : i32
        %add3A_347 = arith.addi %mul3A_345, %add3A_346 : i32
        %swap3A_348 = arith.index_cast %add3A_347 : i32 to index
        %swap3A_349 = arith.constant 32 : index
        %swap3A_350 = tpu.vector_load %arg7[%swap3A_348, %swap3A_349] {strides = array<i32>} : memref<500x64xf32, #tpu.memory_space<vmem>>, vector<16xf32>,
        tpu.vector_store %arg7[%swap3A_348, %swap3A_349], %mul3A_343 {strides = array<i32>} : memref<500x64xf32, #tpu.memory_space<vmem>>, vector<16xf32>,
        %mul3A_351 = arith.mulf %get3A_326, %get3A_59 : vector<16xf32>
        %mul3A_352 = arith.constant 4 : i32
        %mul3A_353 = arith.muli %scan3A_253, %mul3A_352 : i32
        %add3A_354 = arith.constant 3 : i32
        %add3A_355 = arith.addi %mul3A_353, %add3A_354 : i32
        %swap3A_356 = arith.index_cast %add3A_355 : i32 to index
        %swap3A_357 = arith.constant 32 : index
        %swap3A_358 = tpu.vector_load %arg7[%swap3A_356, %swap3A_357] {strides = array<i32>} : memref<500x64xf32, #tpu.memory_space<vmem>>, vector<16xf32>,
        tpu.vector_store %arg7[%swap3A_356, %swap3A_357], %mul3A_351 {strides = array<i32>} : memref<500x64xf32, #tpu.memory_space<vmem>>, vector<16xf32>,
        %get3A_359 = arith.index_cast %scan3A_253 : i32 to index
        %get3A_360 = arith.constant 48 : index
        %get3A_361 = tpu.vector_load %arg5[%get3A_359, %get3A_360] {strides = array<i32>} : memref<125x64xf32, #tpu.memory_space<vmem>>, vector<16xf32>,
        %mul3A_362 = arith.mulf %get3A_361, %get3A_15 : vector<16xf32>
        %mul3A_363 = arith.constant 4 : i32
        %mul3A_364 = arith.muli %scan3A_253, %mul3A_363 : i32
        %add3A_365 = arith.constant 0 : i32
        %add3A_366 = arith.addi %mul3A_364, %add3A_365 : i32
        %swap3A_367 = arith.index_cast %add3A_366 : i32 to index
        %swap3A_368 = arith.constant 48 : index
        %swap3A_369 = tpu.vector_load %arg7[%swap3A_367, %swap3A_368] {strides = array<i32>} : memref<500x64xf32, #tpu.memory_space<vmem>>, vector<16xf32>,
        tpu.vector_store %arg7[%swap3A_367, %swap3A_368], %mul3A_362 {strides = array<i32>} : memref<500x64xf32, #tpu.memory_space<vmem>>, vector<16xf32>,
        %mul3A_370 = arith.mulf %get3A_361, %get3A_31 : vector<16xf32>
        %mul3A_371 = arith.constant 4 : i32
        %mul3A_372 = arith.muli %scan3A_253, %mul3A_371 : i32
        %add3A_373 = arith.constant 1 : i32
        %add3A_374 = arith.addi %mul3A_372, %add3A_373 : i32
        %swap3A_375 = arith.index_cast %add3A_374 : i32 to index
        %swap3A_376 = arith.constant 48 : index
        %swap3A_377 = tpu.vector_load %arg7[%swap3A_375, %swap3A_376] {strides = array<i32>} : memref<500x64xf32, #tpu.memory_space<vmem>>, vector<16xf32>,
        tpu.vector_store %arg7[%swap3A_375, %swap3A_376], %mul3A_370 {strides = array<i32>} : memref<500x64xf32, #tpu.memory_space<vmem>>, vector<16xf32>,
        %mul3A_378 = arith.mulf %get3A_361, %get3A_47 : vector<16xf32>
        %mul3A_379 = arith.constant 4 : i32
        %mul3A_380 = arith.muli %scan3A_253, %mul3A_379 : i32
        %add3A_381 = arith.constant 2 : i32
        %add3A_382 = arith.addi %mul3A_380, %add3A_381 : i32
        %swap3A_383 = arith.index_cast %add3A_382 : i32 to index
        %swap3A_384 = arith.constant 48 : index
        %swap3A_385 = tpu.vector_load %arg7[%swap3A_383, %swap3A_384] {strides = array<i32>} : memref<500x64xf32, #tpu.memory_space<vmem>>, vector<16xf32>,
        tpu.vector_store %arg7[%swap3A_383, %swap3A_384], %mul3A_378 {strides = array<i32>} : memref<500x64xf32, #tpu.memory_space<vmem>>, vector<16xf32>,
        %mul3A_386 = arith.mulf %get3A_361, %get3A_63 : vector<16xf32>
        %mul3A_387 = arith.constant 4 : i32
        %mul3A_388 = arith.muli %scan3A_253, %mul3A_387 : i32
        %add3A_389 = arith.constant 3 : i32
        %add3A_390 = arith.addi %mul3A_388, %add3A_389 : i32
        %swap3A_391 = arith.index_cast %add3A_390 : i32 to index
        %swap3A_392 = arith.constant 48 : index
        %swap3A_393 = tpu.vector_load %arg7[%swap3A_391, %swap3A_392] {strides = array<i32>} : memref<500x64xf32, #tpu.memory_space<vmem>>, vector<16xf32>,
        tpu.vector_store %arg7[%swap3A_391, %swap3A_392], %mul3A_386 {strides = array<i32>} : memref<500x64xf32, #tpu.memory_space<vmem>>, vector<16xf32>,
        %scan3A_394 = arith.constant 0 : i32
        scf.yield %scan3A_394 : i32
      }
      %scan3A_196 = arith.constant 125 : i32
      %mul3A_197 = arith.constant 32 : i32
      %mul3A_198 = arith.muli %mul3A_197, %mul3A_164 : i32
      %add3A_199 = arith.addi %add3A, %mul3A_198 : i32
      %min3A_200 = arith.constant 1999 : i32
      %min3A_201 = arith.minsi %add3A_199, %min3A_200 : i32
      %mul3A_202 = arith.constant 500 : i32
      %mul3A_203 = arith.muli %min3A_201, %mul3A_202 : i32
      %dma_start3A_204 = arith.constant 0 : i32
      %dma_start3A_205 = tpu.memref_slice %arg4[%mul3A_203, %dma_start3A_204] : memref<1000000x64xf32, #tpu.memory_space<hbm>> -> memref<500x64xf32, #tpu.memory_space<hbm>>
      %dma_start3A_206 = arith.constant 0 : i32
      %dma_start3A_207 = tpu.memref_slice %arg4[%mul3A_203, %dma_start3A_206] : memref<1000000x64xf32, #tpu.memory_space<hbm>> -> memref<500x64xf32, #tpu.memory_space<hbm>>
      tpu.enqueue_dma source(%arg7 : memref<500x64xf32, #tpu.memory_space<vmem>>) target(%dma_start3A_207 : memref<500x64xf32, #tpu.memory_space<hbm>>) target_semaphore(%arg12 : memref<!tpu.dma_semaphore, #tpu.memory_space<semaphore_mem>>)
      %add3A_208 = arith.constant 2 : i32
      %add3A_209 = arith.addi %mul3A_164, %add3A_208 : i32
      %mul3A_210 = arith.constant 32 : i32
      %mul3A_211 = arith.muli %mul3A_210, %add3A_209 : i32
      %add3A_212 = arith.addi %add3A, %mul3A_211 : i32
      %min3A_213 = arith.constant 1999 : i32
      %min3A_214 = arith.minsi %add3A_212, %min3A_213 : i32
      %mul3A_215 = arith.constant 125 : i32
      %mul3A_216 = arith.muli %min3A_214, %mul3A_215 : i32
      %dma_start3A_217 = arith.constant 0 : i32
      %dma_start3A_218 = tpu.memref_slice %arg2[%mul3A_216, %dma_start3A_217] : memref<250000x64xf32, #tpu.memory_space<hbm>> -> memref<125x64xf32, #tpu.memory_space<hbm>>
      %dma_start3A_219 = arith.constant 0 : i32
      %dma_start3A_220 = tpu.memref_slice %arg2[%mul3A_216, %dma_start3A_219] : memref<250000x64xf32, #tpu.memory_space<hbm>> -> memref<125x64xf32, #tpu.memory_space<hbm>>
      tpu.enqueue_dma source(%dma_start3A_220 : memref<125x64xf32, #tpu.memory_space<hbm>>) target(%arg5 : memref<125x64xf32, #tpu.memory_space<vmem>>) target_semaphore(%arg10 : memref<!tpu.dma_semaphore, #tpu.memory_space<semaphore_mem>>)
      %dma_wait3A_221 = arith.constant 0 : i32
      %dma_wait3A_222 = arith.constant 0 : i32
      %dma_wait3A_223 = tpu.memref_slice %arg4[%dma_wait3A_221, %dma_wait3A_222] : memref<1000000x64xf32, #tpu.memory_space<hbm>> -> memref<500x64xf32, #tpu.memory_space<hbm>>
      %dma_wait3A_224 = arith.constant 0 : i32
      %dma_wait3A_225 = arith.constant 0 : i32
      %dma_wait3A_226 = tpu.memref_slice %arg4[%dma_wait3A_224, %dma_wait3A_225] : memref<1000000x64xf32, #tpu.memory_space<hbm>> -> memref<500x64xf32, #tpu.memory_space<hbm>>
      tpu.wait_dma2 semaphore(%arg13 : memref<!tpu.dma_semaphore, #tpu.memory_space<semaphore_mem>>) src(%arg8 : memref<500x64xf32, #tpu.memory_space<vmem>>) dst(%dma_wait3A_226 : memref<500x64xf32, #tpu.memory_space<hbm>>)
      %dma_wait3A_227 = arith.constant 0 : i32
      %dma_wait3A_228 = arith.constant 0 : i32
      %dma_wait3A_229 = tpu.memref_slice %arg2[%dma_wait3A_227, %dma_wait3A_228] : memref<250000x64xf32, #tpu.memory_space<hbm>> -> memref<125x64xf32, #tpu.memory_space<hbm>>
      %dma_wait3A_230 = arith.constant 0 : i32
      %dma_wait3A_231 = arith.constant 0 : i32
      %dma_wait3A_232 = tpu.memref_slice %arg2[%dma_wait3A_230, %dma_wait3A_231] : memref<250000x64xf32, #tpu.memory_space<hbm>> -> memref<125x64xf32, #tpu.memory_space<hbm>>
      tpu.wait_dma2 semaphore(%arg11 : memref<!tpu.dma_semaphore, #tpu.memory_space<semaphore_mem>>) src(%dma_wait3A_232 : memref<125x64xf32, #tpu.memory_space<hbm>>) dst(%arg6 : memref<125x64xf32, #tpu.memory_space<vmem>>)
      %scan3A_233 = arith.constant 0 : i32
      %scan3A_234 = arith.constant 0 : i32
      %scan3A_235 = arith.constant 125 : i32
      %scan3A_236 = arith.addi %scan3A_234, %scan3A_235 : i32
      %scan3A_237 = arith.constant 1 : i32
      %scan3A_238 = scf.for %scan3A_253 = %scan3A_234 to %scan3A_236 step %scan3A_237 iter_args(%scan3A_254 = %scan3A_233) -> (i32)  : i32 {
        %get3A_255 = arith.index_cast %scan3A_253 : i32 to index
        %get3A_256 = arith.constant 0 : index
        %get3A_257 = tpu.vector_load %arg6[%get3A_255, %get3A_256] {strides = array<i32>} : memref<125x64xf32, #tpu.memory_space<vmem>>, vector<16xf32>,
        %mul3A_258 = arith.mulf %get3A_257, %get3A_3 : vector<16xf32>
        %mul3A_259 = arith.constant 4 : i32
        %mul3A_260 = arith.muli %scan3A_253, %mul3A_259 : i32
        %add3A_261 = arith.constant 0 : i32
        %add3A_262 = arith.addi %mul3A_260, %add3A_261 : i32
        %swap3A = arith.index_cast %add3A_262 : i32 to index
        %swap3A_263 = arith.constant 0 : index
        %swap3A_264 = tpu.vector_load %arg8[%swap3A, %swap3A_263] {strides = array<i32>} : memref<500x64xf32, #tpu.memory_space<vmem>>, vector<16xf32>,
        tpu.vector_store %arg8[%swap3A, %swap3A_263], %mul3A_258 {strides = array<i32>} : memref<500x64xf32, #tpu.memory_space<vmem>>, vector<16xf32>,
        %mul3A_265 = arith.mulf %get3A_257, %get3A_19 : vector<16xf32>
        %mul3A_266 = arith.constant 4 : i32
        %mul3A_267 = arith.muli %scan3A_253, %mul3A_266 : i32
        %add3A_268 = arith.constant 1 : i32
        %add3A_269 = arith.addi %mul3A_267, %add3A_268 : i32
        %swap3A_270 = arith.index_cast %add3A_269 : i32 to index
        %swap3A_271 = arith.constant 0 : index
        %swap3A_272 = tpu.vector_load %arg8[%swap3A_270, %swap3A_271] {strides = array<i32>} : memref<500x64xf32, #tpu.memory_space<vmem>>, vector<16xf32>,
        tpu.vector_store %arg8[%swap3A_270, %swap3A_271], %mul3A_265 {strides = array<i32>} : memref<500x64xf32, #tpu.memory_space<vmem>>, vector<16xf32>,
        %mul3A_273 = arith.mulf %get3A_257, %get3A_35 : vector<16xf32>
        %mul3A_274 = arith.constant 4 : i32
        %mul3A_275 = arith.muli %scan3A_253, %mul3A_274 : i32
        %add3A_276 = arith.constant 2 : i32
        %add3A_277 = arith.addi %mul3A_275, %add3A_276 : i32
        %swap3A_278 = arith.index_cast %add3A_277 : i32 to index
        %swap3A_279 = arith.constant 0 : index
        %swap3A_280 = tpu.vector_load %arg8[%swap3A_278, %swap3A_279] {strides = array<i32>} : memref<500x64xf32, #tpu.memory_space<vmem>>, vector<16xf32>,
        tpu.vector_store %arg8[%swap3A_278, %swap3A_279], %mul3A_273 {strides = array<i32>} : memref<500x64xf32, #tpu.memory_space<vmem>>, vector<16xf32>,
        %mul3A_281 = arith.mulf %get3A_257, %get3A_51 : vector<16xf32>
        %mul3A_282 = arith.constant 4 : i32
        %mul3A_283 = arith.muli %scan3A_253, %mul3A_282 : i32
        %add3A_284 = arith.constant 3 : i32
        %add3A_285 = arith.addi %mul3A_283, %add3A_284 : i32
        %swap3A_286 = arith.index_cast %add3A_285 : i32 to index
        %swap3A_287 = arith.constant 0 : index
        %swap3A_288 = tpu.vector_load %arg8[%swap3A_286, %swap3A_287] {strides = array<i32>} : memref<500x64xf32, #tpu.memory_space<vmem>>, vector<16xf32>,
        tpu.vector_store %arg8[%swap3A_286, %swap3A_287], %mul3A_281 {strides = array<i32>} : memref<500x64xf32, #tpu.memory_space<vmem>>, vector<16xf32>,
        %get3A_289 = arith.index_cast %scan3A_253 : i32 to index
        %get3A_290 = arith.constant 16 : index
        %get3A_291 = tpu.vector_load %arg6[%get3A_289, %get3A_290] {strides = array<i32>} : memref<125x64xf32, #tpu.memory_space<vmem>>, vector<16xf32>,
        %mul3A_292 = arith.mulf %get3A_291, %get3A_7 : vector<16xf32>
        %mul3A_293 = arith.constant 4 : i32
        %mul3A_294 = arith.muli %scan3A_253, %mul3A_293 : i32
        %add3A_295 = arith.constant 0 : i32
        %add3A_296 = arith.addi %mul3A_294, %add3A_295 : i32
        %swap3A_297 = arith.index_cast %add3A_296 : i32 to index
        %swap3A_298 = arith.constant 16 : index
        %swap3A_299 = tpu.vector_load %arg8[%swap3A_297, %swap3A_298] {strides = array<i32>} : memref<500x64xf32, #tpu.memory_space<vmem>>, vector<16xf32>,
        tpu.vector_store %arg8[%swap3A_297, %swap3A_298], %mul3A_292 {strides = array<i32>} : memref<500x64xf32, #tpu.memory_space<vmem>>, vector<16xf32>,
        %mul3A_300 = arith.mulf %get3A_291, %get3A_23 : vector<16xf32>
        %mul3A_301 = arith.constant 4 : i32
        %mul3A_302 = arith.muli %scan3A_253, %mul3A_301 : i32
        %add3A_303 = arith.constant 1 : i32
        %add3A_304 = arith.addi %mul3A_302, %add3A_303 : i32
        %swap3A_305 = arith.index_cast %add3A_304 : i32 to index
        %swap3A_306 = arith.constant 16 : index
        %swap3A_307 = tpu.vector_load %arg8[%swap3A_305, %swap3A_306] {strides = array<i32>} : memref<500x64xf32, #tpu.memory_space<vmem>>, vector<16xf32>,
        tpu.vector_store %arg8[%swap3A_305, %swap3A_306], %mul3A_300 {strides = array<i32>} : memref<500x64xf32, #tpu.memory_space<vmem>>, vector<16xf32>,
        %mul3A_308 = arith.mulf %get3A_291, %get3A_39 : vector<16xf32>
        %mul3A_309 = arith.constant 4 : i32
        %mul3A_310 = arith.muli %scan3A_253, %mul3A_309 : i32
        %add3A_311 = arith.constant 2 : i32
        %add3A_312 = arith.addi %mul3A_310, %add3A_311 : i32
        %swap3A_313 = arith.index_cast %add3A_312 : i32 to index
        %swap3A_314 = arith.constant 16 : index
        %swap3A_315 = tpu.vector_load %arg8[%swap3A_313, %swap3A_314] {strides = array<i32>} : memref<500x64xf32, #tpu.memory_space<vmem>>, vector<16xf32>,
        tpu.vector_store %arg8[%swap3A_313, %swap3A_314], %mul3A_308 {strides = array<i32>} : memref<500x64xf32, #tpu.memory_space<vmem>>, vector<16xf32>,
        %mul3A_316 = arith.mulf %get3A_291, %get3A_55 : vector<16xf32>
        %mul3A_317 = arith.constant 4 : i32
        %mul3A_318 = arith.muli %scan3A_253, %mul3A_317 : i32
        %add3A_319 = arith.constant 3 : i32
        %add3A_320 = arith.addi %mul3A_318, %add3A_319 : i32
        %swap3A_321 = arith.index_cast %add3A_320 : i32 to index
        %swap3A_322 = arith.constant 16 : index
        %swap3A_323 = tpu.vector_load %arg8[%swap3A_321, %swap3A_322] {strides = array<i32>} : memref<500x64xf32, #tpu.memory_space<vmem>>, vector<16xf32>,
        tpu.vector_store %arg8[%swap3A_321, %swap3A_322], %mul3A_316 {strides = array<i32>} : memref<500x64xf32, #tpu.memory_space<vmem>>, vector<16xf32>,
        %get3A_324 = arith.index_cast %scan3A_253 : i32 to index
        %get3A_325 = arith.constant 32 : index
        %get3A_326 = tpu.vector_load %arg6[%get3A_324, %get3A_325] {strides = array<i32>} : memref<125x64xf32, #tpu.memory_space<vmem>>, vector<16xf32>,
        %mul3A_327 = arith.mulf %get3A_326, %get3A_11 : vector<16xf32>
        %mul3A_328 = arith.constant 4 : i32
        %mul3A_329 = arith.muli %scan3A_253, %mul3A_328 : i32
        %add3A_330 = arith.constant 0 : i32
        %add3A_331 = arith.addi %mul3A_329, %add3A_330 : i32
        %swap3A_332 = arith.index_cast %add3A_331 : i32 to index
        %swap3A_333 = arith.constant 32 : index
        %swap3A_334 = tpu.vector_load %arg8[%swap3A_332, %swap3A_333] {strides = array<i32>} : memref<500x64xf32, #tpu.memory_space<vmem>>, vector<16xf32>,
        tpu.vector_store %arg8[%swap3A_332, %swap3A_333], %mul3A_327 {strides = array<i32>} : memref<500x64xf32, #tpu.memory_space<vmem>>, vector<16xf32>,
        %mul3A_335 = arith.mulf %get3A_326, %get3A_27 : vector<16xf32>
        %mul3A_336 = arith.constant 4 : i32
        %mul3A_337 = arith.muli %scan3A_253, %mul3A_336 : i32
        %add3A_338 = arith.constant 1 : i32
        %add3A_339 = arith.addi %mul3A_337, %add3A_338 : i32
        %swap3A_340 = arith.index_cast %add3A_339 : i32 to index
        %swap3A_341 = arith.constant 32 : index
        %swap3A_342 = tpu.vector_load %arg8[%swap3A_340, %swap3A_341] {strides = array<i32>} : memref<500x64xf32, #tpu.memory_space<vmem>>, vector<16xf32>,
        tpu.vector_store %arg8[%swap3A_340, %swap3A_341], %mul3A_335 {strides = array<i32>} : memref<500x64xf32, #tpu.memory_space<vmem>>, vector<16xf32>,
        %mul3A_343 = arith.mulf %get3A_326, %get3A_43 : vector<16xf32>
        %mul3A_344 = arith.constant 4 : i32
        %mul3A_345 = arith.muli %scan3A_253, %mul3A_344 : i32
        %add3A_346 = arith.constant 2 : i32
        %add3A_347 = arith.addi %mul3A_345, %add3A_346 : i32
        %swap3A_348 = arith.index_cast %add3A_347 : i32 to index
        %swap3A_349 = arith.constant 32 : index
        %swap3A_350 = tpu.vector_load %arg8[%swap3A_348, %swap3A_349] {strides = array<i32>} : memref<500x64xf32, #tpu.memory_space<vmem>>, vector<16xf32>,
        tpu.vector_store %arg8[%swap3A_348, %swap3A_349], %mul3A_343 {strides = array<i32>} : memref<500x64xf32, #tpu.memory_space<vmem>>, vector<16xf32>,
        %mul3A_351 = arith.mulf %get3A_326, %get3A_59 : vector<16xf32>
        %mul3A_352 = arith.constant 4 : i32
        %mul3A_353 = arith.muli %scan3A_253, %mul3A_352 : i32
        %add3A_354 = arith.constant 3 : i32
        %add3A_355 = arith.addi %mul3A_353, %add3A_354 : i32
        %swap3A_356 = arith.index_cast %add3A_355 : i32 to index
        %swap3A_357 = arith.constant 32 : index
        %swap3A_358 = tpu.vector_load %arg8[%swap3A_356, %swap3A_357] {strides = array<i32>} : memref<500x64xf32, #tpu.memory_space<vmem>>, vector<16xf32>,
        tpu.vector_store %arg8[%swap3A_356, %swap3A_357], %mul3A_351 {strides = array<i32>} : memref<500x64xf32, #tpu.memory_space<vmem>>, vector<16xf32>,
        %get3A_359 = arith.index_cast %scan3A_253 : i32 to index
        %get3A_360 = arith.constant 48 : index
        %get3A_361 = tpu.vector_load %arg6[%get3A_359, %get3A_360] {strides = array<i32>} : memref<125x64xf32, #tpu.memory_space<vmem>>, vector<16xf32>,
        %mul3A_362 = arith.mulf %get3A_361, %get3A_15 : vector<16xf32>
        %mul3A_363 = arith.constant 4 : i32
        %mul3A_364 = arith.muli %scan3A_253, %mul3A_363 : i32
        %add3A_365 = arith.constant 0 : i32
        %add3A_366 = arith.addi %mul3A_364, %add3A_365 : i32
        %swap3A_367 = arith.index_cast %add3A_366 : i32 to index
        %swap3A_368 = arith.constant 48 : index
        %swap3A_369 = tpu.vector_load %arg8[%swap3A_367, %swap3A_368] {strides = array<i32>} : memref<500x64xf32, #tpu.memory_space<vmem>>, vector<16xf32>,
        tpu.vector_store %arg8[%swap3A_367, %swap3A_368], %mul3A_362 {strides = array<i32>} : memref<500x64xf32, #tpu.memory_space<vmem>>, vector<16xf32>,
        %mul3A_370 = arith.mulf %get3A_361, %get3A_31 : vector<16xf32>
        %mul3A_371 = arith.constant 4 : i32
        %mul3A_372 = arith.muli %scan3A_253, %mul3A_371 : i32
        %add3A_373 = arith.constant 1 : i32
        %add3A_374 = arith.addi %mul3A_372, %add3A_373 : i32
        %swap3A_375 = arith.index_cast %add3A_374 : i32 to index
        %swap3A_376 = arith.constant 48 : index
        %swap3A_377 = tpu.vector_load %arg8[%swap3A_375, %swap3A_376] {strides = array<i32>} : memref<500x64xf32, #tpu.memory_space<vmem>>, vector<16xf32>,
        tpu.vector_store %arg8[%swap3A_375, %swap3A_376], %mul3A_370 {strides = array<i32>} : memref<500x64xf32, #tpu.memory_space<vmem>>, vector<16xf32>,
        %mul3A_378 = arith.mulf %get3A_361, %get3A_47 : vector<16xf32>
        %mul3A_379 = arith.constant 4 : i32
        %mul3A_380 = arith.muli %scan3A_253, %mul3A_379 : i32
        %add3A_381 = arith.constant 2 : i32
        %add3A_382 = arith.addi %mul3A_380, %add3A_381 : i32
        %swap3A_383 = arith.index_cast %add3A_382 : i32 to index
        %swap3A_384 = arith.constant 48 : index
        %swap3A_385 = tpu.vector_load %arg8[%swap3A_383, %swap3A_384] {strides = array<i32>} : memref<500x64xf32, #tpu.memory_space<vmem>>, vector<16xf32>,
        tpu.vector_store %arg8[%swap3A_383, %swap3A_384], %mul3A_378 {strides = array<i32>} : memref<500x64xf32, #tpu.memory_space<vmem>>, vector<16xf32>,
        %mul3A_386 = arith.mulf %get3A_361, %get3A_63 : vector<16xf32>
        %mul3A_387 = arith.constant 4 : i32
        %mul3A_388 = arith.muli %scan3A_253, %mul3A_387 : i32
        %add3A_389 = arith.constant 3 : i32
        %add3A_390 = arith.addi %mul3A_388, %add3A_389 : i32
        %swap3A_391 = arith.index_cast %add3A_390 : i32 to index
        %swap3A_392 = arith.constant 48 : index
        %swap3A_393 = tpu.vector_load %arg8[%swap3A_391, %swap3A_392] {strides = array<i32>} : memref<500x64xf32, #tpu.memory_space<vmem>>, vector<16xf32>,
        tpu.vector_store %arg8[%swap3A_391, %swap3A_392], %mul3A_386 {strides = array<i32>} : memref<500x64xf32, #tpu.memory_space<vmem>>, vector<16xf32>,
        %scan3A_394 = arith.constant 0 : i32
        scf.yield %scan3A_394 : i32
      }
      %scan3A_239 = arith.constant 125 : i32
      %add3A_240 = arith.constant 1 : i32
      %add3A_241 = arith.addi %mul3A_164, %add3A_240 : i32
      %mul3A_242 = arith.constant 32 : i32
      %mul3A_243 = arith.muli %mul3A_242, %add3A_241 : i32
      %add3A_244 = arith.addi %add3A, %mul3A_243 : i32
      %min3A_245 = arith.constant 1999 : i32
      %min3A_246 = arith.minsi %add3A_244, %min3A_245 : i32
      %mul3A_247 = arith.constant 500 : i32
      %mul3A_248 = arith.muli %min3A_246, %mul3A_247 : i32
      %dma_start3A_249 = arith.constant 0 : i32
      %dma_start3A_250 = tpu.memref_slice %arg4[%mul3A_248, %dma_start3A_249] : memref<1000000x64xf32, #tpu.memory_space<hbm>> -> memref<500x64xf32, #tpu.memory_space<hbm>>
      %dma_start3A_251 = arith.constant 0 : i32
      %dma_start3A_252 = tpu.memref_slice %arg4[%mul3A_248, %dma_start3A_251] : memref<1000000x64xf32, #tpu.memory_space<hbm>> -> memref<500x64xf32, #tpu.memory_space<hbm>>
      tpu.enqueue_dma source(%arg8 : memref<500x64xf32, #tpu.memory_space<vmem>>) target(%dma_start3A_252 : memref<500x64xf32, #tpu.memory_space<hbm>>) target_semaphore(%arg13 : memref<!tpu.dma_semaphore, #tpu.memory_space<semaphore_mem>>)
    }
    %scan3A_141 = arith.constant 30 : i32
    %dma_wait3A_142 = arith.constant 0 : i32
    %dma_wait3A_143 = arith.constant 0 : i32
    %dma_wait3A_144 = tpu.memref_slice %arg2[%dma_wait3A_142, %dma_wait3A_143] : memref<250000x64xf32, #tpu.memory_space<hbm>> -> memref<125x64xf32, #tpu.memory_space<hbm>>
    %dma_wait3A_145 = arith.constant 0 : i32
    %dma_wait3A_146 = arith.constant 0 : i32
    %dma_wait3A_147 = tpu.memref_slice %arg2[%dma_wait3A_145, %dma_wait3A_146] : memref<250000x64xf32, #tpu.memory_space<hbm>> -> memref<125x64xf32, #tpu.memory_space<hbm>>
    tpu.wait_dma2 semaphore(%arg10 : memref<!tpu.dma_semaphore, #tpu.memory_space<semaphore_mem>>) src(%dma_wait3A_147 : memref<125x64xf32, #tpu.memory_space<hbm>>) dst(%arg5 : memref<125x64xf32, #tpu.memory_space<vmem>>)
    %dma_wait3A_148 = arith.constant 0 : i32
    %dma_wait3A_149 = arith.constant 0 : i32
    %dma_wait3A_150 = tpu.memref_slice %arg4[%dma_wait3A_148, %dma_wait3A_149] : memref<1000000x64xf32, #tpu.memory_space<hbm>> -> memref<500x64xf32, #tpu.memory_space<hbm>>
    %dma_wait3A_151 = arith.constant 0 : i32
    %dma_wait3A_152 = arith.constant 0 : i32
    %dma_wait3A_153 = tpu.memref_slice %arg4[%dma_wait3A_151, %dma_wait3A_152] : memref<1000000x64xf32, #tpu.memory_space<hbm>> -> memref<500x64xf32, #tpu.memory_space<hbm>>
    tpu.wait_dma2 semaphore(%arg12 : memref<!tpu.dma_semaphore, #tpu.memory_space<semaphore_mem>>) src(%arg7 : memref<500x64xf32, #tpu.memory_space<vmem>>) dst(%dma_wait3A_153 : memref<500x64xf32, #tpu.memory_space<hbm>>)
    %lt3A = arith.constant 16 : i32
    %lt3A_154 = arith.cmpi slt, %add3A, %lt3A : i32
    %convert_element_type3A = arith.extui %lt3A_154 : i1 to i32
    %cond3A = arith.constant 0 : i32
    %cond3A_155 = arith.cmpi ne, %convert_element_type3A, %cond3A : i32
    scf.if %cond3A_155 {
      %scan3A_162 = arith.constant 0 : i32
      %scan3A_163 = arith.constant 0 : i32
      %scan3A_164 = arith.constant 125 : i32
      %scan3A_165 = arith.addi %scan3A_163, %scan3A_164 : i32
      %scan3A_166 = arith.constant 1 : i32
      %scan3A_167 = scf.for %scan3A_185 = %scan3A_163 to %scan3A_165 step %scan3A_166 iter_args(%scan3A_186 = %scan3A_162) -> (i32)  : i32 {
        %get3A_187 = arith.index_cast %scan3A_185 : i32 to index
        %get3A_188 = arith.constant 0 : index
        %get3A_189 = tpu.vector_load %arg5[%get3A_187, %get3A_188] {strides = array<i32>} : memref<125x64xf32, #tpu.memory_space<vmem>>, vector<16xf32>,
        %mul3A_190 = arith.mulf %get3A_189, %get3A_3 : vector<16xf32>
        %mul3A_191 = arith.constant 4 : i32
        %mul3A_192 = arith.muli %scan3A_185, %mul3A_191 : i32
        %add3A_193 = arith.constant 0 : i32
        %add3A_194 = arith.addi %mul3A_192, %add3A_193 : i32
        %swap3A = arith.index_cast %add3A_194 : i32 to index
        %swap3A_195 = arith.constant 0 : index
        %swap3A_196 = tpu.vector_load %arg7[%swap3A, %swap3A_195] {strides = array<i32>} : memref<500x64xf32, #tpu.memory_space<vmem>>, vector<16xf32>,
        tpu.vector_store %arg7[%swap3A, %swap3A_195], %mul3A_190 {strides = array<i32>} : memref<500x64xf32, #tpu.memory_space<vmem>>, vector<16xf32>,
        %mul3A_197 = arith.mulf %get3A_189, %get3A_19 : vector<16xf32>
        %mul3A_198 = arith.constant 4 : i32
        %mul3A_199 = arith.muli %scan3A_185, %mul3A_198 : i32
        %add3A_200 = arith.constant 1 : i32
        %add3A_201 = arith.addi %mul3A_199, %add3A_200 : i32
        %swap3A_202 = arith.index_cast %add3A_201 : i32 to index
        %swap3A_203 = arith.constant 0 : index
        %swap3A_204 = tpu.vector_load %arg7[%swap3A_202, %swap3A_203] {strides = array<i32>} : memref<500x64xf32, #tpu.memory_space<vmem>>, vector<16xf32>,
        tpu.vector_store %arg7[%swap3A_202, %swap3A_203], %mul3A_197 {strides = array<i32>} : memref<500x64xf32, #tpu.memory_space<vmem>>, vector<16xf32>,
        %mul3A_205 = arith.mulf %get3A_189, %get3A_35 : vector<16xf32>
        %mul3A_206 = arith.constant 4 : i32
        %mul3A_207 = arith.muli %scan3A_185, %mul3A_206 : i32
        %add3A_208 = arith.constant 2 : i32
        %add3A_209 = arith.addi %mul3A_207, %add3A_208 : i32
        %swap3A_210 = arith.index_cast %add3A_209 : i32 to index
        %swap3A_211 = arith.constant 0 : index
        %swap3A_212 = tpu.vector_load %arg7[%swap3A_210, %swap3A_211] {strides = array<i32>} : memref<500x64xf32, #tpu.memory_space<vmem>>, vector<16xf32>,
        tpu.vector_store %arg7[%swap3A_210, %swap3A_211], %mul3A_205 {strides = array<i32>} : memref<500x64xf32, #tpu.memory_space<vmem>>, vector<16xf32>,
        %mul3A_213 = arith.mulf %get3A_189, %get3A_51 : vector<16xf32>
        %mul3A_214 = arith.constant 4 : i32
        %mul3A_215 = arith.muli %scan3A_185, %mul3A_214 : i32
        %add3A_216 = arith.constant 3 : i32
        %add3A_217 = arith.addi %mul3A_215, %add3A_216 : i32
        %swap3A_218 = arith.index_cast %add3A_217 : i32 to index
        %swap3A_219 = arith.constant 0 : index
        %swap3A_220 = tpu.vector_load %arg7[%swap3A_218, %swap3A_219] {strides = array<i32>} : memref<500x64xf32, #tpu.memory_space<vmem>>, vector<16xf32>,
        tpu.vector_store %arg7[%swap3A_218, %swap3A_219], %mul3A_213 {strides = array<i32>} : memref<500x64xf32, #tpu.memory_space<vmem>>, vector<16xf32>,
        %get3A_221 = arith.index_cast %scan3A_185 : i32 to index
        %get3A_222 = arith.constant 16 : index
        %get3A_223 = tpu.vector_load %arg5[%get3A_221, %get3A_222] {strides = array<i32>} : memref<125x64xf32, #tpu.memory_space<vmem>>, vector<16xf32>,
        %mul3A_224 = arith.mulf %get3A_223, %get3A_7 : vector<16xf32>
        %mul3A_225 = arith.constant 4 : i32
        %mul3A_226 = arith.muli %scan3A_185, %mul3A_225 : i32
        %add3A_227 = arith.constant 0 : i32
        %add3A_228 = arith.addi %mul3A_226, %add3A_227 : i32
        %swap3A_229 = arith.index_cast %add3A_228 : i32 to index
        %swap3A_230 = arith.constant 16 : index
        %swap3A_231 = tpu.vector_load %arg7[%swap3A_229, %swap3A_230] {strides = array<i32>} : memref<500x64xf32, #tpu.memory_space<vmem>>, vector<16xf32>,
        tpu.vector_store %arg7[%swap3A_229, %swap3A_230], %mul3A_224 {strides = array<i32>} : memref<500x64xf32, #tpu.memory_space<vmem>>, vector<16xf32>,
        %mul3A_232 = arith.mulf %get3A_223, %get3A_23 : vector<16xf32>
        %mul3A_233 = arith.constant 4 : i32
        %mul3A_234 = arith.muli %scan3A_185, %mul3A_233 : i32
        %add3A_235 = arith.constant 1 : i32
        %add3A_236 = arith.addi %mul3A_234, %add3A_235 : i32
        %swap3A_237 = arith.index_cast %add3A_236 : i32 to index
        %swap3A_238 = arith.constant 16 : index
        %swap3A_239 = tpu.vector_load %arg7[%swap3A_237, %swap3A_238] {strides = array<i32>} : memref<500x64xf32, #tpu.memory_space<vmem>>, vector<16xf32>,
        tpu.vector_store %arg7[%swap3A_237, %swap3A_238], %mul3A_232 {strides = array<i32>} : memref<500x64xf32, #tpu.memory_space<vmem>>, vector<16xf32>,
        %mul3A_240 = arith.mulf %get3A_223, %get3A_39 : vector<16xf32>
        %mul3A_241 = arith.constant 4 : i32
        %mul3A_242 = arith.muli %scan3A_185, %mul3A_241 : i32
        %add3A_243 = arith.constant 2 : i32
        %add3A_244 = arith.addi %mul3A_242, %add3A_243 : i32
        %swap3A_245 = arith.index_cast %add3A_244 : i32 to index
        %swap3A_246 = arith.constant 16 : index
        %swap3A_247 = tpu.vector_load %arg7[%swap3A_245, %swap3A_246] {strides = array<i32>} : memref<500x64xf32, #tpu.memory_space<vmem>>, vector<16xf32>,
        tpu.vector_store %arg7[%swap3A_245, %swap3A_246], %mul3A_240 {strides = array<i32>} : memref<500x64xf32, #tpu.memory_space<vmem>>, vector<16xf32>,
        %mul3A_248 = arith.mulf %get3A_223, %get3A_55 : vector<16xf32>
        %mul3A_249 = arith.constant 4 : i32
        %mul3A_250 = arith.muli %scan3A_185, %mul3A_249 : i32
        %add3A_251 = arith.constant 3 : i32
        %add3A_252 = arith.addi %mul3A_250, %add3A_251 : i32
        %swap3A_253 = arith.index_cast %add3A_252 : i32 to index
        %swap3A_254 = arith.constant 16 : index
        %swap3A_255 = tpu.vector_load %arg7[%swap3A_253, %swap3A_254] {strides = array<i32>} : memref<500x64xf32, #tpu.memory_space<vmem>>, vector<16xf32>,
        tpu.vector_store %arg7[%swap3A_253, %swap3A_254], %mul3A_248 {strides = array<i32>} : memref<500x64xf32, #tpu.memory_space<vmem>>, vector<16xf32>,
        %get3A_256 = arith.index_cast %scan3A_185 : i32 to index
        %get3A_257 = arith.constant 32 : index
        %get3A_258 = tpu.vector_load %arg5[%get3A_256, %get3A_257] {strides = array<i32>} : memref<125x64xf32, #tpu.memory_space<vmem>>, vector<16xf32>,
        %mul3A_259 = arith.mulf %get3A_258, %get3A_11 : vector<16xf32>
        %mul3A_260 = arith.constant 4 : i32
        %mul3A_261 = arith.muli %scan3A_185, %mul3A_260 : i32
        %add3A_262 = arith.constant 0 : i32
        %add3A_263 = arith.addi %mul3A_261, %add3A_262 : i32
        %swap3A_264 = arith.index_cast %add3A_263 : i32 to index
        %swap3A_265 = arith.constant 32 : index
        %swap3A_266 = tpu.vector_load %arg7[%swap3A_264, %swap3A_265] {strides = array<i32>} : memref<500x64xf32, #tpu.memory_space<vmem>>, vector<16xf32>,
        tpu.vector_store %arg7[%swap3A_264, %swap3A_265], %mul3A_259 {strides = array<i32>} : memref<500x64xf32, #tpu.memory_space<vmem>>, vector<16xf32>,
        %mul3A_267 = arith.mulf %get3A_258, %get3A_27 : vector<16xf32>
        %mul3A_268 = arith.constant 4 : i32
        %mul3A_269 = arith.muli %scan3A_185, %mul3A_268 : i32
        %add3A_270 = arith.constant 1 : i32
        %add3A_271 = arith.addi %mul3A_269, %add3A_270 : i32
        %swap3A_272 = arith.index_cast %add3A_271 : i32 to index
        %swap3A_273 = arith.constant 32 : index
        %swap3A_274 = tpu.vector_load %arg7[%swap3A_272, %swap3A_273] {strides = array<i32>} : memref<500x64xf32, #tpu.memory_space<vmem>>, vector<16xf32>,
        tpu.vector_store %arg7[%swap3A_272, %swap3A_273], %mul3A_267 {strides = array<i32>} : memref<500x64xf32, #tpu.memory_space<vmem>>, vector<16xf32>,
        %mul3A_275 = arith.mulf %get3A_258, %get3A_43 : vector<16xf32>
        %mul3A_276 = arith.constant 4 : i32
        %mul3A_277 = arith.muli %scan3A_185, %mul3A_276 : i32
        %add3A_278 = arith.constant 2 : i32
        %add3A_279 = arith.addi %mul3A_277, %add3A_278 : i32
        %swap3A_280 = arith.index_cast %add3A_279 : i32 to index
        %swap3A_281 = arith.constant 32 : index
        %swap3A_282 = tpu.vector_load %arg7[%swap3A_280, %swap3A_281] {strides = array<i32>} : memref<500x64xf32, #tpu.memory_space<vmem>>, vector<16xf32>,
        tpu.vector_store %arg7[%swap3A_280, %swap3A_281], %mul3A_275 {strides = array<i32>} : memref<500x64xf32, #tpu.memory_space<vmem>>, vector<16xf32>,
        %mul3A_283 = arith.mulf %get3A_258, %get3A_59 : vector<16xf32>
        %mul3A_284 = arith.constant 4 : i32
        %mul3A_285 = arith.muli %scan3A_185, %mul3A_284 : i32
        %add3A_286 = arith.constant 3 : i32
        %add3A_287 = arith.addi %mul3A_285, %add3A_286 : i32
        %swap3A_288 = arith.index_cast %add3A_287 : i32 to index
        %swap3A_289 = arith.constant 32 : index
        %swap3A_290 = tpu.vector_load %arg7[%swap3A_288, %swap3A_289] {strides = array<i32>} : memref<500x64xf32, #tpu.memory_space<vmem>>, vector<16xf32>,
        tpu.vector_store %arg7[%swap3A_288, %swap3A_289], %mul3A_283 {strides = array<i32>} : memref<500x64xf32, #tpu.memory_space<vmem>>, vector<16xf32>,
        %get3A_291 = arith.index_cast %scan3A_185 : i32 to index
        %get3A_292 = arith.constant 48 : index
        %get3A_293 = tpu.vector_load %arg5[%get3A_291, %get3A_292] {strides = array<i32>} : memref<125x64xf32, #tpu.memory_space<vmem>>, vector<16xf32>,
        %mul3A_294 = arith.mulf %get3A_293, %get3A_15 : vector<16xf32>
        %mul3A_295 = arith.constant 4 : i32
        %mul3A_296 = arith.muli %scan3A_185, %mul3A_295 : i32
        %add3A_297 = arith.constant 0 : i32
        %add3A_298 = arith.addi %mul3A_296, %add3A_297 : i32
        %swap3A_299 = arith.index_cast %add3A_298 : i32 to index
        %swap3A_300 = arith.constant 48 : index
        %swap3A_301 = tpu.vector_load %arg7[%swap3A_299, %swap3A_300] {strides = array<i32>} : memref<500x64xf32, #tpu.memory_space<vmem>>, vector<16xf32>,
        tpu.vector_store %arg7[%swap3A_299, %swap3A_300], %mul3A_294 {strides = array<i32>} : memref<500x64xf32, #tpu.memory_space<vmem>>, vector<16xf32>,
        %mul3A_302 = arith.mulf %get3A_293, %get3A_31 : vector<16xf32>
        %mul3A_303 = arith.constant 4 : i32
        %mul3A_304 = arith.muli %scan3A_185, %mul3A_303 : i32
        %add3A_305 = arith.constant 1 : i32
        %add3A_306 = arith.addi %mul3A_304, %add3A_305 : i32
        %swap3A_307 = arith.index_cast %add3A_306 : i32 to index
        %swap3A_308 = arith.constant 48 : index
        %swap3A_309 = tpu.vector_load %arg7[%swap3A_307, %swap3A_308] {strides = array<i32>} : memref<500x64xf32, #tpu.memory_space<vmem>>, vector<16xf32>,
        tpu.vector_store %arg7[%swap3A_307, %swap3A_308], %mul3A_302 {strides = array<i32>} : memref<500x64xf32, #tpu.memory_space<vmem>>, vector<16xf32>,
        %mul3A_310 = arith.mulf %get3A_293, %get3A_47 : vector<16xf32>
        %mul3A_311 = arith.constant 4 : i32
        %mul3A_312 = arith.muli %scan3A_185, %mul3A_311 : i32
        %add3A_313 = arith.constant 2 : i32
        %add3A_314 = arith.addi %mul3A_312, %add3A_313 : i32
        %swap3A_315 = arith.index_cast %add3A_314 : i32 to index
        %swap3A_316 = arith.constant 48 : index
        %swap3A_317 = tpu.vector_load %arg7[%swap3A_315, %swap3A_316] {strides = array<i32>} : memref<500x64xf32, #tpu.memory_space<vmem>>, vector<16xf32>,
        tpu.vector_store %arg7[%swap3A_315, %swap3A_316], %mul3A_310 {strides = array<i32>} : memref<500x64xf32, #tpu.memory_space<vmem>>, vector<16xf32>,
        %mul3A_318 = arith.mulf %get3A_293, %get3A_63 : vector<16xf32>
        %mul3A_319 = arith.constant 4 : i32
        %mul3A_320 = arith.muli %scan3A_185, %mul3A_319 : i32
        %add3A_321 = arith.constant 3 : i32
        %add3A_322 = arith.addi %mul3A_320, %add3A_321 : i32
        %swap3A_323 = arith.index_cast %add3A_322 : i32 to index
        %swap3A_324 = arith.constant 48 : index
        %swap3A_325 = tpu.vector_load %arg7[%swap3A_323, %swap3A_324] {strides = array<i32>} : memref<500x64xf32, #tpu.memory_space<vmem>>, vector<16xf32>,
        tpu.vector_store %arg7[%swap3A_323, %swap3A_324], %mul3A_318 {strides = array<i32>} : memref<500x64xf32, #tpu.memory_space<vmem>>, vector<16xf32>,
        %scan3A_326 = arith.constant 0 : i32
        scf.yield %scan3A_326 : i32
      }
      %scan3A_168 = arith.constant 125 : i32
      %add3A_169 = arith.constant 1984 : i32
      %add3A_170 = arith.addi %add3A, %add3A_169 : i32
      %min3A_171 = arith.constant 1999 : i32
      %min3A_172 = arith.minsi %add3A_170, %min3A_171 : i32
      %mul3A_173 = arith.constant 500 : i32
      %mul3A_174 = arith.muli %min3A_172, %mul3A_173 : i32
      %dma_start3A_175 = arith.constant 0 : i32
      %dma_start3A_176 = tpu.memref_slice %arg4[%mul3A_174, %dma_start3A_175] : memref<1000000x64xf32, #tpu.memory_space<hbm>> -> memref<500x64xf32, #tpu.memory_space<hbm>>
      %dma_start3A_177 = arith.constant 0 : i32
      %dma_start3A_178 = tpu.memref_slice %arg4[%mul3A_174, %dma_start3A_177] : memref<1000000x64xf32, #tpu.memory_space<hbm>> -> memref<500x64xf32, #tpu.memory_space<hbm>>
      tpu.enqueue_dma source(%arg7 : memref<500x64xf32, #tpu.memory_space<vmem>>) target(%dma_start3A_178 : memref<500x64xf32, #tpu.memory_space<hbm>>) target_semaphore(%arg12 : memref<!tpu.dma_semaphore, #tpu.memory_space<semaphore_mem>>)
      %dma_wait3A_179 = arith.constant 0 : i32
      %dma_wait3A_180 = arith.constant 0 : i32
      %dma_wait3A_181 = tpu.memref_slice %arg4[%dma_wait3A_179, %dma_wait3A_180] : memref<1000000x64xf32, #tpu.memory_space<hbm>> -> memref<500x64xf32, #tpu.memory_space<hbm>>
      %dma_wait3A_182 = arith.constant 0 : i32
      %dma_wait3A_183 = arith.constant 0 : i32
      %dma_wait3A_184 = tpu.memref_slice %arg4[%dma_wait3A_182, %dma_wait3A_183] : memref<1000000x64xf32, #tpu.memory_space<hbm>> -> memref<500x64xf32, #tpu.memory_space<hbm>>
      tpu.wait_dma2 semaphore(%arg12 : memref<!tpu.dma_semaphore, #tpu.memory_space<semaphore_mem>>) src(%arg7 : memref<500x64xf32, #tpu.memory_space<vmem>>) dst(%dma_wait3A_184 : memref<500x64xf32, #tpu.memory_space<hbm>>)
    } else {
    }
    %dma_wait3A_156 = arith.constant 0 : i32
    %dma_wait3A_157 = arith.constant 0 : i32
    %dma_wait3A_158 = tpu.memref_slice %arg4[%dma_wait3A_156, %dma_wait3A_157] : memref<1000000x64xf32, #tpu.memory_space<hbm>> -> memref<500x64xf32, #tpu.memory_space<hbm>>
    %dma_wait3A_159 = arith.constant 0 : i32
    %dma_wait3A_160 = arith.constant 0 : i32
    %dma_wait3A_161 = tpu.memref_slice %arg4[%dma_wait3A_159, %dma_wait3A_160] : memref<1000000x64xf32, #tpu.memory_space<hbm>> -> memref<500x64xf32, #tpu.memory_space<hbm>>
    tpu.wait_dma2 semaphore(%arg13 : memref<!tpu.dma_semaphore, #tpu.memory_space<semaphore_mem>>) src(%arg8 : memref<500x64xf32, #tpu.memory_space<vmem>>) dst(%dma_wait3A_161 : memref<500x64xf32, #tpu.memory_space<hbm>>)
    return
  }
}

#map = affine_map<(d0, d1) -> (0, 0)>
module attributes {stable_mosaic.version = 14 : i64} {
  func.func @_lookup_body(%arg0: i32, %arg1: i32, %arg2: memref<6400x128xi32, #tpu.memory_space<hbm>>, %arg3: memref<1000000x64xf32, #tpu.memory_space<hbm>>, %arg4: memref<819200x64xf32, #tpu.memory_space<hbm>>, %arg5: memref<4x128xi32, #tpu.memory_space<vmem>>, %arg6: memref<4x128xi32, #tpu.memory_space<vmem>>, %arg7: memref<512x64xf32, #tpu.memory_space<vmem>>, %arg8: memref<512x64xf32, #tpu.memory_space<vmem>>, %arg9: memref<!tpu.dma_semaphore, #tpu.memory_space<semaphore_mem>>, %arg10: memref<!tpu.dma_semaphore, #tpu.memory_space<semaphore_mem>>) attributes {dimension_semantics = [#tpu.dimension_semantics<core_parallel>, #tpu.dimension_semantics<subcore_parallel>], iteration_bounds = array<i64: 2, 16>, scalar_prefetch = 0 : i64, scratch_operands = 6 : i64, tpu.core_type = #tpu.core_type<sc_vector_subcore>, window_params = [{transform_indices = #map}, {transform_indices = #map}, {transform_indices = #map}]} {
    %mul3A = arith.constant 2 : i32
    %mul3A_0 = arith.muli %arg1, %mul3A : i32
    %add3A = arith.addi %mul3A_0, %arg0 : i32
    %mul3A_1 = arith.constant 25600 : i32
    %mul3A_2 = arith.muli %add3A, %mul3A_1 : i32
    %jit3A = arith.constant 128 : i32
    %div3A = arith.divsi %mul3A_2, %jit3A : i32
    %sign3A = arith.constant 0 : i32
    %sign3A_3 = arith.cmpi sgt, %mul3A_2, %sign3A : i32
    %sign3A_4 = arith.extui %sign3A_3 : i1 to i32
    %sign3A_5 = arith.constant 0 : i32
    %sign3A_6 = arith.cmpi slt, %mul3A_2, %sign3A_5 : i32
    %sign3A_7 = arith.extui %sign3A_6 : i1 to i32
    %sign3A_8 = arith.subi %sign3A_4, %sign3A_7 : i32
    %sign3A_9 = arith.constant 0 : i32
    %sign3A_10 = arith.cmpi sgt, %jit3A, %sign3A_9 : i32
    %sign3A_11 = arith.extui %sign3A_10 : i1 to i32
    %sign3A_12 = arith.constant 0 : i32
    %sign3A_13 = arith.cmpi slt, %jit3A, %sign3A_12 : i32
    %sign3A_14 = arith.extui %sign3A_13 : i1 to i32
    %sign3A_15 = arith.subi %sign3A_11, %sign3A_14 : i32
    %ne3A = arith.cmpi ne, %sign3A_8, %sign3A_15 : i32
    %rem3A = arith.remsi %mul3A_2, %jit3A : i32
    %ne3A_16 = arith.constant 0 : i32
    %ne3A_17 = arith.cmpi ne, %rem3A, %ne3A_16 : i32
    %and3A = arith.andi %ne3A, %ne3A_17 : i1
    %sub3A = arith.constant 1 : i32
    %sub3A_18 = arith.subi %div3A, %sub3A : i32
    %select_n3A = arith.select %and3A, %sub3A_18, %div3A : i32
    %add3A_19 = arith.constant 0 : i32
    %add3A_20 = arith.addi %select_n3A, %add3A_19 : i32
    "tpu.region"() ({
      %run_scoped3A = tpu.sem_alloc : memref<!tpu.dma_semaphore, #tpu.memory_space<semaphore_mem>>
      %dma_start3A_190 = arith.constant 0 : i32
      %dma_start3A_191 = tpu.memref_slice %arg2[%add3A_20, %dma_start3A_190] : memref<6400x128xi32, #tpu.memory_space<hbm>> -> memref<4x128xi32, #tpu.memory_space<hbm>>
      %dma_start3A_192 = arith.constant 0 : i32
      %dma_start3A_193 = tpu.memref_slice %arg2[%add3A_20, %dma_start3A_192] : memref<6400x128xi32, #tpu.memory_space<hbm>> -> memref<4x128xi32, #tpu.memory_space<hbm>>
      tpu.enqueue_dma source(%dma_start3A_193 : memref<4x128xi32, #tpu.memory_space<hbm>>) target(%arg5 : memref<4x128xi32, #tpu.memory_space<vmem>>) target_semaphore(%run_scoped3A : memref<!tpu.dma_semaphore, #tpu.memory_space<semaphore_mem>>)
      %dma_wait3A_194 = arith.constant 0 : i32
      %dma_wait3A_195 = tpu.memref_slice %arg2[%add3A_20, %dma_wait3A_194] : memref<6400x128xi32, #tpu.memory_space<hbm>> -> memref<4x128xi32, #tpu.memory_space<hbm>>
      %dma_wait3A_196 = arith.constant 0 : i32
      %dma_wait3A_197 = tpu.memref_slice %arg2[%add3A_20, %dma_wait3A_196] : memref<6400x128xi32, #tpu.memory_space<hbm>> -> memref<4x128xi32, #tpu.memory_space<hbm>>
      tpu.wait_dma2 semaphore(%run_scoped3A : memref<!tpu.dma_semaphore, #tpu.memory_space<semaphore_mem>>) src(%dma_wait3A_197 : memref<4x128xi32, #tpu.memory_space<hbm>>) dst(%arg5 : memref<4x128xi32, #tpu.memory_space<vmem>>)
      tpu.yield
    }) : () -> ()
    %dma_start3A = arith.constant 0 : i32
    %dma_start3A_21 = arith.constant 0 : i32
    %dma_start3A_22 = arith.constant 0 : i32
    %dma_start3A_23 = tpu.memref_slice %arg7[%dma_start3A_21, %dma_start3A_22] : memref<512x64xf32, #tpu.memory_space<vmem>> -> memref<128x64xf32, #tpu.memory_space<vmem>>
    %dma_start3A_24 = arith.constant 0 : i32
    %dma_start3A_25 = tpu.memref_slice %arg5[%dma_start3A, %dma_start3A_24] : memref<4x128xi32, #tpu.memory_space<vmem>> -> memref<1x128xi32, #tpu.memory_space<vmem>>
    %dma_start3A_26 = tpu.memref_squeeze %dma_start3A_25 : memref<1x128xi32, #tpu.memory_space<vmem>> -> memref<128xi32, #tpu.memory_space<vmem>>
    %dma_start3A_27 = arith.constant 0 : i32
    %dma_start3A_28 = arith.constant 0 : i32
    %dma_start3A_29 = tpu.memref_slice %arg3[%dma_start3A_27, %dma_start3A_28] : memref<1000000x64xf32, #tpu.memory_space<hbm>> -> memref<1000000x64xf32, #tpu.memory_space<hbm>>
    tpu.enqueue_indirect_dma source(%dma_start3A_29 : memref<1000000x64xf32, #tpu.memory_space<hbm>>) target(%dma_start3A_23 : memref<128x64xf32, #tpu.memory_space<vmem>>) offsets(%dma_start3A_26 : memref<128xi32, #tpu.memory_space<vmem>>) semaphore(%arg9 : memref<!tpu.dma_semaphore, #tpu.memory_space<semaphore_mem>>)
    %dma_start3A_30 = arith.constant 1 : i32
    %dma_start3A_31 = arith.constant 128 : i32
    %dma_start3A_32 = arith.constant 0 : i32
    %dma_start3A_33 = tpu.memref_slice %arg7[%dma_start3A_31, %dma_start3A_32] : memref<512x64xf32, #tpu.memory_space<vmem>> -> memref<128x64xf32, #tpu.memory_space<vmem>>
    %dma_start3A_34 = arith.constant 0 : i32
    %dma_start3A_35 = tpu.memref_slice %arg5[%dma_start3A_30, %dma_start3A_34] : memref<4x128xi32, #tpu.memory_space<vmem>> -> memref<1x128xi32, #tpu.memory_space<vmem>>
    %dma_start3A_36 = tpu.memref_squeeze %dma_start3A_35 : memref<1x128xi32, #tpu.memory_space<vmem>> -> memref<128xi32, #tpu.memory_space<vmem>>
    %dma_start3A_37 = arith.constant 0 : i32
    %dma_start3A_38 = arith.constant 0 : i32
    %dma_start3A_39 = tpu.memref_slice %arg3[%dma_start3A_37, %dma_start3A_38] : memref<1000000x64xf32, #tpu.memory_space<hbm>> -> memref<1000000x64xf32, #tpu.memory_space<hbm>>
    tpu.enqueue_indirect_dma source(%dma_start3A_39 : memref<1000000x64xf32, #tpu.memory_space<hbm>>) target(%dma_start3A_33 : memref<128x64xf32, #tpu.memory_space<vmem>>) offsets(%dma_start3A_36 : memref<128xi32, #tpu.memory_space<vmem>>) semaphore(%arg9 : memref<!tpu.dma_semaphore, #tpu.memory_space<semaphore_mem>>)
    %dma_start3A_40 = arith.constant 2 : i32
    %dma_start3A_41 = arith.constant 256 : i32
    %dma_start3A_42 = arith.constant 0 : i32
    %dma_start3A_43 = tpu.memref_slice %arg7[%dma_start3A_41, %dma_start3A_42] : memref<512x64xf32, #tpu.memory_space<vmem>> -> memref<128x64xf32, #tpu.memory_space<vmem>>
    %dma_start3A_44 = arith.constant 0 : i32
    %dma_start3A_45 = tpu.memref_slice %arg5[%dma_start3A_40, %dma_start3A_44] : memref<4x128xi32, #tpu.memory_space<vmem>> -> memref<1x128xi32, #tpu.memory_space<vmem>>
    %dma_start3A_46 = tpu.memref_squeeze %dma_start3A_45 : memref<1x128xi32, #tpu.memory_space<vmem>> -> memref<128xi32, #tpu.memory_space<vmem>>
    %dma_start3A_47 = arith.constant 0 : i32
    %dma_start3A_48 = arith.constant 0 : i32
    %dma_start3A_49 = tpu.memref_slice %arg3[%dma_start3A_47, %dma_start3A_48] : memref<1000000x64xf32, #tpu.memory_space<hbm>> -> memref<1000000x64xf32, #tpu.memory_space<hbm>>
    tpu.enqueue_indirect_dma source(%dma_start3A_49 : memref<1000000x64xf32, #tpu.memory_space<hbm>>) target(%dma_start3A_43 : memref<128x64xf32, #tpu.memory_space<vmem>>) offsets(%dma_start3A_46 : memref<128xi32, #tpu.memory_space<vmem>>) semaphore(%arg9 : memref<!tpu.dma_semaphore, #tpu.memory_space<semaphore_mem>>)
    %dma_start3A_50 = arith.constant 3 : i32
    %dma_start3A_51 = arith.constant 384 : i32
    %dma_start3A_52 = arith.constant 0 : i32
    %dma_start3A_53 = tpu.memref_slice %arg7[%dma_start3A_51, %dma_start3A_52] : memref<512x64xf32, #tpu.memory_space<vmem>> -> memref<128x64xf32, #tpu.memory_space<vmem>>
    %dma_start3A_54 = arith.constant 0 : i32
    %dma_start3A_55 = tpu.memref_slice %arg5[%dma_start3A_50, %dma_start3A_54] : memref<4x128xi32, #tpu.memory_space<vmem>> -> memref<1x128xi32, #tpu.memory_space<vmem>>
    %dma_start3A_56 = tpu.memref_squeeze %dma_start3A_55 : memref<1x128xi32, #tpu.memory_space<vmem>> -> memref<128xi32, #tpu.memory_space<vmem>>
    %dma_start3A_57 = arith.constant 0 : i32
    %dma_start3A_58 = arith.constant 0 : i32
    %dma_start3A_59 = tpu.memref_slice %arg3[%dma_start3A_57, %dma_start3A_58] : memref<1000000x64xf32, #tpu.memory_space<hbm>> -> memref<1000000x64xf32, #tpu.memory_space<hbm>>
    tpu.enqueue_indirect_dma source(%dma_start3A_59 : memref<1000000x64xf32, #tpu.memory_space<hbm>>) target(%dma_start3A_53 : memref<128x64xf32, #tpu.memory_space<vmem>>) offsets(%dma_start3A_56 : memref<128xi32, #tpu.memory_space<vmem>>) semaphore(%arg9 : memref<!tpu.dma_semaphore, #tpu.memory_space<semaphore_mem>>)
    %scan3A = arith.constant 0 : i32
    %scan3A_60 = arith.constant 0 : i32
    %scan3A_61 = arith.constant 24 : i32
    %scan3A_62 = arith.addi %scan3A_60, %scan3A_61 : i32
    %scan3A_63 = arith.constant 1 : i32
    scf.for %scan3A_190 = %scan3A_60 to %scan3A_62 step %scan3A_63  : i32 {
      %mul3A_191 = arith.constant 2 : i32
      %mul3A_192 = arith.muli %mul3A_191, %scan3A_190 : i32
      %add3A_193 = arith.constant 1 : i32
      %add3A_194 = arith.addi %mul3A_192, %add3A_193 : i32
      %mul3A_195 = arith.constant 4 : i32
      %mul3A_196 = arith.muli %add3A_194, %mul3A_195 : i32
      %add3A_197 = arith.addi %select_n3A, %mul3A_196 : i32
      "tpu.region"() ({
        %run_scoped3A = tpu.sem_alloc : memref<!tpu.dma_semaphore, #tpu.memory_space<semaphore_mem>>
        %dma_start3A_371 = arith.constant 0 : i32
        %dma_start3A_372 = tpu.memref_slice %arg2[%add3A_197, %dma_start3A_371] : memref<6400x128xi32, #tpu.memory_space<hbm>> -> memref<4x128xi32, #tpu.memory_space<hbm>>
        %dma_start3A_373 = arith.constant 0 : i32
        %dma_start3A_374 = tpu.memref_slice %arg2[%add3A_197, %dma_start3A_373] : memref<6400x128xi32, #tpu.memory_space<hbm>> -> memref<4x128xi32, #tpu.memory_space<hbm>>
        tpu.enqueue_dma source(%dma_start3A_374 : memref<4x128xi32, #tpu.memory_space<hbm>>) target(%arg6 : memref<4x128xi32, #tpu.memory_space<vmem>>) target_semaphore(%run_scoped3A : memref<!tpu.dma_semaphore, #tpu.memory_space<semaphore_mem>>)
        %dma_wait3A_375 = arith.constant 0 : i32
        %dma_wait3A_376 = tpu.memref_slice %arg2[%add3A_197, %dma_wait3A_375] : memref<6400x128xi32, #tpu.memory_space<hbm>> -> memref<4x128xi32, #tpu.memory_space<hbm>>
        %dma_wait3A_377 = arith.constant 0 : i32
        %dma_wait3A_378 = tpu.memref_slice %arg2[%add3A_197, %dma_wait3A_377] : memref<6400x128xi32, #tpu.memory_space<hbm>> -> memref<4x128xi32, #tpu.memory_space<hbm>>
        tpu.wait_dma2 semaphore(%run_scoped3A : memref<!tpu.dma_semaphore, #tpu.memory_space<semaphore_mem>>) src(%dma_wait3A_378 : memref<4x128xi32, #tpu.memory_space<hbm>>) dst(%arg6 : memref<4x128xi32, #tpu.memory_space<vmem>>)
        tpu.yield
      }) : () -> ()
      %dma_start3A_198 = arith.constant 0 : i32
      %dma_start3A_199 = arith.constant 0 : i32
      %dma_start3A_200 = arith.constant 0 : i32
      %dma_start3A_201 = tpu.memref_slice %arg8[%dma_start3A_199, %dma_start3A_200] : memref<512x64xf32, #tpu.memory_space<vmem>> -> memref<128x64xf32, #tpu.memory_space<vmem>>
      %dma_start3A_202 = arith.constant 0 : i32
      %dma_start3A_203 = tpu.memref_slice %arg6[%dma_start3A_198, %dma_start3A_202] : memref<4x128xi32, #tpu.memory_space<vmem>> -> memref<1x128xi32, #tpu.memory_space<vmem>>
      %dma_start3A_204 = tpu.memref_squeeze %dma_start3A_203 : memref<1x128xi32, #tpu.memory_space<vmem>> -> memref<128xi32, #tpu.memory_space<vmem>>
      %dma_start3A_205 = arith.constant 0 : i32
      %dma_start3A_206 = arith.constant 0 : i32
      %dma_start3A_207 = tpu.memref_slice %arg3[%dma_start3A_205, %dma_start3A_206] : memref<1000000x64xf32, #tpu.memory_space<hbm>> -> memref<1000000x64xf32, #tpu.memory_space<hbm>>
      tpu.enqueue_indirect_dma source(%dma_start3A_207 : memref<1000000x64xf32, #tpu.memory_space<hbm>>) target(%dma_start3A_201 : memref<128x64xf32, #tpu.memory_space<vmem>>) offsets(%dma_start3A_204 : memref<128xi32, #tpu.memory_space<vmem>>) semaphore(%arg10 : memref<!tpu.dma_semaphore, #tpu.memory_space<semaphore_mem>>)
      %dma_start3A_208 = arith.constant 1 : i32
      %dma_start3A_209 = arith.constant 128 : i32
      %dma_start3A_210 = arith.constant 0 : i32
      %dma_start3A_211 = tpu.memref_slice %arg8[%dma_start3A_209, %dma_start3A_210] : memref<512x64xf32, #tpu.memory_space<vmem>> -> memref<128x64xf32, #tpu.memory_space<vmem>>
      %dma_start3A_212 = arith.constant 0 : i32
      %dma_start3A_213 = tpu.memref_slice %arg6[%dma_start3A_208, %dma_start3A_212] : memref<4x128xi32, #tpu.memory_space<vmem>> -> memref<1x128xi32, #tpu.memory_space<vmem>>
      %dma_start3A_214 = tpu.memref_squeeze %dma_start3A_213 : memref<1x128xi32, #tpu.memory_space<vmem>> -> memref<128xi32, #tpu.memory_space<vmem>>
      %dma_start3A_215 = arith.constant 0 : i32
      %dma_start3A_216 = arith.constant 0 : i32
      %dma_start3A_217 = tpu.memref_slice %arg3[%dma_start3A_215, %dma_start3A_216] : memref<1000000x64xf32, #tpu.memory_space<hbm>> -> memref<1000000x64xf32, #tpu.memory_space<hbm>>
      tpu.enqueue_indirect_dma source(%dma_start3A_217 : memref<1000000x64xf32, #tpu.memory_space<hbm>>) target(%dma_start3A_211 : memref<128x64xf32, #tpu.memory_space<vmem>>) offsets(%dma_start3A_214 : memref<128xi32, #tpu.memory_space<vmem>>) semaphore(%arg10 : memref<!tpu.dma_semaphore, #tpu.memory_space<semaphore_mem>>)
      %dma_start3A_218 = arith.constant 2 : i32
      %dma_start3A_219 = arith.constant 256 : i32
      %dma_start3A_220 = arith.constant 0 : i32
      %dma_start3A_221 = tpu.memref_slice %arg8[%dma_start3A_219, %dma_start3A_220] : memref<512x64xf32, #tpu.memory_space<vmem>> -> memref<128x64xf32, #tpu.memory_space<vmem>>
      %dma_start3A_222 = arith.constant 0 : i32
      %dma_start3A_223 = tpu.memref_slice %arg6[%dma_start3A_218, %dma_start3A_222] : memref<4x128xi32, #tpu.memory_space<vmem>> -> memref<1x128xi32, #tpu.memory_space<vmem>>
      %dma_start3A_224 = tpu.memref_squeeze %dma_start3A_223 : memref<1x128xi32, #tpu.memory_space<vmem>> -> memref<128xi32, #tpu.memory_space<vmem>>
      %dma_start3A_225 = arith.constant 0 : i32
      %dma_start3A_226 = arith.constant 0 : i32
      %dma_start3A_227 = tpu.memref_slice %arg3[%dma_start3A_225, %dma_start3A_226] : memref<1000000x64xf32, #tpu.memory_space<hbm>> -> memref<1000000x64xf32, #tpu.memory_space<hbm>>
      tpu.enqueue_indirect_dma source(%dma_start3A_227 : memref<1000000x64xf32, #tpu.memory_space<hbm>>) target(%dma_start3A_221 : memref<128x64xf32, #tpu.memory_space<vmem>>) offsets(%dma_start3A_224 : memref<128xi32, #tpu.memory_space<vmem>>) semaphore(%arg10 : memref<!tpu.dma_semaphore, #tpu.memory_space<semaphore_mem>>)
      %dma_start3A_228 = arith.constant 3 : i32
      %dma_start3A_229 = arith.constant 384 : i32
      %dma_start3A_230 = arith.constant 0 : i32
      %dma_start3A_231 = tpu.memref_slice %arg8[%dma_start3A_229, %dma_start3A_230] : memref<512x64xf32, #tpu.memory_space<vmem>> -> memref<128x64xf32, #tpu.memory_space<vmem>>
      %dma_start3A_232 = arith.constant 0 : i32
      %dma_start3A_233 = tpu.memref_slice %arg6[%dma_start3A_228, %dma_start3A_232] : memref<4x128xi32, #tpu.memory_space<vmem>> -> memref<1x128xi32, #tpu.memory_space<vmem>>
      %dma_start3A_234 = tpu.memref_squeeze %dma_start3A_233 : memref<1x128xi32, #tpu.memory_space<vmem>> -> memref<128xi32, #tpu.memory_space<vmem>>
      %dma_start3A_235 = arith.constant 0 : i32
      %dma_start3A_236 = arith.constant 0 : i32
      %dma_start3A_237 = tpu.memref_slice %arg3[%dma_start3A_235, %dma_start3A_236] : memref<1000000x64xf32, #tpu.memory_space<hbm>> -> memref<1000000x64xf32, #tpu.memory_space<hbm>>
      tpu.enqueue_indirect_dma source(%dma_start3A_237 : memref<1000000x64xf32, #tpu.memory_space<hbm>>) target(%dma_start3A_231 : memref<128x64xf32, #tpu.memory_space<vmem>>) offsets(%dma_start3A_234 : memref<128xi32, #tpu.memory_space<vmem>>) semaphore(%arg10 : memref<!tpu.dma_semaphore, #tpu.memory_space<semaphore_mem>>)
      %dma_wait3A_238 = arith.constant 0 : i32
      %dma_wait3A_239 = arith.constant 0 : i32
      %dma_wait3A_240 = arith.constant 0 : i32
      %dma_wait3A_241 = tpu.memref_slice %arg7[%dma_wait3A_239, %dma_wait3A_240] : memref<512x64xf32, #tpu.memory_space<vmem>> -> memref<128x64xf32, #tpu.memory_space<vmem>>
      %dma_wait3A_242 = arith.constant 0 : i32
      %dma_wait3A_243 = tpu.memref_slice %arg5[%dma_wait3A_238, %dma_wait3A_242] : memref<4x128xi32, #tpu.memory_space<vmem>> -> memref<1x128xi32, #tpu.memory_space<vmem>>
      %dma_wait3A_244 = tpu.memref_squeeze %dma_wait3A_243 : memref<1x128xi32, #tpu.memory_space<vmem>> -> memref<128xi32, #tpu.memory_space<vmem>>
      %dma_wait3A_245 = arith.constant 0 : i32
      %dma_wait3A_246 = arith.constant 0 : i32
      %dma_wait3A_247 = tpu.memref_slice %arg3[%dma_wait3A_245, %dma_wait3A_246] : memref<1000000x64xf32, #tpu.memory_space<hbm>> -> memref<1000000x64xf32, #tpu.memory_space<hbm>>
      tpu.wait_indirect_dma semaphore(%arg9 : memref<!tpu.dma_semaphore, #tpu.memory_space<semaphore_mem>>) src(%dma_wait3A_247 : memref<1000000x64xf32, #tpu.memory_space<hbm>>) dst(%dma_wait3A_241 : memref<128x64xf32, #tpu.memory_space<vmem>>)
      %dma_wait3A_248 = arith.constant 1 : i32
      %dma_wait3A_249 = arith.constant 128 : i32
      %dma_wait3A_250 = arith.constant 0 : i32
      %dma_wait3A_251 = tpu.memref_slice %arg7[%dma_wait3A_249, %dma_wait3A_250] : memref<512x64xf32, #tpu.memory_space<vmem>> -> memref<128x64xf32, #tpu.memory_space<vmem>>
      %dma_wait3A_252 = arith.constant 0 : i32
      %dma_wait3A_253 = tpu.memref_slice %arg5[%dma_wait3A_248, %dma_wait3A_252] : memref<4x128xi32, #tpu.memory_space<vmem>> -> memref<1x128xi32, #tpu.memory_space<vmem>>
      %dma_wait3A_254 = tpu.memref_squeeze %dma_wait3A_253 : memref<1x128xi32, #tpu.memory_space<vmem>> -> memref<128xi32, #tpu.memory_space<vmem>>
      %dma_wait3A_255 = arith.constant 0 : i32
      %dma_wait3A_256 = arith.constant 0 : i32
      %dma_wait3A_257 = tpu.memref_slice %arg3[%dma_wait3A_255, %dma_wait3A_256] : memref<1000000x64xf32, #tpu.memory_space<hbm>> -> memref<1000000x64xf32, #tpu.memory_space<hbm>>
      tpu.wait_indirect_dma semaphore(%arg9 : memref<!tpu.dma_semaphore, #tpu.memory_space<semaphore_mem>>) src(%dma_wait3A_257 : memref<1000000x64xf32, #tpu.memory_space<hbm>>) dst(%dma_wait3A_251 : memref<128x64xf32, #tpu.memory_space<vmem>>)
      %dma_wait3A_258 = arith.constant 2 : i32
      %dma_wait3A_259 = arith.constant 256 : i32
      %dma_wait3A_260 = arith.constant 0 : i32
      %dma_wait3A_261 = tpu.memref_slice %arg7[%dma_wait3A_259, %dma_wait3A_260] : memref<512x64xf32, #tpu.memory_space<vmem>> -> memref<128x64xf32, #tpu.memory_space<vmem>>
      %dma_wait3A_262 = arith.constant 0 : i32
      %dma_wait3A_263 = tpu.memref_slice %arg5[%dma_wait3A_258, %dma_wait3A_262] : memref<4x128xi32, #tpu.memory_space<vmem>> -> memref<1x128xi32, #tpu.memory_space<vmem>>
      %dma_wait3A_264 = tpu.memref_squeeze %dma_wait3A_263 : memref<1x128xi32, #tpu.memory_space<vmem>> -> memref<128xi32, #tpu.memory_space<vmem>>
      %dma_wait3A_265 = arith.constant 0 : i32
      %dma_wait3A_266 = arith.constant 0 : i32
      %dma_wait3A_267 = tpu.memref_slice %arg3[%dma_wait3A_265, %dma_wait3A_266] : memref<1000000x64xf32, #tpu.memory_space<hbm>> -> memref<1000000x64xf32, #tpu.memory_space<hbm>>
      tpu.wait_indirect_dma semaphore(%arg9 : memref<!tpu.dma_semaphore, #tpu.memory_space<semaphore_mem>>) src(%dma_wait3A_267 : memref<1000000x64xf32, #tpu.memory_space<hbm>>) dst(%dma_wait3A_261 : memref<128x64xf32, #tpu.memory_space<vmem>>)
      %dma_wait3A_268 = arith.constant 3 : i32
      %dma_wait3A_269 = arith.constant 384 : i32
      %dma_wait3A_270 = arith.constant 0 : i32
      %dma_wait3A_271 = tpu.memref_slice %arg7[%dma_wait3A_269, %dma_wait3A_270] : memref<512x64xf32, #tpu.memory_space<vmem>> -> memref<128x64xf32, #tpu.memory_space<vmem>>
      %dma_wait3A_272 = arith.constant 0 : i32
      %dma_wait3A_273 = tpu.memref_slice %arg5[%dma_wait3A_268, %dma_wait3A_272] : memref<4x128xi32, #tpu.memory_space<vmem>> -> memref<1x128xi32, #tpu.memory_space<vmem>>
      %dma_wait3A_274 = tpu.memref_squeeze %dma_wait3A_273 : memref<1x128xi32, #tpu.memory_space<vmem>> -> memref<128xi32, #tpu.memory_space<vmem>>
      %dma_wait3A_275 = arith.constant 0 : i32
      %dma_wait3A_276 = arith.constant 0 : i32
      %dma_wait3A_277 = tpu.memref_slice %arg3[%dma_wait3A_275, %dma_wait3A_276] : memref<1000000x64xf32, #tpu.memory_space<hbm>> -> memref<1000000x64xf32, #tpu.memory_space<hbm>>
      tpu.wait_indirect_dma semaphore(%arg9 : memref<!tpu.dma_semaphore, #tpu.memory_space<semaphore_mem>>) src(%dma_wait3A_277 : memref<1000000x64xf32, #tpu.memory_space<hbm>>) dst(%dma_wait3A_271 : memref<128x64xf32, #tpu.memory_space<vmem>>)
      %mul3A_278 = arith.constant 512 : i32
      %mul3A_279 = arith.muli %mul3A_192, %mul3A_278 : i32
      %add3A_280 = arith.addi %mul3A_2, %mul3A_279 : i32
      "tpu.region"() ({
        %run_scoped3A = tpu.sem_alloc : memref<!tpu.dma_semaphore, #tpu.memory_space<semaphore_mem>>
        %dma_start3A_371 = arith.constant 0 : i32
        %dma_start3A_372 = tpu.memref_slice %arg4[%add3A_280, %dma_start3A_371] : memref<819200x64xf32, #tpu.memory_space<hbm>> -> memref<512x64xf32, #tpu.memory_space<hbm>>
        %dma_start3A_373 = arith.constant 0 : i32
        %dma_start3A_374 = tpu.memref_slice %arg4[%add3A_280, %dma_start3A_373] : memref<819200x64xf32, #tpu.memory_space<hbm>> -> memref<512x64xf32, #tpu.memory_space<hbm>>
        tpu.enqueue_dma source(%arg7 : memref<512x64xf32, #tpu.memory_space<vmem>>) target(%dma_start3A_374 : memref<512x64xf32, #tpu.memory_space<hbm>>) target_semaphore(%run_scoped3A : memref<!tpu.dma_semaphore, #tpu.memory_space<semaphore_mem>>)
        %dma_wait3A_375 = arith.constant 0 : i32
        %dma_wait3A_376 = tpu.memref_slice %arg4[%add3A_280, %dma_wait3A_375] : memref<819200x64xf32, #tpu.memory_space<hbm>> -> memref<512x64xf32, #tpu.memory_space<hbm>>
        %dma_wait3A_377 = arith.constant 0 : i32
        %dma_wait3A_378 = tpu.memref_slice %arg4[%add3A_280, %dma_wait3A_377] : memref<819200x64xf32, #tpu.memory_space<hbm>> -> memref<512x64xf32, #tpu.memory_space<hbm>>
        tpu.wait_dma2 semaphore(%run_scoped3A : memref<!tpu.dma_semaphore, #tpu.memory_space<semaphore_mem>>) src(%arg7 : memref<512x64xf32, #tpu.memory_space<vmem>>) dst(%dma_wait3A_378 : memref<512x64xf32, #tpu.memory_space<hbm>>)
        tpu.yield
      }) : () -> ()
      %add3A_281 = arith.constant 2 : i32
      %add3A_282 = arith.addi %mul3A_192, %add3A_281 : i32
      %mul3A_283 = arith.constant 4 : i32
      %mul3A_284 = arith.muli %add3A_282, %mul3A_283 : i32
      %add3A_285 = arith.addi %select_n3A, %mul3A_284 : i32
      "tpu.region"() ({
        %run_scoped3A = tpu.sem_alloc : memref<!tpu.dma_semaphore, #tpu.memory_space<semaphore_mem>>
        %dma_start3A_371 = arith.constant 0 : i32
        %dma_start3A_372 = tpu.memref_slice %arg2[%add3A_285, %dma_start3A_371] : memref<6400x128xi32, #tpu.memory_space<hbm>> -> memref<4x128xi32, #tpu.memory_space<hbm>>
        %dma_start3A_373 = arith.constant 0 : i32
        %dma_start3A_374 = tpu.memref_slice %arg2[%add3A_285, %dma_start3A_373] : memref<6400x128xi32, #tpu.memory_space<hbm>> -> memref<4x128xi32, #tpu.memory_space<hbm>>
        tpu.enqueue_dma source(%dma_start3A_374 : memref<4x128xi32, #tpu.memory_space<hbm>>) target(%arg5 : memref<4x128xi32, #tpu.memory_space<vmem>>) target_semaphore(%run_scoped3A : memref<!tpu.dma_semaphore, #tpu.memory_space<semaphore_mem>>)
        %dma_wait3A_375 = arith.constant 0 : i32
        %dma_wait3A_376 = tpu.memref_slice %arg2[%add3A_285, %dma_wait3A_375] : memref<6400x128xi32, #tpu.memory_space<hbm>> -> memref<4x128xi32, #tpu.memory_space<hbm>>
        %dma_wait3A_377 = arith.constant 0 : i32
        %dma_wait3A_378 = tpu.memref_slice %arg2[%add3A_285, %dma_wait3A_377] : memref<6400x128xi32, #tpu.memory_space<hbm>> -> memref<4x128xi32, #tpu.memory_space<hbm>>
        tpu.wait_dma2 semaphore(%run_scoped3A : memref<!tpu.dma_semaphore, #tpu.memory_space<semaphore_mem>>) src(%dma_wait3A_378 : memref<4x128xi32, #tpu.memory_space<hbm>>) dst(%arg5 : memref<4x128xi32, #tpu.memory_space<vmem>>)
        tpu.yield
      }) : () -> ()
      %dma_start3A_286 = arith.constant 0 : i32
      %dma_start3A_287 = arith.constant 0 : i32
      %dma_start3A_288 = arith.constant 0 : i32
      %dma_start3A_289 = tpu.memref_slice %arg7[%dma_start3A_287, %dma_start3A_288] : memref<512x64xf32, #tpu.memory_space<vmem>> -> memref<128x64xf32, #tpu.memory_space<vmem>>
      %dma_start3A_290 = arith.constant 0 : i32
      %dma_start3A_291 = tpu.memref_slice %arg5[%dma_start3A_286, %dma_start3A_290] : memref<4x128xi32, #tpu.memory_space<vmem>> -> memref<1x128xi32, #tpu.memory_space<vmem>>
      %dma_start3A_292 = tpu.memref_squeeze %dma_start3A_291 : memref<1x128xi32, #tpu.memory_space<vmem>> -> memref<128xi32, #tpu.memory_space<vmem>>
      %dma_start3A_293 = arith.constant 0 : i32
      %dma_start3A_294 = arith.constant 0 : i32
      %dma_start3A_295 = tpu.memref_slice %arg3[%dma_start3A_293, %dma_start3A_294] : memref<1000000x64xf32, #tpu.memory_space<hbm>> -> memref<1000000x64xf32, #tpu.memory_space<hbm>>
      tpu.enqueue_indirect_dma source(%dma_start3A_295 : memref<1000000x64xf32, #tpu.memory_space<hbm>>) target(%dma_start3A_289 : memref<128x64xf32, #tpu.memory_space<vmem>>) offsets(%dma_start3A_292 : memref<128xi32, #tpu.memory_space<vmem>>) semaphore(%arg9 : memref<!tpu.dma_semaphore, #tpu.memory_space<semaphore_mem>>)
      %dma_start3A_296 = arith.constant 1 : i32
      %dma_start3A_297 = arith.constant 128 : i32
      %dma_start3A_298 = arith.constant 0 : i32
      %dma_start3A_299 = tpu.memref_slice %arg7[%dma_start3A_297, %dma_start3A_298] : memref<512x64xf32, #tpu.memory_space<vmem>> -> memref<128x64xf32, #tpu.memory_space<vmem>>
      %dma_start3A_300 = arith.constant 0 : i32
      %dma_start3A_301 = tpu.memref_slice %arg5[%dma_start3A_296, %dma_start3A_300] : memref<4x128xi32, #tpu.memory_space<vmem>> -> memref<1x128xi32, #tpu.memory_space<vmem>>
      %dma_start3A_302 = tpu.memref_squeeze %dma_start3A_301 : memref<1x128xi32, #tpu.memory_space<vmem>> -> memref<128xi32, #tpu.memory_space<vmem>>
      %dma_start3A_303 = arith.constant 0 : i32
      %dma_start3A_304 = arith.constant 0 : i32
      %dma_start3A_305 = tpu.memref_slice %arg3[%dma_start3A_303, %dma_start3A_304] : memref<1000000x64xf32, #tpu.memory_space<hbm>> -> memref<1000000x64xf32, #tpu.memory_space<hbm>>
      tpu.enqueue_indirect_dma source(%dma_start3A_305 : memref<1000000x64xf32, #tpu.memory_space<hbm>>) target(%dma_start3A_299 : memref<128x64xf32, #tpu.memory_space<vmem>>) offsets(%dma_start3A_302 : memref<128xi32, #tpu.memory_space<vmem>>) semaphore(%arg9 : memref<!tpu.dma_semaphore, #tpu.memory_space<semaphore_mem>>)
      %dma_start3A_306 = arith.constant 2 : i32
      %dma_start3A_307 = arith.constant 256 : i32
      %dma_start3A_308 = arith.constant 0 : i32
      %dma_start3A_309 = tpu.memref_slice %arg7[%dma_start3A_307, %dma_start3A_308] : memref<512x64xf32, #tpu.memory_space<vmem>> -> memref<128x64xf32, #tpu.memory_space<vmem>>
      %dma_start3A_310 = arith.constant 0 : i32
      %dma_start3A_311 = tpu.memref_slice %arg5[%dma_start3A_306, %dma_start3A_310] : memref<4x128xi32, #tpu.memory_space<vmem>> -> memref<1x128xi32, #tpu.memory_space<vmem>>
      %dma_start3A_312 = tpu.memref_squeeze %dma_start3A_311 : memref<1x128xi32, #tpu.memory_space<vmem>> -> memref<128xi32, #tpu.memory_space<vmem>>
      %dma_start3A_313 = arith.constant 0 : i32
      %dma_start3A_314 = arith.constant 0 : i32
      %dma_start3A_315 = tpu.memref_slice %arg3[%dma_start3A_313, %dma_start3A_314] : memref<1000000x64xf32, #tpu.memory_space<hbm>> -> memref<1000000x64xf32, #tpu.memory_space<hbm>>
      tpu.enqueue_indirect_dma source(%dma_start3A_315 : memref<1000000x64xf32, #tpu.memory_space<hbm>>) target(%dma_start3A_309 : memref<128x64xf32, #tpu.memory_space<vmem>>) offsets(%dma_start3A_312 : memref<128xi32, #tpu.memory_space<vmem>>) semaphore(%arg9 : memref<!tpu.dma_semaphore, #tpu.memory_space<semaphore_mem>>)
      %dma_start3A_316 = arith.constant 3 : i32
      %dma_start3A_317 = arith.constant 384 : i32
      %dma_start3A_318 = arith.constant 0 : i32
      %dma_start3A_319 = tpu.memref_slice %arg7[%dma_start3A_317, %dma_start3A_318] : memref<512x64xf32, #tpu.memory_space<vmem>> -> memref<128x64xf32, #tpu.memory_space<vmem>>
      %dma_start3A_320 = arith.constant 0 : i32
      %dma_start3A_321 = tpu.memref_slice %arg5[%dma_start3A_316, %dma_start3A_320] : memref<4x128xi32, #tpu.memory_space<vmem>> -> memref<1x128xi32, #tpu.memory_space<vmem>>
      %dma_start3A_322 = tpu.memref_squeeze %dma_start3A_321 : memref<1x128xi32, #tpu.memory_space<vmem>> -> memref<128xi32, #tpu.memory_space<vmem>>
      %dma_start3A_323 = arith.constant 0 : i32
      %dma_start3A_324 = arith.constant 0 : i32
      %dma_start3A_325 = tpu.memref_slice %arg3[%dma_start3A_323, %dma_start3A_324] : memref<1000000x64xf32, #tpu.memory_space<hbm>> -> memref<1000000x64xf32, #tpu.memory_space<hbm>>
      tpu.enqueue_indirect_dma source(%dma_start3A_325 : memref<1000000x64xf32, #tpu.memory_space<hbm>>) target(%dma_start3A_319 : memref<128x64xf32, #tpu.memory_space<vmem>>) offsets(%dma_start3A_322 : memref<128xi32, #tpu.memory_space<vmem>>) semaphore(%arg9 : memref<!tpu.dma_semaphore, #tpu.memory_space<semaphore_mem>>)
      %add3A_326 = arith.constant 1 : i32
      %add3A_327 = arith.addi %mul3A_192, %add3A_326 : i32
      %dma_wait3A_328 = arith.constant 0 : i32
      %dma_wait3A_329 = arith.constant 0 : i32
      %dma_wait3A_330 = arith.constant 0 : i32
      %dma_wait3A_331 = tpu.memref_slice %arg8[%dma_wait3A_329, %dma_wait3A_330] : memref<512x64xf32, #tpu.memory_space<vmem>> -> memref<128x64xf32, #tpu.memory_space<vmem>>
      %dma_wait3A_332 = arith.constant 0 : i32
      %dma_wait3A_333 = tpu.memref_slice %arg6[%dma_wait3A_328, %dma_wait3A_332] : memref<4x128xi32, #tpu.memory_space<vmem>> -> memref<1x128xi32, #tpu.memory_space<vmem>>
      %dma_wait3A_334 = tpu.memref_squeeze %dma_wait3A_333 : memref<1x128xi32, #tpu.memory_space<vmem>> -> memref<128xi32, #tpu.memory_space<vmem>>
      %dma_wait3A_335 = arith.constant 0 : i32
      %dma_wait3A_336 = arith.constant 0 : i32
      %dma_wait3A_337 = tpu.memref_slice %arg3[%dma_wait3A_335, %dma_wait3A_336] : memref<1000000x64xf32, #tpu.memory_space<hbm>> -> memref<1000000x64xf32, #tpu.memory_space<hbm>>
      tpu.wait_indirect_dma semaphore(%arg10 : memref<!tpu.dma_semaphore, #tpu.memory_space<semaphore_mem>>) src(%dma_wait3A_337 : memref<1000000x64xf32, #tpu.memory_space<hbm>>) dst(%dma_wait3A_331 : memref<128x64xf32, #tpu.memory_space<vmem>>)
      %dma_wait3A_338 = arith.constant 1 : i32
      %dma_wait3A_339 = arith.constant 128 : i32
      %dma_wait3A_340 = arith.constant 0 : i32
      %dma_wait3A_341 = tpu.memref_slice %arg8[%dma_wait3A_339, %dma_wait3A_340] : memref<512x64xf32, #tpu.memory_space<vmem>> -> memref<128x64xf32, #tpu.memory_space<vmem>>
      %dma_wait3A_342 = arith.constant 0 : i32
      %dma_wait3A_343 = tpu.memref_slice %arg6[%dma_wait3A_338, %dma_wait3A_342] : memref<4x128xi32, #tpu.memory_space<vmem>> -> memref<1x128xi32, #tpu.memory_space<vmem>>
      %dma_wait3A_344 = tpu.memref_squeeze %dma_wait3A_343 : memref<1x128xi32, #tpu.memory_space<vmem>> -> memref<128xi32, #tpu.memory_space<vmem>>
      %dma_wait3A_345 = arith.constant 0 : i32
      %dma_wait3A_346 = arith.constant 0 : i32
      %dma_wait3A_347 = tpu.memref_slice %arg3[%dma_wait3A_345, %dma_wait3A_346] : memref<1000000x64xf32, #tpu.memory_space<hbm>> -> memref<1000000x64xf32, #tpu.memory_space<hbm>>
      tpu.wait_indirect_dma semaphore(%arg10 : memref<!tpu.dma_semaphore, #tpu.memory_space<semaphore_mem>>) src(%dma_wait3A_347 : memref<1000000x64xf32, #tpu.memory_space<hbm>>) dst(%dma_wait3A_341 : memref<128x64xf32, #tpu.memory_space<vmem>>)
      %dma_wait3A_348 = arith.constant 2 : i32
      %dma_wait3A_349 = arith.constant 256 : i32
      %dma_wait3A_350 = arith.constant 0 : i32
      %dma_wait3A_351 = tpu.memref_slice %arg8[%dma_wait3A_349, %dma_wait3A_350] : memref<512x64xf32, #tpu.memory_space<vmem>> -> memref<128x64xf32, #tpu.memory_space<vmem>>
      %dma_wait3A_352 = arith.constant 0 : i32
      %dma_wait3A_353 = tpu.memref_slice %arg6[%dma_wait3A_348, %dma_wait3A_352] : memref<4x128xi32, #tpu.memory_space<vmem>> -> memref<1x128xi32, #tpu.memory_space<vmem>>
      %dma_wait3A_354 = tpu.memref_squeeze %dma_wait3A_353 : memref<1x128xi32, #tpu.memory_space<vmem>> -> memref<128xi32, #tpu.memory_space<vmem>>
      %dma_wait3A_355 = arith.constant 0 : i32
      %dma_wait3A_356 = arith.constant 0 : i32
      %dma_wait3A_357 = tpu.memref_slice %arg3[%dma_wait3A_355, %dma_wait3A_356] : memref<1000000x64xf32, #tpu.memory_space<hbm>> -> memref<1000000x64xf32, #tpu.memory_space<hbm>>
      tpu.wait_indirect_dma semaphore(%arg10 : memref<!tpu.dma_semaphore, #tpu.memory_space<semaphore_mem>>) src(%dma_wait3A_357 : memref<1000000x64xf32, #tpu.memory_space<hbm>>) dst(%dma_wait3A_351 : memref<128x64xf32, #tpu.memory_space<vmem>>)
      %dma_wait3A_358 = arith.constant 3 : i32
      %dma_wait3A_359 = arith.constant 384 : i32
      %dma_wait3A_360 = arith.constant 0 : i32
      %dma_wait3A_361 = tpu.memref_slice %arg8[%dma_wait3A_359, %dma_wait3A_360] : memref<512x64xf32, #tpu.memory_space<vmem>> -> memref<128x64xf32, #tpu.memory_space<vmem>>
      %dma_wait3A_362 = arith.constant 0 : i32
      %dma_wait3A_363 = tpu.memref_slice %arg6[%dma_wait3A_358, %dma_wait3A_362] : memref<4x128xi32, #tpu.memory_space<vmem>> -> memref<1x128xi32, #tpu.memory_space<vmem>>
      %dma_wait3A_364 = tpu.memref_squeeze %dma_wait3A_363 : memref<1x128xi32, #tpu.memory_space<vmem>> -> memref<128xi32, #tpu.memory_space<vmem>>
      %dma_wait3A_365 = arith.constant 0 : i32
      %dma_wait3A_366 = arith.constant 0 : i32
      %dma_wait3A_367 = tpu.memref_slice %arg3[%dma_wait3A_365, %dma_wait3A_366] : memref<1000000x64xf32, #tpu.memory_space<hbm>> -> memref<1000000x64xf32, #tpu.memory_space<hbm>>
      tpu.wait_indirect_dma semaphore(%arg10 : memref<!tpu.dma_semaphore, #tpu.memory_space<semaphore_mem>>) src(%dma_wait3A_367 : memref<1000000x64xf32, #tpu.memory_space<hbm>>) dst(%dma_wait3A_361 : memref<128x64xf32, #tpu.memory_space<vmem>>)
      %mul3A_368 = arith.constant 512 : i32
      %mul3A_369 = arith.muli %add3A_327, %mul3A_368 : i32
      %add3A_370 = arith.addi %mul3A_2, %mul3A_369 : i32
      "tpu.region"() ({
        %run_scoped3A = tpu.sem_alloc : memref<!tpu.dma_semaphore, #tpu.memory_space<semaphore_mem>>
        %dma_start3A_371 = arith.constant 0 : i32
        %dma_start3A_372 = tpu.memref_slice %arg4[%add3A_370, %dma_start3A_371] : memref<819200x64xf32, #tpu.memory_space<hbm>> -> memref<512x64xf32, #tpu.memory_space<hbm>>
        %dma_start3A_373 = arith.constant 0 : i32
        %dma_start3A_374 = tpu.memref_slice %arg4[%add3A_370, %dma_start3A_373] : memref<819200x64xf32, #tpu.memory_space<hbm>> -> memref<512x64xf32, #tpu.memory_space<hbm>>
        tpu.enqueue_dma source(%arg8 : memref<512x64xf32, #tpu.memory_space<vmem>>) target(%dma_start3A_374 : memref<512x64xf32, #tpu.memory_space<hbm>>) target_semaphore(%run_scoped3A : memref<!tpu.dma_semaphore, #tpu.memory_space<semaphore_mem>>)
        %dma_wait3A_375 = arith.constant 0 : i32
        %dma_wait3A_376 = tpu.memref_slice %arg4[%add3A_370, %dma_wait3A_375] : memref<819200x64xf32, #tpu.memory_space<hbm>> -> memref<512x64xf32, #tpu.memory_space<hbm>>
        %dma_wait3A_377 = arith.constant 0 : i32
        %dma_wait3A_378 = tpu.memref_slice %arg4[%add3A_370, %dma_wait3A_377] : memref<819200x64xf32, #tpu.memory_space<hbm>> -> memref<512x64xf32, #tpu.memory_space<hbm>>
        tpu.wait_dma2 semaphore(%run_scoped3A : memref<!tpu.dma_semaphore, #tpu.memory_space<semaphore_mem>>) src(%arg8 : memref<512x64xf32, #tpu.memory_space<vmem>>) dst(%dma_wait3A_378 : memref<512x64xf32, #tpu.memory_space<hbm>>)
        tpu.yield
      }) : () -> ()
    }
    %scan3A_64 = arith.constant 24 : i32
    %add3A_65 = arith.constant 196 : i32
    %add3A_66 = arith.addi %select_n3A, %add3A_65 : i32
    "tpu.region"() ({
      %run_scoped3A = tpu.sem_alloc : memref<!tpu.dma_semaphore, #tpu.memory_space<semaphore_mem>>
      %dma_start3A_190 = arith.constant 0 : i32
      %dma_start3A_191 = tpu.memref_slice %arg2[%add3A_66, %dma_start3A_190] : memref<6400x128xi32, #tpu.memory_space<hbm>> -> memref<4x128xi32, #tpu.memory_space<hbm>>
      %dma_start3A_192 = arith.constant 0 : i32
      %dma_start3A_193 = tpu.memref_slice %arg2[%add3A_66, %dma_start3A_192] : memref<6400x128xi32, #tpu.memory_space<hbm>> -> memref<4x128xi32, #tpu.memory_space<hbm>>
      tpu.enqueue_dma source(%dma_start3A_193 : memref<4x128xi32, #tpu.memory_space<hbm>>) target(%arg6 : memref<4x128xi32, #tpu.memory_space<vmem>>) target_semaphore(%run_scoped3A : memref<!tpu.dma_semaphore, #tpu.memory_space<semaphore_mem>>)
      %dma_wait3A_194 = arith.constant 0 : i32
      %dma_wait3A_195 = tpu.memref_slice %arg2[%add3A_66, %dma_wait3A_194] : memref<6400x128xi32, #tpu.memory_space<hbm>> -> memref<4x128xi32, #tpu.memory_space<hbm>>
      %dma_wait3A_196 = arith.constant 0 : i32
      %dma_wait3A_197 = tpu.memref_slice %arg2[%add3A_66, %dma_wait3A_196] : memref<6400x128xi32, #tpu.memory_space<hbm>> -> memref<4x128xi32, #tpu.memory_space<hbm>>
      tpu.wait_dma2 semaphore(%run_scoped3A : memref<!tpu.dma_semaphore, #tpu.memory_space<semaphore_mem>>) src(%dma_wait3A_197 : memref<4x128xi32, #tpu.memory_space<hbm>>) dst(%arg6 : memref<4x128xi32, #tpu.memory_space<vmem>>)
      tpu.yield
    }) : () -> ()
    %dma_start3A_67 = arith.constant 0 : i32
    %dma_start3A_68 = arith.constant 0 : i32
    %dma_start3A_69 = arith.constant 0 : i32
    %dma_start3A_70 = tpu.memref_slice %arg8[%dma_start3A_68, %dma_start3A_69] : memref<512x64xf32, #tpu.memory_space<vmem>> -> memref<128x64xf32, #tpu.memory_space<vmem>>
    %dma_start3A_71 = arith.constant 0 : i32
    %dma_start3A_72 = tpu.memref_slice %arg6[%dma_start3A_67, %dma_start3A_71] : memref<4x128xi32, #tpu.memory_space<vmem>> -> memref<1x128xi32, #tpu.memory_space<vmem>>
    %dma_start3A_73 = tpu.memref_squeeze %dma_start3A_72 : memref<1x128xi32, #tpu.memory_space<vmem>> -> memref<128xi32, #tpu.memory_space<vmem>>
    %dma_start3A_74 = arith.constant 0 : i32
    %dma_start3A_75 = arith.constant 0 : i32
    %dma_start3A_76 = tpu.memref_slice %arg3[%dma_start3A_74, %dma_start3A_75] : memref<1000000x64xf32, #tpu.memory_space<hbm>> -> memref<1000000x64xf32, #tpu.memory_space<hbm>>
    tpu.enqueue_indirect_dma source(%dma_start3A_76 : memref<1000000x64xf32, #tpu.memory_space<hbm>>) target(%dma_start3A_70 : memref<128x64xf32, #tpu.memory_space<vmem>>) offsets(%dma_start3A_73 : memref<128xi32, #tpu.memory_space<vmem>>) semaphore(%arg10 : memref<!tpu.dma_semaphore, #tpu.memory_space<semaphore_mem>>)
    %dma_start3A_77 = arith.constant 1 : i32
    %dma_start3A_78 = arith.constant 128 : i32
    %dma_start3A_79 = arith.constant 0 : i32
    %dma_start3A_80 = tpu.memref_slice %arg8[%dma_start3A_78, %dma_start3A_79] : memref<512x64xf32, #tpu.memory_space<vmem>> -> memref<128x64xf32, #tpu.memory_space<vmem>>
    %dma_start3A_81 = arith.constant 0 : i32
    %dma_start3A_82 = tpu.memref_slice %arg6[%dma_start3A_77, %dma_start3A_81] : memref<4x128xi32, #tpu.memory_space<vmem>> -> memref<1x128xi32, #tpu.memory_space<vmem>>
    %dma_start3A_83 = tpu.memref_squeeze %dma_start3A_82 : memref<1x128xi32, #tpu.memory_space<vmem>> -> memref<128xi32, #tpu.memory_space<vmem>>
    %dma_start3A_84 = arith.constant 0 : i32
    %dma_start3A_85 = arith.constant 0 : i32
    %dma_start3A_86 = tpu.memref_slice %arg3[%dma_start3A_84, %dma_start3A_85] : memref<1000000x64xf32, #tpu.memory_space<hbm>> -> memref<1000000x64xf32, #tpu.memory_space<hbm>>
    tpu.enqueue_indirect_dma source(%dma_start3A_86 : memref<1000000x64xf32, #tpu.memory_space<hbm>>) target(%dma_start3A_80 : memref<128x64xf32, #tpu.memory_space<vmem>>) offsets(%dma_start3A_83 : memref<128xi32, #tpu.memory_space<vmem>>) semaphore(%arg10 : memref<!tpu.dma_semaphore, #tpu.memory_space<semaphore_mem>>)
    %dma_start3A_87 = arith.constant 2 : i32
    %dma_start3A_88 = arith.constant 256 : i32
    %dma_start3A_89 = arith.constant 0 : i32
    %dma_start3A_90 = tpu.memref_slice %arg8[%dma_start3A_88, %dma_start3A_89] : memref<512x64xf32, #tpu.memory_space<vmem>> -> memref<128x64xf32, #tpu.memory_space<vmem>>
    %dma_start3A_91 = arith.constant 0 : i32
    %dma_start3A_92 = tpu.memref_slice %arg6[%dma_start3A_87, %dma_start3A_91] : memref<4x128xi32, #tpu.memory_space<vmem>> -> memref<1x128xi32, #tpu.memory_space<vmem>>
    %dma_start3A_93 = tpu.memref_squeeze %dma_start3A_92 : memref<1x128xi32, #tpu.memory_space<vmem>> -> memref<128xi32, #tpu.memory_space<vmem>>
    %dma_start3A_94 = arith.constant 0 : i32
    %dma_start3A_95 = arith.constant 0 : i32
    %dma_start3A_96 = tpu.memref_slice %arg3[%dma_start3A_94, %dma_start3A_95] : memref<1000000x64xf32, #tpu.memory_space<hbm>> -> memref<1000000x64xf32, #tpu.memory_space<hbm>>
    tpu.enqueue_indirect_dma source(%dma_start3A_96 : memref<1000000x64xf32, #tpu.memory_space<hbm>>) target(%dma_start3A_90 : memref<128x64xf32, #tpu.memory_space<vmem>>) offsets(%dma_start3A_93 : memref<128xi32, #tpu.memory_space<vmem>>) semaphore(%arg10 : memref<!tpu.dma_semaphore, #tpu.memory_space<semaphore_mem>>)
    %dma_start3A_97 = arith.constant 3 : i32
    %dma_start3A_98 = arith.constant 384 : i32
    %dma_start3A_99 = arith.constant 0 : i32
    %dma_start3A_100 = tpu.memref_slice %arg8[%dma_start3A_98, %dma_start3A_99] : memref<512x64xf32, #tpu.memory_space<vmem>> -> memref<128x64xf32, #tpu.memory_space<vmem>>
    %dma_start3A_101 = arith.constant 0 : i32
    %dma_start3A_102 = tpu.memref_slice %arg6[%dma_start3A_97, %dma_start3A_101] : memref<4x128xi32, #tpu.memory_space<vmem>> -> memref<1x128xi32, #tpu.memory_space<vmem>>
    %dma_start3A_103 = tpu.memref_squeeze %dma_start3A_102 : memref<1x128xi32, #tpu.memory_space<vmem>> -> memref<128xi32, #tpu.memory_space<vmem>>
    %dma_start3A_104 = arith.constant 0 : i32
    %dma_start3A_105 = arith.constant 0 : i32
    %dma_start3A_106 = tpu.memref_slice %arg3[%dma_start3A_104, %dma_start3A_105] : memref<1000000x64xf32, #tpu.memory_space<hbm>> -> memref<1000000x64xf32, #tpu.memory_space<hbm>>
    tpu.enqueue_indirect_dma source(%dma_start3A_106 : memref<1000000x64xf32, #tpu.memory_space<hbm>>) target(%dma_start3A_100 : memref<128x64xf32, #tpu.memory_space<vmem>>) offsets(%dma_start3A_103 : memref<128xi32, #tpu.memory_space<vmem>>) semaphore(%arg10 : memref<!tpu.dma_semaphore, #tpu.memory_space<semaphore_mem>>)
    %dma_wait3A = arith.constant 0 : i32
    %dma_wait3A_107 = arith.constant 0 : i32
    %dma_wait3A_108 = arith.constant 0 : i32
    %dma_wait3A_109 = tpu.memref_slice %arg7[%dma_wait3A_107, %dma_wait3A_108] : memref<512x64xf32, #tpu.memory_space<vmem>> -> memref<128x64xf32, #tpu.memory_space<vmem>>
    %dma_wait3A_110 = arith.constant 0 : i32
    %dma_wait3A_111 = tpu.memref_slice %arg5[%dma_wait3A, %dma_wait3A_110] : memref<4x128xi32, #tpu.memory_space<vmem>> -> memref<1x128xi32, #tpu.memory_space<vmem>>
    %dma_wait3A_112 = tpu.memref_squeeze %dma_wait3A_111 : memref<1x128xi32, #tpu.memory_space<vmem>> -> memref<128xi32, #tpu.memory_space<vmem>>
    %dma_wait3A_113 = arith.constant 0 : i32
    %dma_wait3A_114 = arith.constant 0 : i32
    %dma_wait3A_115 = tpu.memref_slice %arg3[%dma_wait3A_113, %dma_wait3A_114] : memref<1000000x64xf32, #tpu.memory_space<hbm>> -> memref<1000000x64xf32, #tpu.memory_space<hbm>>
    tpu.wait_indirect_dma semaphore(%arg9 : memref<!tpu.dma_semaphore, #tpu.memory_space<semaphore_mem>>) src(%dma_wait3A_115 : memref<1000000x64xf32, #tpu.memory_space<hbm>>) dst(%dma_wait3A_109 : memref<128x64xf32, #tpu.memory_space<vmem>>)
    %dma_wait3A_116 = arith.constant 1 : i32
    %dma_wait3A_117 = arith.constant 128 : i32
    %dma_wait3A_118 = arith.constant 0 : i32
    %dma_wait3A_119 = tpu.memref_slice %arg7[%dma_wait3A_117, %dma_wait3A_118] : memref<512x64xf32, #tpu.memory_space<vmem>> -> memref<128x64xf32, #tpu.memory_space<vmem>>
    %dma_wait3A_120 = arith.constant 0 : i32
    %dma_wait3A_121 = tpu.memref_slice %arg5[%dma_wait3A_116, %dma_wait3A_120] : memref<4x128xi32, #tpu.memory_space<vmem>> -> memref<1x128xi32, #tpu.memory_space<vmem>>
    %dma_wait3A_122 = tpu.memref_squeeze %dma_wait3A_121 : memref<1x128xi32, #tpu.memory_space<vmem>> -> memref<128xi32, #tpu.memory_space<vmem>>
    %dma_wait3A_123 = arith.constant 0 : i32
    %dma_wait3A_124 = arith.constant 0 : i32
    %dma_wait3A_125 = tpu.memref_slice %arg3[%dma_wait3A_123, %dma_wait3A_124] : memref<1000000x64xf32, #tpu.memory_space<hbm>> -> memref<1000000x64xf32, #tpu.memory_space<hbm>>
    tpu.wait_indirect_dma semaphore(%arg9 : memref<!tpu.dma_semaphore, #tpu.memory_space<semaphore_mem>>) src(%dma_wait3A_125 : memref<1000000x64xf32, #tpu.memory_space<hbm>>) dst(%dma_wait3A_119 : memref<128x64xf32, #tpu.memory_space<vmem>>)
    %dma_wait3A_126 = arith.constant 2 : i32
    %dma_wait3A_127 = arith.constant 256 : i32
    %dma_wait3A_128 = arith.constant 0 : i32
    %dma_wait3A_129 = tpu.memref_slice %arg7[%dma_wait3A_127, %dma_wait3A_128] : memref<512x64xf32, #tpu.memory_space<vmem>> -> memref<128x64xf32, #tpu.memory_space<vmem>>
    %dma_wait3A_130 = arith.constant 0 : i32
    %dma_wait3A_131 = tpu.memref_slice %arg5[%dma_wait3A_126, %dma_wait3A_130] : memref<4x128xi32, #tpu.memory_space<vmem>> -> memref<1x128xi32, #tpu.memory_space<vmem>>
    %dma_wait3A_132 = tpu.memref_squeeze %dma_wait3A_131 : memref<1x128xi32, #tpu.memory_space<vmem>> -> memref<128xi32, #tpu.memory_space<vmem>>
    %dma_wait3A_133 = arith.constant 0 : i32
    %dma_wait3A_134 = arith.constant 0 : i32
    %dma_wait3A_135 = tpu.memref_slice %arg3[%dma_wait3A_133, %dma_wait3A_134] : memref<1000000x64xf32, #tpu.memory_space<hbm>> -> memref<1000000x64xf32, #tpu.memory_space<hbm>>
    tpu.wait_indirect_dma semaphore(%arg9 : memref<!tpu.dma_semaphore, #tpu.memory_space<semaphore_mem>>) src(%dma_wait3A_135 : memref<1000000x64xf32, #tpu.memory_space<hbm>>) dst(%dma_wait3A_129 : memref<128x64xf32, #tpu.memory_space<vmem>>)
    %dma_wait3A_136 = arith.constant 3 : i32
    %dma_wait3A_137 = arith.constant 384 : i32
    %dma_wait3A_138 = arith.constant 0 : i32
    %dma_wait3A_139 = tpu.memref_slice %arg7[%dma_wait3A_137, %dma_wait3A_138] : memref<512x64xf32, #tpu.memory_space<vmem>> -> memref<128x64xf32, #tpu.memory_space<vmem>>
    %dma_wait3A_140 = arith.constant 0 : i32
    %dma_wait3A_141 = tpu.memref_slice %arg5[%dma_wait3A_136, %dma_wait3A_140] : memref<4x128xi32, #tpu.memory_space<vmem>> -> memref<1x128xi32, #tpu.memory_space<vmem>>
    %dma_wait3A_142 = tpu.memref_squeeze %dma_wait3A_141 : memref<1x128xi32, #tpu.memory_space<vmem>> -> memref<128xi32, #tpu.memory_space<vmem>>
    %dma_wait3A_143 = arith.constant 0 : i32
    %dma_wait3A_144 = arith.constant 0 : i32
    %dma_wait3A_145 = tpu.memref_slice %arg3[%dma_wait3A_143, %dma_wait3A_144] : memref<1000000x64xf32, #tpu.memory_space<hbm>> -> memref<1000000x64xf32, #tpu.memory_space<hbm>>
    tpu.wait_indirect_dma semaphore(%arg9 : memref<!tpu.dma_semaphore, #tpu.memory_space<semaphore_mem>>) src(%dma_wait3A_145 : memref<1000000x64xf32, #tpu.memory_space<hbm>>) dst(%dma_wait3A_139 : memref<128x64xf32, #tpu.memory_space<vmem>>)
    %add3A_146 = arith.constant 24576 : i32
    %add3A_147 = arith.addi %mul3A_2, %add3A_146 : i32
    "tpu.region"() ({
      %run_scoped3A = tpu.sem_alloc : memref<!tpu.dma_semaphore, #tpu.memory_space<semaphore_mem>>
      %dma_start3A_190 = arith.constant 0 : i32
      %dma_start3A_191 = tpu.memref_slice %arg4[%add3A_147, %dma_start3A_190] : memref<819200x64xf32, #tpu.memory_space<hbm>> -> memref<512x64xf32, #tpu.memory_space<hbm>>
      %dma_start3A_192 = arith.constant 0 : i32
      %dma_start3A_193 = tpu.memref_slice %arg4[%add3A_147, %dma_start3A_192] : memref<819200x64xf32, #tpu.memory_space<hbm>> -> memref<512x64xf32, #tpu.memory_space<hbm>>
      tpu.enqueue_dma source(%arg7 : memref<512x64xf32, #tpu.memory_space<vmem>>) target(%dma_start3A_193 : memref<512x64xf32, #tpu.memory_space<hbm>>) target_semaphore(%run_scoped3A : memref<!tpu.dma_semaphore, #tpu.memory_space<semaphore_mem>>)
      %dma_wait3A_194 = arith.constant 0 : i32
      %dma_wait3A_195 = tpu.memref_slice %arg4[%add3A_147, %dma_wait3A_194] : memref<819200x64xf32, #tpu.memory_space<hbm>> -> memref<512x64xf32, #tpu.memory_space<hbm>>
      %dma_wait3A_196 = arith.constant 0 : i32
      %dma_wait3A_197 = tpu.memref_slice %arg4[%add3A_147, %dma_wait3A_196] : memref<819200x64xf32, #tpu.memory_space<hbm>> -> memref<512x64xf32, #tpu.memory_space<hbm>>
      tpu.wait_dma2 semaphore(%run_scoped3A : memref<!tpu.dma_semaphore, #tpu.memory_space<semaphore_mem>>) src(%arg7 : memref<512x64xf32, #tpu.memory_space<vmem>>) dst(%dma_wait3A_197 : memref<512x64xf32, #tpu.memory_space<hbm>>)
      tpu.yield
    }) : () -> ()
    %dma_wait3A_148 = arith.constant 0 : i32
    %dma_wait3A_149 = arith.constant 0 : i32
    %dma_wait3A_150 = arith.constant 0 : i32
    %dma_wait3A_151 = tpu.memref_slice %arg8[%dma_wait3A_149, %dma_wait3A_150] : memref<512x64xf32, #tpu.memory_space<vmem>> -> memref<128x64xf32, #tpu.memory_space<vmem>>
    %dma_wait3A_152 = arith.constant 0 : i32
    %dma_wait3A_153 = tpu.memref_slice %arg6[%dma_wait3A_148, %dma_wait3A_152] : memref<4x128xi32, #tpu.memory_space<vmem>> -> memref<1x128xi32, #tpu.memory_space<vmem>>
    %dma_wait3A_154 = tpu.memref_squeeze %dma_wait3A_153 : memref<1x128xi32, #tpu.memory_space<vmem>> -> memref<128xi32, #tpu.memory_space<vmem>>
    %dma_wait3A_155 = arith.constant 0 : i32
    %dma_wait3A_156 = arith.constant 0 : i32
    %dma_wait3A_157 = tpu.memref_slice %arg3[%dma_wait3A_155, %dma_wait3A_156] : memref<1000000x64xf32, #tpu.memory_space<hbm>> -> memref<1000000x64xf32, #tpu.memory_space<hbm>>
    tpu.wait_indirect_dma semaphore(%arg10 : memref<!tpu.dma_semaphore, #tpu.memory_space<semaphore_mem>>) src(%dma_wait3A_157 : memref<1000000x64xf32, #tpu.memory_space<hbm>>) dst(%dma_wait3A_151 : memref<128x64xf32, #tpu.memory_space<vmem>>)
    %dma_wait3A_158 = arith.constant 1 : i32
    %dma_wait3A_159 = arith.constant 128 : i32
    %dma_wait3A_160 = arith.constant 0 : i32
    %dma_wait3A_161 = tpu.memref_slice %arg8[%dma_wait3A_159, %dma_wait3A_160] : memref<512x64xf32, #tpu.memory_space<vmem>> -> memref<128x64xf32, #tpu.memory_space<vmem>>
    %dma_wait3A_162 = arith.constant 0 : i32
    %dma_wait3A_163 = tpu.memref_slice %arg6[%dma_wait3A_158, %dma_wait3A_162] : memref<4x128xi32, #tpu.memory_space<vmem>> -> memref<1x128xi32, #tpu.memory_space<vmem>>
    %dma_wait3A_164 = tpu.memref_squeeze %dma_wait3A_163 : memref<1x128xi32, #tpu.memory_space<vmem>> -> memref<128xi32, #tpu.memory_space<vmem>>
    %dma_wait3A_165 = arith.constant 0 : i32
    %dma_wait3A_166 = arith.constant 0 : i32
    %dma_wait3A_167 = tpu.memref_slice %arg3[%dma_wait3A_165, %dma_wait3A_166] : memref<1000000x64xf32, #tpu.memory_space<hbm>> -> memref<1000000x64xf32, #tpu.memory_space<hbm>>
    tpu.wait_indirect_dma semaphore(%arg10 : memref<!tpu.dma_semaphore, #tpu.memory_space<semaphore_mem>>) src(%dma_wait3A_167 : memref<1000000x64xf32, #tpu.memory_space<hbm>>) dst(%dma_wait3A_161 : memref<128x64xf32, #tpu.memory_space<vmem>>)
    %dma_wait3A_168 = arith.constant 2 : i32
    %dma_wait3A_169 = arith.constant 256 : i32
    %dma_wait3A_170 = arith.constant 0 : i32
    %dma_wait3A_171 = tpu.memref_slice %arg8[%dma_wait3A_169, %dma_wait3A_170] : memref<512x64xf32, #tpu.memory_space<vmem>> -> memref<128x64xf32, #tpu.memory_space<vmem>>
    %dma_wait3A_172 = arith.constant 0 : i32
    %dma_wait3A_173 = tpu.memref_slice %arg6[%dma_wait3A_168, %dma_wait3A_172] : memref<4x128xi32, #tpu.memory_space<vmem>> -> memref<1x128xi32, #tpu.memory_space<vmem>>
    %dma_wait3A_174 = tpu.memref_squeeze %dma_wait3A_173 : memref<1x128xi32, #tpu.memory_space<vmem>> -> memref<128xi32, #tpu.memory_space<vmem>>
    %dma_wait3A_175 = arith.constant 0 : i32
    %dma_wait3A_176 = arith.constant 0 : i32
    %dma_wait3A_177 = tpu.memref_slice %arg3[%dma_wait3A_175, %dma_wait3A_176] : memref<1000000x64xf32, #tpu.memory_space<hbm>> -> memref<1000000x64xf32, #tpu.memory_space<hbm>>
    tpu.wait_indirect_dma semaphore(%arg10 : memref<!tpu.dma_semaphore, #tpu.memory_space<semaphore_mem>>) src(%dma_wait3A_177 : memref<1000000x64xf32, #tpu.memory_space<hbm>>) dst(%dma_wait3A_171 : memref<128x64xf32, #tpu.memory_space<vmem>>)
    %dma_wait3A_178 = arith.constant 3 : i32
    %dma_wait3A_179 = arith.constant 384 : i32
    %dma_wait3A_180 = arith.constant 0 : i32
    %dma_wait3A_181 = tpu.memref_slice %arg8[%dma_wait3A_179, %dma_wait3A_180] : memref<512x64xf32, #tpu.memory_space<vmem>> -> memref<128x64xf32, #tpu.memory_space<vmem>>
    %dma_wait3A_182 = arith.constant 0 : i32
    %dma_wait3A_183 = tpu.memref_slice %arg6[%dma_wait3A_178, %dma_wait3A_182] : memref<4x128xi32, #tpu.memory_space<vmem>> -> memref<1x128xi32, #tpu.memory_space<vmem>>
    %dma_wait3A_184 = tpu.memref_squeeze %dma_wait3A_183 : memref<1x128xi32, #tpu.memory_space<vmem>> -> memref<128xi32, #tpu.memory_space<vmem>>
    %dma_wait3A_185 = arith.constant 0 : i32
    %dma_wait3A_186 = arith.constant 0 : i32
    %dma_wait3A_187 = tpu.memref_slice %arg3[%dma_wait3A_185, %dma_wait3A_186] : memref<1000000x64xf32, #tpu.memory_space<hbm>> -> memref<1000000x64xf32, #tpu.memory_space<hbm>>
    tpu.wait_indirect_dma semaphore(%arg10 : memref<!tpu.dma_semaphore, #tpu.memory_space<semaphore_mem>>) src(%dma_wait3A_187 : memref<1000000x64xf32, #tpu.memory_space<hbm>>) dst(%dma_wait3A_181 : memref<128x64xf32, #tpu.memory_space<vmem>>)
    %add3A_188 = arith.constant 25088 : i32
    %add3A_189 = arith.addi %mul3A_2, %add3A_188 : i32
    "tpu.region"() ({
      %run_scoped3A = tpu.sem_alloc : memref<!tpu.dma_semaphore, #tpu.memory_space<semaphore_mem>>
      %dma_start3A_190 = arith.constant 0 : i32
      %dma_start3A_191 = tpu.memref_slice %arg4[%add3A_189, %dma_start3A_190] : memref<819200x64xf32, #tpu.memory_space<hbm>> -> memref<512x64xf32, #tpu.memory_space<hbm>>
      %dma_start3A_192 = arith.constant 0 : i32
      %dma_start3A_193 = tpu.memref_slice %arg4[%add3A_189, %dma_start3A_192] : memref<819200x64xf32, #tpu.memory_space<hbm>> -> memref<512x64xf32, #tpu.memory_space<hbm>>
      tpu.enqueue_dma source(%arg8 : memref<512x64xf32, #tpu.memory_space<vmem>>) target(%dma_start3A_193 : memref<512x64xf32, #tpu.memory_space<hbm>>) target_semaphore(%run_scoped3A : memref<!tpu.dma_semaphore, #tpu.memory_space<semaphore_mem>>)
      %dma_wait3A_194 = arith.constant 0 : i32
      %dma_wait3A_195 = tpu.memref_slice %arg4[%add3A_189, %dma_wait3A_194] : memref<819200x64xf32, #tpu.memory_space<hbm>> -> memref<512x64xf32, #tpu.memory_space<hbm>>
      %dma_wait3A_196 = arith.constant 0 : i32
      %dma_wait3A_197 = tpu.memref_slice %arg4[%add3A_189, %dma_wait3A_196] : memref<819200x64xf32, #tpu.memory_space<hbm>> -> memref<512x64xf32, #tpu.memory_space<hbm>>
      tpu.wait_dma2 semaphore(%run_scoped3A : memref<!tpu.dma_semaphore, #tpu.memory_space<semaphore_mem>>) src(%arg8 : memref<512x64xf32, #tpu.memory_space<vmem>>) dst(%dma_wait3A_197 : memref<512x64xf32, #tpu.memory_space<hbm>>)
      tpu.yield
    }) : () -> ()
    return
  }
}

</mosaic_0001>

<sc_bundles>
// kernel: kernel.4.cloned.1.call-start
scs
__scs_entry_jumppad:
0x0: {  	(pc) =	sbr.rel $0x88, $3  }
0x1: {  	(tag) =	ssettag $0x0;
	lr =	simm.s32 $0x1  }
0x2: {  	[smem:$0x3F9E] =	sst lr;
	_ =	strace $0xD0000000  }
0x3: {  	_ = 	snop  }
0x4: {  	_ = 	snop  }
0x5: {  	_ = 	snop  }
0x6: {  	_ = 	snop  }
0x7: {  	_ = 	snop  }
__scs_overlays_trampoline_lowered:
0x8: {  	[smem:$0x3FAD] =	sst s0  }
0x9: {  	[smem:$0x3FAE] =	sst s1  }
0xa: {  	[smem:$0x3FAF] =	sst s2  }
0xb: {  	[smem:$0x3FB0] =	sst s3  }
0xc: {  	[smem:$0x3FB1] =	sst s4  }
0xd: {  	[smem:$0x3FB2] =	sst s5  }
0xe: {  	[smem:$0x3FB3] =	sst s6  }
0xf: {  	[smem:$0x3FB4] =	sst s7  }
0x10: {  	[smem:$0x3FB5] =	sst s8  }
0x11: {  	[smem:$0x3FB6] =	sst s9;
	s0 =	simm.s32 @!p0 $0x0  }
0x12: {  	s1 =	sld [smem:$0x3F9C];
	s0 =	simm.s32 @p0 $0x1  }
0x13: {  	[smem:$0x3FB7] =	sst s0;
	s0 =	simm.s32 @!p1 $0x0  }
0x14: {  	s2 =	sld [smem:$0x3F9B];
	s0 =	simm.s32 @p1 $0x1  }
0x15: {  	[smem:$0x3FB8] =	sst s0;
	s0 =	simm.s32 @!p2 $0x0  }
0x16: {  	s3 =	sld [smem:$0x3FDB];
	s0 =	simm.s32 @p2 $0x1  }
0x17: {  	s4 =	simm.s32 $0x1BF5;
	[smem:$0x3FBA] =	sst s0  }
0x18: {  	s0 =	sld [smem:$0x3F9D];
	_ =	swait.ge [sflag:s4], $0x0  }
0x19: {  	s7 =	sld [smem:$0x3F9E]  }
0x1a: {  	s8 =	sadd.s32 $0xFFFFE003, lr  }
0x1b: {  	s9 =	sadd.s32 $0xFFFFFEF7, lr;
	s5 =	simm.s32 $0xFFFFFFFF;
	p2 =	slt.u32 s8, $0xFFFFF086  }
0x1c: {  	p1 =	slt.u32 s9, $0xF7A;
	s5 =	simm.s32 @!p2 $0x0  }
0x1d: {  	s5 =	simm.s32 @p1 $0x1;
	p0 =	seq.s32 s7, s2  }
0x1e: {  	s7 =	smul.u32 @!p0 $0xF7A, s2;
	p2 =	seq.s32 @!p0 s5, $0x0  }
0x1f: {  	s9 =	smul.u32 $0xF7A, s1;
	s8 =	simm.s32 @!p0 $0x1BF5;
	p2 =	por !p2, p0  }
0x20: {  	[sflag:s8] =	ssyncset.s32 @!p0 $0xFFFFF086;
	s6 =	sadd.s32 @!p0 s3, s7;
	s7 =	simm.s32 @!p0 $0x108  }
0x21: {  	s3 =	sadd.s32 s3, s9;
	s6 =	sadd.s32 @!p0 $0x88, s6;
	s7 =	simm.s32 @p2 $0x1082  }
0x22: {  	[simem:s7], [sflag:s8] =	dma.local @!p0 [hbm:s6], $0xF7A  }
0x23: {  	s9 =	sor.u32 $0xD0000000, s2;
	s6 =	simm.s32 $0x108;
	_ =	swait.ge @!p0 [sflag:s8], $0x0  }
0x24: {  	s3 =	sadd.s32 $0x88, s3;
	s6 =	simm.s32 @!p1 $0x1082;
	[sflag:s4] =	ssyncset.s32 $0xFFFFF086  }
0x25: {  	[simem:s6], [sflag:s4] =	dma.local [hbm:s3], $0xF7A  }
0x26: {  	[smem:$0x3F9E] =	sst s1;
	(tag) =	ssettag s2;
	_ =	strace s9  }
0x27: {  	s1 =	sld [smem:$0x3FAE]  }
0x28: {  	s2 =	sld [smem:$0x3FAF]  }
0x29: {  	s4 =	sld [smem:$0x3FB1]  }
0x2a: {  	p0 =	seq.s32 s5, $0x0;
	s5 =	sld [smem:$0x3FB2]  }
0x2b: {  	s6 =	sld [smem:$0x3FB3]  }
0x2c: {  	s7 =	sld [smem:$0x3FB4]  }
0x2d: {  	s3 =	simm.s32 $0x108;
	s8 =	sld [smem:$0x3FB5]  }
0x2e: {  	s3 =	simm.s32 @!p0 $0x1082;
	s9 =	sld [smem:$0x3FB6]  }
0x2f: {  	lr =	sadd.s32 s0, s3;
	s0 =	sld [smem:$0x3FAD]  }
0x30: {  	s3 =	sld [smem:$0x3FB0]  }
0x31: {  	[smem:$0x3FB9] =	sst s10  }
0x32: {  	s10 =	sld [smem:$0x3FB7];
	_ =	sdelay $0x3  }
0x33: {  	p0 =	seq.s32 s10, $0x1;
	s10 =	sld [smem:$0x3FB9];
	_ =	sdelay $0x3  }
0x34: {  	[smem:$0x3FB9] =	sst s10  }
0x35: {  	s10 =	sld [smem:$0x3FB8];
	_ =	sdelay $0x3  }
0x36: {  	p1 =	seq.s32 s10, $0x1;
	s10 =	sld [smem:$0x3FB9];
	_ =	sdelay $0x3  }
0x37: {  	[smem:$0x3FB9] =	sst s10  }
0x38: {  	s10 =	sld [smem:$0x3FBA]  }
0x39: {  	_ = 	snop;
	(pc) =	sbr.ind lr, $3  }
0x3a: {  	_ = 	snop  }
0x3b: {  	_ = 	snop  }
0x3c: {  	p2 =	seq.s32 s10, $0x1;
	s10 =	sld [smem:$0x3FB9]  }
0x3d: {  	_ =	shalt  }
0x3e: {  	_ =	shalt  }
0x3f: {  	_ =	shalt  }
0x40: {  	_ =	shalt  }
0x41: {  	_ =	shalt  }
0x42: {  	_ =	shalt  }
0x43: {  	_ =	shalt  }
0x44: {  	_ =	shalt  }
0x45: {  	_ =	shalt  }
0x46: {  	_ =	shalt  }
0x47: {  	_ =	shalt  }
0x48: {  	_ =	shalt  }
0x49: {  	_ =	shalt  }
0x4a: {  	_ =	shalt  }
0x4b: {  	_ =	shalt  }
0x4c: {  	_ =	shalt  }
0x4d: {  	_ =	shalt  }
0x4e: {  	_ =	shalt  }
0x4f: {  	_ =	shalt  }
0x50: {  	_ =	shalt  }
0x51: {  	_ =	shalt  }
0x52: {  	_ =	shalt  }
0x53: {  	_ =	shalt  }
0x54: {  	_ =	shalt  }
0x55: {  	_ =	shalt  }
0x56: {  	_ =	shalt  }
0x57: {  	_ =	shalt  }
0x58: {  	_ =	shalt  }
0x59: {  	_ =	shalt  }
0x5a: {  	_ =	shalt  }
0x5b: {  	_ =	shalt  }
0x5c: {  	_ =	shalt  }
0x5d: {  	_ =	shalt  }
0x5e: {  	_ =	shalt  }
0x5f: {  	_ =	shalt  }
0x60: {  	_ =	shalt  }
0x61: {  	_ =	shalt  }
0x62: {  	_ =	shalt  }
0x63: {  	_ =	shalt  }
0x64: {  	_ =	shalt  }
0x65: {  	_ =	shalt  }
0x66: {  	_ =	shalt  }
0x67: {  	_ =	shalt  }
0x68: {  	_ =	shalt  }
0x69: {  	_ =	shalt  }
0x6a: {  	_ =	shalt  }
0x6b: {  	_ =	shalt  }
0x6c: {  	_ =	shalt  }
0x6d: {  	_ =	shalt  }
0x6e: {  	_ =	shalt  }
0x6f: {  	_ =	shalt  }
0x70: {  	_ =	shalt  }
0x71: {  	_ =	shalt  }
0x72: {  	_ =	shalt  }
0x73: {  	_ =	shalt  }
0x74: {  	_ =	shalt  }
0x75: {  	_ =	shalt  }
0x76: {  	_ =	shalt  }
0x77: {  	_ =	shalt  }
0x78: {  	_ =	shalt  }
0x79: {  	_ =	shalt  }
0x7a: {  	_ =	shalt  }
0x7b: {  	_ =	shalt  }
0x7c: {  	_ =	shalt  }
0x7d: {  	_ =	shalt  }
0x7e: {  	_ =	shalt  }
0x7f: {  	_ =	shalt  }
0x80: {  	_ =	shalt  }
0x81: {  	_ =	shalt  }
0x82: {  	_ =	shalt  }
0x83: {  	_ =	shalt  }
0x84: {  	_ =	shalt  }
0x85: {  	_ =	shalt  }
0x86: {  	_ =	shalt  }
0x87: {  	_ =	shalt  }
.Lfunc_end0:
.L_simem_size_0:
called_computation.1_lowered:
.L_overlay_start_0:
0x88: {  	s2 =	sld [smem:$0x3FD9]  }
0x89: {  	s3 =	sld [smem:$0x3FFE];
	_ =	sdelay $0x1  }
0x8a: {  	s1 =	srdreg.scid  }
0x8b: {  	s0 =	sand.u32 $0x1, s1  }
0x8c: {  	s16 =	sshll.u32 s0, $0xA;
	s2 =	sadd.s32 s3, s2  }
0x8d: {  	s2 =	sadd.s32 s2, s16  }
0x8e: {  	[smem:$0x3FC5] =	sst s2  }
0x8f: {  	_ = 	snop  }
0x90: {  	(tm) =	ssettm $0x1  }
0x91: {  	s17 =	sld [smem:$0x3FFB];
	_ =	sdelay $0x3  }
0x92: {  	_ =	strace s17  }
0x93: {  	s2 =	sld [smem:$0x3FFC];
	_ =	sdelay $0x3  }
0x94: {  	_ =	strace s2  }
0x95: {  	s2 =	sld [smem:$0x3FFD];
	_ =	sdelay $0x3  }
0x96: {  	_ =	strace s2  }
0x97: {  	_ =	strace $0x8FFFFFFF  }
0x98: {  	s18 =	sld [smem:$0x3FDB];
	_ =	sdelay $0x1  }
0x99: {  	s19 =	simm.s32 $_scs_section_size  }
0x9a: {  	s4 =	simm.s32 $_size__tile_overlayer_lowered;
	s5 =	simm.s32 $_tile_overlayer_lowered  }
0x9b: {  	s22 =	simm.s32 $0x1BFF;
	s21 =	sshll.u32 s5, $0x1;
	s2 =	sadd.s32 s19, s18  }
0x9c: {  	s6 =	simm.s32 $0x0;
	s20 =	sshll.u32 s4, $0x1;
	s4 =	sadd.s32 s21, s2  }
0x9d: {  	[timem:s6], [sflag:s22] =	dma.local [hbm:s4], s20  }
0x9e: {  	_ =	swait.ge [sflag:s22], s20  }
0x9f: {  	s3 =	ssub.s32 $0x0, s20;
	[sflag:s22] =	ssyncset.done $0x0  }
0xa0: {  	[sflag:s22] =	ssyncadd.s32 s3;
	_ =	sdelay $0x1  }
0xa1: {  	s23 =	simm.s32 $0x1B8B  }
0xa2: {  	_ =	swait.ge [sflag:s23], $0x1  }
0xa3: {  	[sflag:s23] =	ssyncset.done $0x0  }
0xa4: {  	s25 =	simm.s32 $0x1B8E;
	s24 =	sld [smem:$0x3FFE];
	[sflag:s23] =	ssyncadd.s32 $0xFFFFFFFF  }
0xa5: {  	s26 =	simm.s32 $execute0_lowered;
	[smem:$0x3FD2] =	sst s25  }
0xa6: {  	s4 =	sshll.u32 s26, $0x1;
	_ =	strace $0x80000046;
	[dreg:$0x1] =	wrdreg $0xFFFFFFFF  }
0xa7: {  	s28 =	simm.s32 $_size_execute0_lowered;
	s2 =	sadd.s32 s2, s4;
	[dreg:$0x0] =	wrdreg $0x0  }
0xa8: {  	s4 =	sshll.u32 s28, $0x1;
	[dreg:$0x2] =	wrdreg s2  }
0xa9: {  	[dreg:$0x3] =	wrdreg s4  }
0xaa: {  	[dreg:$0x4] =	wrdreg $0xC0  }
0xab: {  	_ =	task [dreg:s6], $0x5FFFF  }
0xac: {  	[dreg:$0x1] =	wrdreg $0xFFFFFFFF  }
0xad: {  	[dreg:$0x0] =	wrdreg $0x60  }
0xae: {  	[dreg:$0x2] =	wrdreg s24  }
0xaf: {  	[dreg:$0x3] =	wrdreg $0x9  }
0xb0: {  	_ =	task.clear_ibuf [dreg:s6], $0x4FFFF;
	_ =	strace $0x90000046  }
0xb1: {  	s29 =	simm.s32 $0x9;
	_ =	strace $0x80000048  }
0xb2: {  	_ =	swait.ge [sflag:s29], $0x1  }
0xb3: {  	[sflag:s29] =	ssyncadd.s32 $0xFFFFFFFF  }
0xb4: {  	_ =	strace $0x90000048  }
0xb5: {  	_ =	sfence  }
0xb6: {  	s30 =	sld [smem:$0x0];
	_ =	sdelay $0x2  }
0xb7: {  	s31 =	sshll.u32 s1, $0xD;
	s1 =	sshrl.u32 s1, $0x2  }
0xb8: {  	s3 =	sand.u32 $0x4000, s31;
	s1 =	sadd.s32 s1, s30  }
0xb9: {  	s0 =	sor.u32 s3, s0;
	s1 =	sshll.u32 s1, $0x11  }
0xba: {  	s0 =	sor.u32 s1, s0  }
0xbb: {  	s0 =	sadd.s32 $0x8F2B, s0  }
0xbc: {  	[sflag:s0] =	ssyncadd.remote.s32 $0x1  }
0xbd: {  	_ =	sfence.sel $0xFFFF  }
0xbe: {  	[dreg:$0x0] =	wrdreg $0xFFFFFFFF;
	(pc) =	sbr.abs _section_cstart, $3  }
0xbf: {  	[dreg:$0x1] =	wrdreg $0xFFFFFFFF  }
0xc0: {  	_ =	task.clear_ibuf [dreg:s6], $0x2FFFF;
	_ =	strace $0x9FFFFFFF  }
0xc1: {  	(tm) =	ssettm $0x7FFFFFFF  }
tec
execute0_lowered:
.L_overlay_start_1:
0x0: {  	(tag) =	ssettag $0x1  }
0x1: {  	s0 =	rddreg [dreg:$0x0];
	s2 =	simm.s32 $0x0;
	s1 =	srdreg.scid  }
0x2: {  	s15 =	stileid.u32;
	s16 =	simm.s32 $0x5;
	s17 =	simm.s32 $0x1F40  }
0x3: {  	s18 =	simm.s32 $0x1;
	s1 =	sand.u32 $0x1, s1;
	s3 =	sshll.u32 s15, $0x1  }
0x4: {  	s19 =	simm.s32 $0x3E80;
	s20 =	simm.s32 $0x2;
	s3 =	sor.u32 s1, s3  }
0x5: {  	s21 =	simm.s32 $0xBB80;
	s22 =	simm.s32 $0x3;
	s7 =	smul.u32 $0x3E8, s3  }
0x6: {  	s23 =	simm.s32 $0x4;
	s24 =	simm.s32 $0x0;
	s10 =	smul.u32 $0x1F40, s3  }
0x7: {  	[smem:$0x7FF] =	sst s2;
	s4 =	sadd.s32 $0x1000, s0;
	s31 =	smul.u32 $0x7D00, s3  }
0x8: {  	s5 =	sadd.s32 $0xE00, s0;
	s9 =	sor.u32 $0x20, s3;
	s11 =	smul.u32 $0xFA0, s3  }
0x9: {  	s6 =	sadd.s32 $0x1E9600, s0;
	s1 =	ssub.s32 $0x2, s1;
	s8 =	smul.u32 $0x3E8, s9  }
0xa: {  	p0 =	sgt.u32 s15, $0x7;
	s30 =	sshrl.u32 s1, $0x1;
	s12 =	smul.u32 $0xFA0, s9  }
.Ltmp0:
0xb: {  	_ =	strace $0x80000047;
	s0 =	ssub.s32 s1, s30;
	(pc) =	sbr.rel .LBB2_1-.Ltmp0, $4  }
0xc: {  	s7 =	sadd.s32 s4, s7;
	s10 =	sshrl.u32 s10, $0x3;
	s1 =	sshrl.u32 s31, $0x3  }
0xd: {  	s9 =	sadd.s32 s6, s11;
	s14 =	smax.u32 s0, $0x1;
	s8 =	sadd.s32 s4, s8  }
0xe: {  	s10 =	sadd.s32 s4, s10;
	s1 =	sadd.s32 s6, s1;
	s11 =	sadd.s32 s6, s12  }
0xf: {  	s12 =	sor.u32 $0x40, s3;
	s10 =	sadd.s32 $0xFA00, s10;
	s13 =	sadd.s32 $0x791800, s1  }
.LBB2_15:
0x10: {  	s24 =	sadd.s32 $0x1, s24  }
0x11: {  	p1 =	sne.s32 s24, s14  }
.Ltmp1:
0x12: {  	_ = 	snop;
	(pc) =	sbr.rel @!p1 .LBB2_16-.Ltmp1, $4  }
0x13: {  	_ = 	snop  }
0x14: {  	_ =	swait.ge [sflag:s23], $0x7D00  }
0x15: {  	[sflag:s23] =	ssyncset.done $0x0  }
0x16: {  	[sflag:s23] =	ssyncadd.s32 $0xFFFF8300  }
.LBB2_1:
0x17: {  	s0 =	simm.s32 $0x13880  }
0x18: {  	[tilespmem:s0], [sflag:$0x5] =	stream.linear.gather [hbm4b:s5+s2], $0x100, $0x38;
	[tilespmem:$0x13980] =	vst v63  }
0x19: {  	_ =	swait.ge [sflag:s16], $0x100  }
0x1a: {  	[sflag:s16] =	ssyncset.done $0x0  }
0x1b: {  	[sflag:s16] =	ssyncadd.s32 $0xFFFFFF00  }
0x1c: {  	v1 =	vld [tilespmem:$0x13880]  }
0x1d: {  	v3 =	vld [tilespmem:$0x13890]  }
0x1e: {  	v4 =	vld [tilespmem:$0x138A0]  }
0x1f: {  	v0 =	vld [tilespmem:$0x138B0]  }
0x20: {  	v6 =	vld [tilespmem:$0x138C0]  }
0x21: {  	v7 =	vld [tilespmem:$0x138D0]  }
0x22: {  	v8 =	vld [tilespmem:$0x138E0]  }
0x23: {  	v2 =	vld [tilespmem:$0x138F0]  }
0x24: {  	v9 =	vld [tilespmem:$0x13900]  }
0x25: {  	v10 =	vld [tilespmem:$0x13910]  }
0x26: {  	v12 =	vld [tilespmem:$0x13920]  }
0x27: {  	v5 =	vld [tilespmem:$0x13930]  }
0x28: {  	v13 =	vld [tilespmem:$0x13940]  }
0x29: {  	v14 =	vld [tilespmem:$0x13950]  }
0x2a: {  	v15 =	vld [tilespmem:$0x13960]  }
0x2b: {  	v11 =	vld [tilespmem:$0x13970];
	[tilespmem:s2], [sflag:$0x1] =	stream.linear.gather [hbm4b:s7+s2], $0x1F40, $0x38  }
0x2c: {  	_ = 	snop  }
0x2d: {  	[tilespmem:s17], [sflag:$0x2] =	stream.linear.gather [hbm4b:s8+s2], $0x1F40, $0x38;
	[tilespmem:$0x13980] =	vst v63  }
0x2e: {  	_ =	swait.ge [sflag:s18], $0x1F40  }
0x2f: {  	[sflag:s18] =	ssyncset.done $0x0  }
0x30: {  	s26 =	simm.s32 $0x0;
	[sflag:s18] =	ssyncadd.s32 $0xFFFFE0C0  }
0x31: {  	v16 =	vld [tilespmem:s26+$0x0];
	_ =	sdelay $0x4  }
0x32: {  	v17 =	vmul.f32 v16, v13  }
0x33: {  	s25 =	simm.s32 $0x3F00;
	v18 =	vmul.f32 v16, v1  }
0x34: {  	v19 =	vmul.f32 v16, v6;
	[tilespmem:s25+$0x40] =	vst v17  }
0x35: {  	v16 =	vmul.f32 v16, v9;
	[tilespmem:s25+$0xFFFFFF80] =	vst v18  }
0x36: {  	[tilespmem:s25+$0xFFFFFFC0] =	vst v19  }
0x37: {  	[tilespmem:s25+$0x0] =	vst v16  }
0x38: {  	v16 =	vld [tilespmem:s26+$0x10];
	_ =	sdelay $0x4  }
0x39: {  	v17 =	vmul.f32 v16, v3  }
0x3a: {  	v18 =	vmul.f32 v16, v14  }
0x3b: {  	v19 =	vmul.f32 v16, v7;
	[tilespmem:s25+$0xFFFFFF90] =	vst v17  }
0x3c: {  	v16 =	vmul.f32 v16, v10;
	[tilespmem:s25+$0x50] =	vst v18  }
0x3d: {  	[tilespmem:s25+$0xFFFFFFD0] =	vst v19  }
0x3e: {  	[tilespmem:s25+$0x10] =	vst v16  }
0x3f: {  	v17 =	vld [tilespmem:s26+$0x20];
	_ =	sdelay $0x4  }
0x40: {  	v16 =	vmul.f32 v17, v4  }
0x41: {  	v18 =	vmul.f32 v17, v8  }
0x42: {  	[tilespmem:s25+$0xFFFFFFA0] =	vst v16  }
0x43: {  	s28 =	simm.s32 $0x100;
	s0 =	simm.s32 $0x3F00;
	v16 =	vmul.f32 v17, v12;
	v17 =	vmul.f32 v17, v15;
	[tilespmem:s25+$0xFFFFFFE0] =	vst v18  }
.LBB2_2:
0x44: {  	p1 =	sne.s32 s28, $0x7C00  }
0x45: {  	[tilespmem:s25+$0x60] =	vst v17;
	s0 =	sadd.s32 $0x100, s0;
	s1 =	smov.u32 s28;
	s28 =	sadd.s32 $0x100, s28  }
0x46: {  	[tilespmem:s25+$0x20] =	vst v16  }
0x47: {  	v16 =	vld [tilespmem:s26+$0x30];
	_ =	sdelay $0x4  }
0x48: {  	v17 =	vmul.f32 v16, v0;
	v18 =	vmul.f32 v16, v2  }
0x49: {  	v19 =	vmul.f32 v16, v5;
	v16 =	vmul.f32 v16, v11  }
0x4a: {  	[tilespmem:s25+$0xFFFFFFB0] =	vst v17  }
0x4b: {  	[tilespmem:s25+$0x70] =	vst v16  }
0x4c: {  	[tilespmem:s25+$0xFFFFFFF0] =	vst v18  }
0x4d: {  	s26 =	sshra.s32 s1, $0x2;
	[tilespmem:s25+$0x30] =	vst v19;
	s25 =	smov.u32 s0  }
0x4e: {  	v16 =	vld [tilespmem:s26+$0x0];
	_ =	sdelay $0x4  }
0x4f: {  	v17 =	vmul.f32 v16, v1;
	v18 =	vmul.f32 v16, v13  }
0x50: {  	v19 =	vmul.f32 v16, v6;
	v16 =	vmul.f32 v16, v9  }
0x51: {  	[tilespmem:s0+$0x40] =	vst v18  }
0x52: {  	[tilespmem:s0+$0xFFFFFF80] =	vst v17  }
0x53: {  	[tilespmem:s0+$0xFFFFFFC0] =	vst v19  }
0x54: {  	[tilespmem:s0+$0x0] =	vst v16  }
0x55: {  	v16 =	vld [tilespmem:s26+$0x10];
	_ =	sdelay $0x4  }
0x56: {  	v17 =	vmul.f32 v16, v3;
	v18 =	vmul.f32 v16, v7  }
0x57: {  	v19 =	vmul.f32 v16, v10;
	v16 =	vmul.f32 v16, v14  }
0x58: {  	[tilespmem:s0+$0xFFFFFF90] =	vst v17  }
0x59: {  	[tilespmem:s0+$0x50] =	vst v16  }
0x5a: {  	[tilespmem:s0+$0xFFFFFFD0] =	vst v18  }
0x5b: {  	[tilespmem:s0+$0x10] =	vst v19  }
0x5c: {  	v17 =	vld [tilespmem:s26+$0x20];
	_ =	sdelay $0x3  }
.Ltmp2:
0x5d: {  	(pc) =	sbr.rel @p1 .LBB2_2-.Ltmp2, $4  }
0x5e: {  	v18 =	vmul.f32 v17, v4;
	v19 =	vmul.f32 v17, v8  }
0x5f: {  	v16 =	vmul.f32 v17, v12;
	v17 =	vmul.f32 v17, v15  }
0x60: {  	[tilespmem:s0+$0xFFFFFFA0] =	vst v18  }
0x61: {  	[tilespmem:s0+$0xFFFFFFE0] =	vst v19  }
0x62: {  	[tilespmem:s25+$0x60] =	vst v17  }
0x63: {  	[tilespmem:s25+$0x20] =	vst v16  }
0x64: {  	v16 =	vld [tilespmem:s26+$0x30];
	_ =	sdelay $0x4  }
0x65: {  	v17 =	vmul.f32 v16, v0  }
0x66: {  	v18 =	vmul.f32 v16, v11  }
0x67: {  	v19 =	vmul.f32 v16, v2;
	[tilespmem:s25+$0xFFFFFFB0] =	vst v17  }
0x68: {  	v16 =	vmul.f32 v16, v5;
	[tilespmem:s25+$0x70] =	vst v18  }
0x69: {  	[tilespmem:s25+$0xFFFFFFF0] =	vst v19  }
0x6a: {  	s0 =	simm.s32 $0x0;
	[tilespmem:s25+$0x30] =	vst v16  }
0x6b: {  	[hbm4b:s9+s0] =	stream.linear.scatter [tilespmem:s19], [sflag:$0x3], $0x7D00, $0x38;
	[tilespmem:$0x13980] =	vst v63  }
0x6c: {  	_ = 	snop  }
0x6d: {  	[tilespmem:s0], [sflag:$0x1] =	stream.linear.gather [hbm4b:s10+s0], $0x1F40, $0x38;
	[tilespmem:$0x13980] =	vst v63  }
0x6e: {  	_ =	swait.ge [sflag:s20], $0x1F40  }
0x6f: {  	[sflag:s20] =	ssyncset.done $0x0  }
0x70: {  	s26 =	simm.s32 $0x0;
	[sflag:s20] =	ssyncadd.s32 $0xFFFFE0C0  }
0x71: {  	v16 =	vld [tilespmem:s26+$0x1F40];
	_ =	sdelay $0x4  }
0x72: {  	v17 =	vmul.f32 v16, v13  }
0x73: {  	s25 =	simm.s32 $0xBC00;
	v18 =	vmul.f32 v16, v1  }
0x74: {  	v19 =	vmul.f32 v16, v6;
	[tilespmem:s25+$0x40] =	vst v17  }
0x75: {  	v16 =	vmul.f32 v16, v9;
	[tilespmem:s25+$0xFFFFFF80] =	vst v18  }
0x76: {  	[tilespmem:s25+$0xFFFFFFC0] =	vst v19  }
0x77: {  	[tilespmem:s25+$0x0] =	vst v16  }
0x78: {  	v16 =	vld [tilespmem:s26+$0x1F50];
	_ =	sdelay $0x4  }
0x79: {  	v17 =	vmul.f32 v16, v3  }
0x7a: {  	v18 =	vmul.f32 v16, v14  }
0x7b: {  	v19 =	vmul.f32 v16, v7;
	[tilespmem:s25+$0xFFFFFF90] =	vst v17  }
0x7c: {  	v16 =	vmul.f32 v16, v10;
	[tilespmem:s25+$0x50] =	vst v18  }
0x7d: {  	[tilespmem:s25+$0xFFFFFFD0] =	vst v19  }
0x7e: {  	[tilespmem:s25+$0x10] =	vst v16  }
0x7f: {  	v17 =	vld [tilespmem:s26+$0x1F60];
	_ =	sdelay $0x4  }
0x80: {  	v16 =	vmul.f32 v17, v4  }
0x81: {  	v18 =	vmul.f32 v17, v8  }
0x82: {  	[tilespmem:s25+$0xFFFFFFA0] =	vst v16  }
0x83: {  	s28 =	simm.s32 $0x100;
	s0 =	simm.s32 $0xBC00;
	v16 =	vmul.f32 v17, v12;
	v17 =	vmul.f32 v17, v15;
	[tilespmem:s25+$0xFFFFFFE0] =	vst v18  }
.LBB2_4:
0x84: {  	p1 =	sne.s32 s28, $0x7C00  }
0x85: {  	[tilespmem:s25+$0x60] =	vst v17;
	s0 =	sadd.s32 $0x100, s0;
	s1 =	smov.u32 s28;
	s28 =	sadd.s32 $0x100, s28  }
0x86: {  	[tilespmem:s25+$0x20] =	vst v16  }
0x87: {  	v16 =	vld [tilespmem:s26+$0x1F70];
	_ =	sdelay $0x4  }
0x88: {  	v17 =	vmul.f32 v16, v0;
	v18 =	vmul.f32 v16, v2  }
0x89: {  	v19 =	vmul.f32 v16, v5;
	v16 =	vmul.f32 v16, v11  }
0x8a: {  	[tilespmem:s25+$0xFFFFFFB0] =	vst v17  }
0x8b: {  	[tilespmem:s25+$0x70] =	vst v16  }
0x8c: {  	[tilespmem:s25+$0xFFFFFFF0] =	vst v18  }
0x8d: {  	s26 =	sshra.s32 s1, $0x2;
	[tilespmem:s25+$0x30] =	vst v19;
	s25 =	smov.u32 s0  }
0x8e: {  	v16 =	vld [tilespmem:s26+$0x1F40];
	_ =	sdelay $0x4  }
0x8f: {  	v17 =	vmul.f32 v16, v1;
	v18 =	vmul.f32 v16, v13  }
0x90: {  	v19 =	vmul.f32 v16, v6;
	v16 =	vmul.f32 v16, v9  }
0x91: {  	[tilespmem:s0+$0x40] =	vst v18  }
0x92: {  	[tilespmem:s0+$0xFFFFFF80] =	vst v17  }
0x93: {  	[tilespmem:s0+$0xFFFFFFC0] =	vst v19  }
0x94: {  	[tilespmem:s0+$0x0] =	vst v16  }
0x95: {  	v16 =	vld [tilespmem:s26+$0x1F50];
	_ =	sdelay $0x4  }
0x96: {  	v17 =	vmul.f32 v16, v3;
	v18 =	vmul.f32 v16, v7  }
0x97: {  	v19 =	vmul.f32 v16, v10;
	v16 =	vmul.f32 v16, v14  }
0x98: {  	[tilespmem:s0+$0xFFFFFF90] =	vst v17  }
0x99: {  	[tilespmem:s0+$0x50] =	vst v16  }
0x9a: {  	[tilespmem:s0+$0xFFFFFFD0] =	vst v18  }
0x9b: {  	[tilespmem:s0+$0x10] =	vst v19  }
0x9c: {  	v17 =	vld [tilespmem:s26+$0x1F60];
	_ =	sdelay $0x3  }
.Ltmp3:
0x9d: {  	(pc) =	sbr.rel @p1 .LBB2_4-.Ltmp3, $4  }
0x9e: {  	v18 =	vmul.f32 v17, v4;
	v19 =	vmul.f32 v17, v8  }
0x9f: {  	v16 =	vmul.f32 v17, v12;
	v17 =	vmul.f32 v17, v15  }
0xa0: {  	[tilespmem:s0+$0xFFFFFFA0] =	vst v18  }
0xa1: {  	[tilespmem:s0+$0xFFFFFFE0] =	vst v19  }
0xa2: {  	[tilespmem:s25+$0x60] =	vst v17  }
0xa3: {  	[tilespmem:s25+$0x20] =	vst v16  }
0xa4: {  	v16 =	vld [tilespmem:s26+$0x1F70];
	_ =	sdelay $0x4  }
0xa5: {  	v17 =	vmul.f32 v16, v0  }
0xa6: {  	v18 =	vmul.f32 v16, v11  }
0xa7: {  	v19 =	vmul.f32 v16, v2;
	[tilespmem:s25+$0xFFFFFFB0] =	vst v17  }
0xa8: {  	v16 =	vmul.f32 v16, v5;
	[tilespmem:s25+$0x70] =	vst v18  }
0xa9: {  	[tilespmem:s25+$0xFFFFFFF0] =	vst v19  }
0xaa: {  	[tilespmem:s25+$0x30] =	vst v16;
	s25 =	simm.s32 $0x1  }
0xab: {  	[hbm4b:s11+s2] =	stream.linear.scatter [tilespmem:s21], [sflag:$0x4], $0x7D00, $0x38;
	[tilespmem:$0x13980] =	vst v63  }
.LBB2_6:
0xac: {  	s28 =	sshll.u32 s25, $0x6  }
0xad: {  	s29 =	sor.u32 s28, s3  }
0xae: {  	s26 =	sor.u32 $0x20, s29  }
0xaf: {  	s0 =	smul.u32 $0x3E8, s26;
	_ =	sdelay $0x1  }
0xb0: {  	s1 =	simm.s32 $0x0;
	s0 =	sadd.s32 s4, s0  }
0xb1: {  	[tilespmem:s17], [sflag:$0x2] =	stream.linear.gather [hbm4b:s0+s1], $0x1F40, $0x38;
	[tilespmem:$0x13980] =	vst v63  }
0xb2: {  	_ =	swait.ge [sflag:s22], $0x7D00  }
0xb3: {  	[sflag:s22] =	ssyncset.done $0x0  }
0xb4: {  	[sflag:s22] =	ssyncadd.s32 $0xFFFF8300  }
0xb5: {  	_ =	swait.ge [sflag:s18], $0x1F40  }
0xb6: {  	[sflag:s18] =	ssyncset.done $0x0  }
0xb7: {  	s31 =	simm.s32 $0x0;
	[sflag:s18] =	ssyncadd.s32 $0xFFFFE0C0  }
0xb8: {  	v16 =	vld [tilespmem:s31+$0x0];
	_ =	sdelay $0x4  }
0xb9: {  	v17 =	vmul.f32 v16, v13  }
0xba: {  	s30 =	simm.s32 $0x3F00;
	v18 =	vmul.f32 v16, v1  }
0xbb: {  	v19 =	vmul.f32 v16, v6;
	[tilespmem:s30+$0x40] =	vst v17  }
0xbc: {  	v16 =	vmul.f32 v16, v9;
	[tilespmem:s30+$0xFFFFFF80] =	vst v18  }
0xbd: {  	[tilespmem:s30+$0xFFFFFFC0] =	vst v19  }
0xbe: {  	[tilespmem:s30+$0x0] =	vst v16  }
0xbf: {  	v16 =	vld [tilespmem:s31+$0x10];
	_ =	sdelay $0x4  }
0xc0: {  	v17 =	vmul.f32 v16, v3  }
0xc1: {  	v18 =	vmul.f32 v16, v14  }
0xc2: {  	v19 =	vmul.f32 v16, v7;
	[tilespmem:s30+$0xFFFFFF90] =	vst v17  }
0xc3: {  	v16 =	vmul.f32 v16, v10;
	[tilespmem:s30+$0x50] =	vst v18  }
0xc4: {  	[tilespmem:s30+$0xFFFFFFD0] =	vst v19  }
0xc5: {  	[tilespmem:s30+$0x10] =	vst v16  }
0xc6: {  	v17 =	vld [tilespmem:s31+$0x20];
	_ =	sdelay $0x4  }
0xc7: {  	v16 =	vmul.f32 v17, v4  }
0xc8: {  	v18 =	vmul.f32 v17, v8  }
0xc9: {  	[tilespmem:s30+$0xFFFFFFA0] =	vst v16  }
0xca: {  	s0 =	simm.s32 $0x100;
	s1 =	simm.s32 $0x3F00;
	v16 =	vmul.f32 v17, v12;
	v17 =	vmul.f32 v17, v15;
	[tilespmem:s30+$0xFFFFFFE0] =	vst v18  }
.LBB2_7:
0xcb: {  	p1 =	sne.s32 s0, $0x7C00  }
0xcc: {  	[tilespmem:s30+$0x60] =	vst v17;
	s1 =	sadd.s32 $0x100, s1;
	s15 =	smov.u32 s0;
	s0 =	sadd.s32 $0x100, s0  }
0xcd: {  	[tilespmem:s30+$0x20] =	vst v16  }
0xce: {  	v16 =	vld [tilespmem:s31+$0x30];
	_ =	sdelay $0x4  }
0xcf: {  	v17 =	vmul.f32 v16, v0;
	v18 =	vmul.f32 v16, v2  }
0xd0: {  	v19 =	vmul.f32 v16, v5;
	v16 =	vmul.f32 v16, v11  }
0xd1: {  	[tilespmem:s30+$0xFFFFFFB0] =	vst v17  }
0xd2: {  	[tilespmem:s30+$0x70] =	vst v16  }
0xd3: {  	[tilespmem:s30+$0xFFFFFFF0] =	vst v18  }
0xd4: {  	s31 =	sshra.s32 s15, $0x2;
	[tilespmem:s30+$0x30] =	vst v19;
	s30 =	smov.u32 s1  }
0xd5: {  	v16 =	vld [tilespmem:s31+$0x0];
	_ =	sdelay $0x4  }
0xd6: {  	v17 =	vmul.f32 v16, v1;
	v18 =	vmul.f32 v16, v13  }
0xd7: {  	v19 =	vmul.f32 v16, v6;
	v16 =	vmul.f32 v16, v9  }
0xd8: {  	[tilespmem:s1+$0x40] =	vst v18  }
0xd9: {  	[tilespmem:s1+$0xFFFFFF80] =	vst v17  }
0xda: {  	[tilespmem:s1+$0xFFFFFFC0] =	vst v19  }
0xdb: {  	[tilespmem:s1+$0x0] =	vst v16  }
0xdc: {  	v16 =	vld [tilespmem:s31+$0x10];
	_ =	sdelay $0x4  }
0xdd: {  	v17 =	vmul.f32 v16, v3;
	v18 =	vmul.f32 v16, v7  }
0xde: {  	v19 =	vmul.f32 v16, v10;
	v16 =	vmul.f32 v16, v14  }
0xdf: {  	[tilespmem:s1+$0xFFFFFF90] =	vst v17  }
0xe0: {  	[tilespmem:s1+$0x50] =	vst v16  }
0xe1: {  	[tilespmem:s1+$0xFFFFFFD0] =	vst v18  }
0xe2: {  	[tilespmem:s1+$0x10] =	vst v19  }
0xe3: {  	v17 =	vld [tilespmem:s31+$0x20];
	_ =	sdelay $0x3  }
.Ltmp4:
0xe4: {  	(pc) =	sbr.rel @p1 .LBB2_7-.Ltmp4, $4  }
0xe5: {  	v18 =	vmul.f32 v17, v4;
	v19 =	vmul.f32 v17, v8  }
0xe6: {  	v16 =	vmul.f32 v17, v12;
	v17 =	vmul.f32 v17, v15  }
0xe7: {  	[tilespmem:s1+$0xFFFFFFA0] =	vst v18  }
0xe8: {  	[tilespmem:s1+$0xFFFFFFE0] =	vst v19  }
0xe9: {  	[tilespmem:s30+$0x60] =	vst v17  }
0xea: {  	[tilespmem:s30+$0x20] =	vst v16  }
0xeb: {  	v16 =	vld [tilespmem:s31+$0x30];
	_ =	sdelay $0x4  }
0xec: {  	v17 =	vmul.f32 v16, v0  }
0xed: {  	v18 =	vmul.f32 v16, v11  }
0xee: {  	v19 =	vmul.f32 v16, v2;
	[tilespmem:s30+$0xFFFFFFB0] =	vst v17  }
0xef: {  	s0 =	smul.u32 $0xFA0, s29;
	s1 =	sadd.s32 s12, s28;
	v16 =	vmul.f32 v16, v5;
	[tilespmem:s30+$0x70] =	vst v18  }
0xf0: {  	s1 =	smin.u32 s1, $0x7CF;
	[tilespmem:s30+$0xFFFFFFF0] =	vst v19  }
0xf1: {  	s15 =	simm.s32 $0x0;
	s0 =	sadd.s32 s6, s0;
	s1 =	smul.u32 $0x3E8, s1;
	[tilespmem:s30+$0x30] =	vst v16  }
0xf2: {  	[hbm4b:s0+s15] =	stream.linear.scatter [tilespmem:s19], [sflag:$0x3], $0x7D00, $0x38;
	[tilespmem:$0x13980] =	vst v63  }
0xf3: {  	s31 =	sadd.s32 s4, s1  }
0xf4: {  	[tilespmem:s15], [sflag:$0x1] =	stream.linear.gather [hbm4b:s31+s15], $0x1F40, $0x38;
	[tilespmem:$0x13980] =	vst v63  }
0xf5: {  	_ =	swait.ge [sflag:s23], $0x7D00  }
0xf6: {  	[sflag:s23] =	ssyncset.done $0x0  }
0xf7: {  	[sflag:s23] =	ssyncadd.s32 $0xFFFF8300  }
0xf8: {  	_ =	swait.ge [sflag:s20], $0x1F40  }
0xf9: {  	[sflag:s20] =	ssyncset.done $0x0  }
0xfa: {  	s29 =	simm.s32 $0x0;
	[sflag:s20] =	ssyncadd.s32 $0xFFFFE0C0  }
0xfb: {  	v16 =	vld [tilespmem:s29+$0x1F40];
	_ =	sdelay $0x4  }
0xfc: {  	v17 =	vmul.f32 v16, v13  }
0xfd: {  	s28 =	simm.s32 $0xBC00;
	v18 =	vmul.f32 v16, v1  }
0xfe: {  	v19 =	vmul.f32 v16, v6;
	[tilespmem:s28+$0x40] =	vst v17  }
0xff: {  	v16 =	vmul.f32 v16, v9;
	[tilespmem:s28+$0xFFFFFF80] =	vst v18  }
0x100: {  	[tilespmem:s28+$0xFFFFFFC0] =	vst v19  }
0x101: {  	[tilespmem:s28+$0x0] =	vst v16  }
0x102: {  	v16 =	vld [tilespmem:s29+$0x1F50];
	_ =	sdelay $0x4  }
0x103: {  	v17 =	vmul.f32 v16, v3  }
0x104: {  	v18 =	vmul.f32 v16, v14  }
0x105: {  	v19 =	vmul.f32 v16, v7;
	[tilespmem:s28+$0xFFFFFF90] =	vst v17  }
0x106: {  	v16 =	vmul.f32 v16, v10;
	[tilespmem:s28+$0x50] =	vst v18  }
0x107: {  	[tilespmem:s28+$0xFFFFFFD0] =	vst v19  }
0x108: {  	[tilespmem:s28+$0x10] =	vst v16  }
0x109: {  	v17 =	vld [tilespmem:s29+$0x1F60];
	_ =	sdelay $0x4  }
0x10a: {  	v16 =	vmul.f32 v17, v4  }
0x10b: {  	v18 =	vmul.f32 v17, v8  }
0x10c: {  	[tilespmem:s28+$0xFFFFFFA0] =	vst v16  }
0x10d: {  	s1 =	simm.s32 $0xBC00;
	s0 =	simm.s32 $0x100;
	v16 =	vmul.f32 v17, v12;
	v17 =	vmul.f32 v17, v15;
	[tilespmem:s28+$0xFFFFFFE0] =	vst v18  }
.LBB2_9:
0x10e: {  	p1 =	sne.s32 s0, $0x7C00  }
0x10f: {  	[tilespmem:s28+$0x60] =	vst v17;
	s1 =	sadd.s32 $0x100, s1;
	s15 =	smov.u32 s0;
	s0 =	sadd.s32 $0x100, s0  }
0x110: {  	[tilespmem:s28+$0x20] =	vst v16  }
0x111: {  	v16 =	vld [tilespmem:s29+$0x1F70];
	_ =	sdelay $0x4  }
0x112: {  	v17 =	vmul.f32 v16, v0;
	v18 =	vmul.f32 v16, v2  }
0x113: {  	v19 =	vmul.f32 v16, v5;
	v16 =	vmul.f32 v16, v11  }
0x114: {  	[tilespmem:s28+$0xFFFFFFB0] =	vst v17  }
0x115: {  	[tilespmem:s28+$0x70] =	vst v16  }
0x116: {  	[tilespmem:s28+$0xFFFFFFF0] =	vst v18  }
0x117: {  	s29 =	sshra.s32 s15, $0x2;
	[tilespmem:s28+$0x30] =	vst v19;
	s28 =	smov.u32 s1  }
0x118: {  	v16 =	vld [tilespmem:s29+$0x1F40];
	_ =	sdelay $0x4  }
0x119: {  	v17 =	vmul.f32 v16, v1;
	v18 =	vmul.f32 v16, v13  }
0x11a: {  	v19 =	vmul.f32 v16, v6;
	v16 =	vmul.f32 v16, v9  }
0x11b: {  	[tilespmem:s1+$0x40] =	vst v18  }
0x11c: {  	[tilespmem:s1+$0xFFFFFF80] =	vst v17  }
0x11d: {  	[tilespmem:s1+$0xFFFFFFC0] =	vst v19  }
0x11e: {  	[tilespmem:s1+$0x0] =	vst v16  }
0x11f: {  	v16 =	vld [tilespmem:s29+$0x1F50];
	_ =	sdelay $0x4  }
0x120: {  	v17 =	vmul.f32 v16, v3;
	v18 =	vmul.f32 v16, v7  }
0x121: {  	v19 =	vmul.f32 v16, v10;
	v16 =	vmul.f32 v16, v14  }
0x122: {  	[tilespmem:s1+$0xFFFFFF90] =	vst v17  }
0x123: {  	[tilespmem:s1+$0x50] =	vst v16  }
0x124: {  	[tilespmem:s1+$0xFFFFFFD0] =	vst v18  }
0x125: {  	[tilespmem:s1+$0x10] =	vst v19  }
0x126: {  	v17 =	vld [tilespmem:s29+$0x1F60];
	_ =	sdelay $0x3  }
.Ltmp5:
0x127: {  	(pc) =	sbr.rel @p1 .LBB2_9-.Ltmp5, $4  }
0x128: {  	v18 =	vmul.f32 v17, v4;
	v19 =	vmul.f32 v17, v8  }
0x129: {  	v16 =	vmul.f32 v17, v12;
	v17 =	vmul.f32 v17, v15  }
0x12a: {  	[tilespmem:s1+$0xFFFFFFA0] =	vst v18  }
0x12b: {  	[tilespmem:s1+$0xFFFFFFE0] =	vst v19  }
0x12c: {  	[tilespmem:s28+$0x60] =	vst v17  }
0x12d: {  	[tilespmem:s28+$0x20] =	vst v16  }
0x12e: {  	v16 =	vld [tilespmem:s29+$0x1F70];
	_ =	sdelay $0x4  }
0x12f: {  	s25 =	sadd.s32 $0x1, s25;
	v17 =	vmul.f32 v16, v0  }
0x130: {  	p1 =	sne.s32 s25, $0x1F;
	v18 =	vmul.f32 v16, v11  }
.Ltmp6:
0x131: {  	v19 =	vmul.f32 v16, v2;
	[tilespmem:s28+$0xFFFFFFB0] =	vst v17;
	(pc) =	sbr.rel @p1 .LBB2_6-.Ltmp6, $4  }
0x132: {  	s0 =	smul.u32 $0xFA0, s26;
	v16 =	vmul.f32 v16, v5;
	[tilespmem:s28+$0x70] =	vst v18  }
0x133: {  	[tilespmem:s28+$0xFFFFFFF0] =	vst v19  }
0x134: {  	s0 =	sadd.s32 s6, s0;
	[tilespmem:s28+$0x30] =	vst v16  }
0x135: {  	[hbm4b:s0+s2] =	stream.linear.scatter [tilespmem:s21], [sflag:$0x4], $0x7D00, $0x38;
	[tilespmem:$0x13980] =	vst v63  }
0x136: {  	_ =	swait.ge [sflag:s18], $0x1F40  }
.Ltmp7:
0x137: {  	[sflag:s18] =	ssyncset.done $0x0;
	(pc) =	sbr.rel @p0 .LBB2_15-.Ltmp7, $4  }
0x138: {  	[sflag:s18] =	ssyncadd.s32 $0xFFFFE0C0  }
0x139: {  	_ =	swait.ge [sflag:s22], $0x7D00  }
0x13a: {  	[sflag:s22] =	ssyncset.done $0x0  }
0x13b: {  	[sflag:s22] =	ssyncadd.s32 $0xFFFF8300  }
0x13c: {  	s26 =	simm.s32 $0x0  }
0x13d: {  	v16 =	vld [tilespmem:s26+$0x0];
	_ =	sdelay $0x4  }
0x13e: {  	v17 =	vmul.f32 v16, v13  }
0x13f: {  	s25 =	simm.s32 $0x3F00;
	v18 =	vmul.f32 v16, v1  }
0x140: {  	v19 =	vmul.f32 v16, v6;
	[tilespmem:s25+$0x40] =	vst v17  }
0x141: {  	v16 =	vmul.f32 v16, v9;
	[tilespmem:s25+$0xFFFFFF80] =	vst v18  }
0x142: {  	[tilespmem:s25+$0xFFFFFFC0] =	vst v19  }
0x143: {  	[tilespmem:s25+$0x0] =	vst v16  }
0x144: {  	v16 =	vld [tilespmem:s26+$0x10];
	_ =	sdelay $0x4  }
0x145: {  	v17 =	vmul.f32 v16, v3  }
0x146: {  	v18 =	vmul.f32 v16, v14  }
0x147: {  	v19 =	vmul.f32 v16, v7;
	[tilespmem:s25+$0xFFFFFF90] =	vst v17  }
0x148: {  	v16 =	vmul.f32 v16, v10;
	[tilespmem:s25+$0x50] =	vst v18  }
0x149: {  	[tilespmem:s25+$0xFFFFFFD0] =	vst v19  }
0x14a: {  	[tilespmem:s25+$0x10] =	vst v16  }
0x14b: {  	v17 =	vld [tilespmem:s26+$0x20];
	_ =	sdelay $0x4  }
0x14c: {  	v16 =	vmul.f32 v17, v4  }
0x14d: {  	v18 =	vmul.f32 v17, v8  }
0x14e: {  	[tilespmem:s25+$0xFFFFFFA0] =	vst v16  }
0x14f: {  	s0 =	simm.s32 $0x100;
	s1 =	simm.s32 $0x3F00;
	v16 =	vmul.f32 v17, v12;
	v17 =	vmul.f32 v17, v15;
	[tilespmem:s25+$0xFFFFFFE0] =	vst v18  }
.LBB2_13:
0x150: {  	p1 =	sne.s32 s0, $0x7C00  }
0x151: {  	[tilespmem:s25+$0x60] =	vst v17;
	s1 =	sadd.s32 $0x100, s1;
	s15 =	smov.u32 s0;
	s0 =	sadd.s32 $0x100, s0  }
0x152: {  	[tilespmem:s25+$0x20] =	vst v16  }
0x153: {  	v16 =	vld [tilespmem:s26+$0x30];
	_ =	sdelay $0x4  }
0x154: {  	v17 =	vmul.f32 v16, v0;
	v18 =	vmul.f32 v16, v2  }
0x155: {  	v19 =	vmul.f32 v16, v5;
	v16 =	vmul.f32 v16, v11  }
0x156: {  	[tilespmem:s25+$0xFFFFFFB0] =	vst v17  }
0x157: {  	[tilespmem:s25+$0x70] =	vst v16  }
0x158: {  	[tilespmem:s25+$0xFFFFFFF0] =	vst v18  }
0x159: {  	s26 =	sshra.s32 s15, $0x2;
	[tilespmem:s25+$0x30] =	vst v19;
	s25 =	smov.u32 s1  }
0x15a: {  	v16 =	vld [tilespmem:s26+$0x0];
	_ =	sdelay $0x4  }
0x15b: {  	v17 =	vmul.f32 v16, v1;
	v18 =	vmul.f32 v16, v13  }
0x15c: {  	v19 =	vmul.f32 v16, v6;
	v16 =	vmul.f32 v16, v9  }
0x15d: {  	[tilespmem:s1+$0x40] =	vst v18  }
0x15e: {  	[tilespmem:s1+$0xFFFFFF80] =	vst v17  }
0x15f: {  	[tilespmem:s1+$0xFFFFFFC0] =	vst v19  }
0x160: {  	[tilespmem:s1+$0x0] =	vst v16  }
0x161: {  	v16 =	vld [tilespmem:s26+$0x10];
	_ =	sdelay $0x4  }
0x162: {  	v17 =	vmul.f32 v16, v3;
	v18 =	vmul.f32 v16, v7  }
0x163: {  	v19 =	vmul.f32 v16, v10;
	v16 =	vmul.f32 v16, v14  }
0x164: {  	[tilespmem:s1+$0xFFFFFF90] =	vst v17  }
0x165: {  	[tilespmem:s1+$0x50] =	vst v16  }
0x166: {  	[tilespmem:s1+$0xFFFFFFD0] =	vst v18  }
0x167: {  	[tilespmem:s1+$0x10] =	vst v19  }
0x168: {  	v17 =	vld [tilespmem:s26+$0x20];
	_ =	sdelay $0x3  }
.Ltmp8:
0x169: {  	(pc) =	sbr.rel @p1 .LBB2_13-.Ltmp8, $4  }
0x16a: {  	v18 =	vmul.f32 v17, v4;
	v19 =	vmul.f32 v17, v8  }
0x16b: {  	v16 =	vmul.f32 v17, v12;
	v17 =	vmul.f32 v17, v15  }
0x16c: {  	[tilespmem:s1+$0xFFFFFFA0] =	vst v18  }
0x16d: {  	[tilespmem:s1+$0xFFFFFFE0] =	vst v19  }
0x16e: {  	[tilespmem:s25+$0x60] =	vst v17  }
0x16f: {  	[tilespmem:s25+$0x20] =	vst v16  }
0x170: {  	v1 =	vld [tilespmem:s26+$0x30];
	_ =	sdelay $0x4  }
0x171: {  	v0 =	vmul.f32 v1, v0  }
0x172: {  	v3 =	vmul.f32 v1, v11  }
0x173: {  	v2 =	vmul.f32 v1, v2;
	[tilespmem:s25+$0xFFFFFFB0] =	vst v0  }
0x174: {  	v63 =	vmul.f32 v1, v5;
	[tilespmem:s25+$0x70] =	vst v3  }
0x175: {  	[tilespmem:s25+$0xFFFFFFF0] =	vst v2  }
.Ltmp9:
0x176: {  	[tilespmem:s25+$0x30] =	vst v63;
	(pc) =	sbr.rel .LBB2_15-.Ltmp9, $4  }
0x177: {  	[hbm4b:s13+s2] =	stream.linear.scatter [tilespmem:s19], [sflag:$0x3], $0x7D00, $0x38;
	[tilespmem:$0x13980] =	vst v63  }
0x178: {  	_ =	swait.ge [sflag:s22], $0x7D00  }
0x179: {  	[sflag:s22] =	ssyncset.done $0x0  }
0x17a: {  	[sflag:s22] =	ssyncadd.s32 $0xFFFF8300  }
.LBB2_16:
0x17b: {  	_ =	sfence.sel $0x180000  }
0x17c: {  	[bflag:$0x0] =	sbarrier.arrive $0xFFFF  }
0x17d: {  	_ =	strace $0x90000047  }
0x17e: {  	s0 =	stileid.u32;
	[bflag:$0x2] =	sbarrier.arrive $0xFFFF  }
0x17f: {  	p0 =	sne.s32 s0, $0x0;
	s0 =	rddreg [dreg:$0x1]  }
0x180: {  	s0 =	sadd.s32 @!p0 $0x100000, s0  }
0x181: {  	[sflag:s0] =	ssyncadd.tile.s32 @!p0 $0x1;
	_ =	shalt  }
.Lfunc_end2:
_tile_overlayer_lowered:
.L_overlay_start_2:
0x182: {  	(tag) =	ssettag $0x2  }
0x183: {  	s0 =	rddreg [dreg:$0x0];
	s2 =	stileid.u32  }
0x184: {  	s1 =	rddreg [dreg:$0x1];
	p0 =	sne.s32 s2, $0x0  }
0x185: {  	s3 =	rddreg [dreg:$0x2];
	[bflag:$0x3] =	sbarrier.arrive $0xFFFF;
	s2 =	simm.s32 @!p0 $0x1C05  }
0x186: {  	[timem:s3], [sflag:s2] =	dma.local @!p0 [hbm:s0], s1  }
0x187: {  	s0 =	simm.s32 @!p0 $0x5  }
0x188: {  	_ =	swait.ge @!p0 [sflag:s0], s1  }
0x189: {  	s1 =	ssub.s32 @!p0 $0x0, s1;
	[sflag:s0] =	ssyncset.done @!p0 $0x0  }
0x18a: {  	[sflag:s0] =	ssyncadd.s32 @!p0 s1  }
0x18b: {  	[bflag:$0x3] =	sbarrier.arrive $0xFFFF  }
0x18c: {  	_ =	shalt  }

// kernel: kernel.7.cloned.1.call-start
scs
__scs_entry_jumppad:
0x0: {  	(pc) =	sbr.rel $0x88, $3  }
0x1: {  	(tag) =	ssettag $0x0;
	lr =	simm.s32 $0x1  }
0x2: {  	[smem:$0x3F9E] =	sst lr;
	_ =	strace $0xD0000000  }
0x3: {  	_ = 	snop  }
0x4: {  	_ = 	snop  }
0x5: {  	_ = 	snop  }
0x6: {  	_ = 	snop  }
0x7: {  	_ = 	snop  }
__scs_overlays_trampoline_lowered:
0x8: {  	[smem:$0x3FAD] =	sst s0  }
0x9: {  	[smem:$0x3FAE] =	sst s1  }
0xa: {  	[smem:$0x3FAF] =	sst s2  }
0xb: {  	[smem:$0x3FB0] =	sst s3  }
0xc: {  	[smem:$0x3FB1] =	sst s4  }
0xd: {  	[smem:$0x3FB2] =	sst s5  }
0xe: {  	[smem:$0x3FB3] =	sst s6  }
0xf: {  	[smem:$0x3FB4] =	sst s7  }
0x10: {  	[smem:$0x3FB5] =	sst s8  }
0x11: {  	[smem:$0x3FB6] =	sst s9;
	s0 =	simm.s32 @!p0 $0x0  }
0x12: {  	s1 =	sld [smem:$0x3F9C];
	s0 =	simm.s32 @p0 $0x1  }
0x13: {  	[smem:$0x3FB7] =	sst s0;
	s0 =	simm.s32 @!p1 $0x0  }
0x14: {  	s2 =	sld [smem:$0x3F9B];
	s0 =	simm.s32 @p1 $0x1  }
0x15: {  	[smem:$0x3FB8] =	sst s0;
	s0 =	simm.s32 @!p2 $0x0  }
0x16: {  	s3 =	sld [smem:$0x3FDB];
	s0 =	simm.s32 @p2 $0x1  }
0x17: {  	s4 =	simm.s32 $0x1BF5;
	[smem:$0x3FBA] =	sst s0  }
0x18: {  	s0 =	sld [smem:$0x3F9D];
	_ =	swait.ge [sflag:s4], $0x0  }
0x19: {  	s7 =	sld [smem:$0x3F9E]  }
0x1a: {  	s8 =	sadd.s32 $0xFFFFE003, lr  }
0x1b: {  	s9 =	sadd.s32 $0xFFFFFEF7, lr;
	s5 =	simm.s32 $0xFFFFFFFF;
	p2 =	slt.u32 s8, $0xFFFFF086  }
0x1c: {  	p1 =	slt.u32 s9, $0xF7A;
	s5 =	simm.s32 @!p2 $0x0  }
0x1d: {  	s5 =	simm.s32 @p1 $0x1;
	p0 =	seq.s32 s7, s2  }
0x1e: {  	s7 =	smul.u32 @!p0 $0xF7A, s2;
	p2 =	seq.s32 @!p0 s5, $0x0  }
0x1f: {  	s9 =	smul.u32 $0xF7A, s1;
	s8 =	simm.s32 @!p0 $0x1BF5;
	p2 =	por !p2, p0  }
0x20: {  	[sflag:s8] =	ssyncset.s32 @!p0 $0xFFFFF086;
	s6 =	sadd.s32 @!p0 s3, s7;
	s7 =	simm.s32 @!p0 $0x108  }
0x21: {  	s3 =	sadd.s32 s3, s9;
	s6 =	sadd.s32 @!p0 $0x88, s6;
	s7 =	simm.s32 @p2 $0x1082  }
0x22: {  	[simem:s7], [sflag:s8] =	dma.local @!p0 [hbm:s6], $0xF7A  }
0x23: {  	s9 =	sor.u32 $0xD0000000, s2;
	s6 =	simm.s32 $0x108;
	_ =	swait.ge @!p0 [sflag:s8], $0x0  }
0x24: {  	s3 =	sadd.s32 $0x88, s3;
	s6 =	simm.s32 @!p1 $0x1082;
	[sflag:s4] =	ssyncset.s32 $0xFFFFF086  }
0x25: {  	[simem:s6], [sflag:s4] =	dma.local [hbm:s3], $0xF7A  }
0x26: {  	[smem:$0x3F9E] =	sst s1;
	(tag) =	ssettag s2;
	_ =	strace s9  }
0x27: {  	s1 =	sld [smem:$0x3FAE]  }
0x28: {  	s2 =	sld [smem:$0x3FAF]  }
0x29: {  	s4 =	sld [smem:$0x3FB1]  }
0x2a: {  	p0 =	seq.s32 s5, $0x0;
	s5 =	sld [smem:$0x3FB2]  }
0x2b: {  	s6 =	sld [smem:$0x3FB3]  }
0x2c: {  	s7 =	sld [smem:$0x3FB4]  }
0x2d: {  	s3 =	simm.s32 $0x108;
	s8 =	sld [smem:$0x3FB5]  }
0x2e: {  	s3 =	simm.s32 @!p0 $0x1082;
	s9 =	sld [smem:$0x3FB6]  }
0x2f: {  	lr =	sadd.s32 s0, s3;
	s0 =	sld [smem:$0x3FAD]  }
0x30: {  	s3 =	sld [smem:$0x3FB0]  }
0x31: {  	[smem:$0x3FB9] =	sst s10  }
0x32: {  	s10 =	sld [smem:$0x3FB7];
	_ =	sdelay $0x3  }
0x33: {  	p0 =	seq.s32 s10, $0x1;
	s10 =	sld [smem:$0x3FB9];
	_ =	sdelay $0x3  }
0x34: {  	[smem:$0x3FB9] =	sst s10  }
0x35: {  	s10 =	sld [smem:$0x3FB8];
	_ =	sdelay $0x3  }
0x36: {  	p1 =	seq.s32 s10, $0x1;
	s10 =	sld [smem:$0x3FB9];
	_ =	sdelay $0x3  }
0x37: {  	[smem:$0x3FB9] =	sst s10  }
0x38: {  	s10 =	sld [smem:$0x3FBA]  }
0x39: {  	_ = 	snop;
	(pc) =	sbr.ind lr, $3  }
0x3a: {  	_ = 	snop  }
0x3b: {  	_ = 	snop  }
0x3c: {  	p2 =	seq.s32 s10, $0x1;
	s10 =	sld [smem:$0x3FB9]  }
0x3d: {  	_ =	shalt  }
0x3e: {  	_ =	shalt  }
0x3f: {  	_ =	shalt  }
0x40: {  	_ =	shalt  }
0x41: {  	_ =	shalt  }
0x42: {  	_ =	shalt  }
0x43: {  	_ =	shalt  }
0x44: {  	_ =	shalt  }
0x45: {  	_ =	shalt  }
0x46: {  	_ =	shalt  }
0x47: {  	_ =	shalt  }
0x48: {  	_ =	shalt  }
0x49: {  	_ =	shalt  }
0x4a: {  	_ =	shalt  }
0x4b: {  	_ =	shalt  }
0x4c: {  	_ =	shalt  }
0x4d: {  	_ =	shalt  }
0x4e: {  	_ =	shalt  }
0x4f: {  	_ =	shalt  }
0x50: {  	_ =	shalt  }
0x51: {  	_ =	shalt  }
0x52: {  	_ =	shalt  }
0x53: {  	_ =	shalt  }
0x54: {  	_ =	shalt  }
0x55: {  	_ =	shalt  }
0x56: {  	_ =	shalt  }
0x57: {  	_ =	shalt  }
0x58: {  	_ =	shalt  }
0x59: {  	_ =	shalt  }
0x5a: {  	_ =	shalt  }
0x5b: {  	_ =	shalt  }
0x5c: {  	_ =	shalt  }
0x5d: {  	_ =	shalt  }
0x5e: {  	_ =	shalt  }
0x5f: {  	_ =	shalt  }
0x60: {  	_ =	shalt  }
0x61: {  	_ =	shalt  }
0x62: {  	_ =	shalt  }
0x63: {  	_ =	shalt  }
0x64: {  	_ =	shalt  }
0x65: {  	_ =	shalt  }
0x66: {  	_ =	shalt  }
0x67: {  	_ =	shalt  }
0x68: {  	_ =	shalt  }
0x69: {  	_ =	shalt  }
0x6a: {  	_ =	shalt  }
0x6b: {  	_ =	shalt  }
0x6c: {  	_ =	shalt  }
0x6d: {  	_ =	shalt  }
0x6e: {  	_ =	shalt  }
0x6f: {  	_ =	shalt  }
0x70: {  	_ =	shalt  }
0x71: {  	_ =	shalt  }
0x72: {  	_ =	shalt  }
0x73: {  	_ =	shalt  }
0x74: {  	_ =	shalt  }
0x75: {  	_ =	shalt  }
0x76: {  	_ =	shalt  }
0x77: {  	_ =	shalt  }
0x78: {  	_ =	shalt  }
0x79: {  	_ =	shalt  }
0x7a: {  	_ =	shalt  }
0x7b: {  	_ =	shalt  }
0x7c: {  	_ =	shalt  }
0x7d: {  	_ =	shalt  }
0x7e: {  	_ =	shalt  }
0x7f: {  	_ =	shalt  }
0x80: {  	_ =	shalt  }
0x81: {  	_ =	shalt  }
0x82: {  	_ =	shalt  }
0x83: {  	_ =	shalt  }
0x84: {  	_ =	shalt  }
0x85: {  	_ =	shalt  }
0x86: {  	_ =	shalt  }
0x87: {  	_ =	shalt  }
.Lfunc_end0:
.L_simem_size_0:
called_computation.2_lowered:
.L_overlay_start_0:
0x88: {  	s2 =	sld [smem:$0x3FD9]  }
0x89: {  	s3 =	sld [smem:$0x3FFE];
	_ =	sdelay $0x1  }
0x8a: {  	s1 =	srdreg.scid  }
0x8b: {  	s0 =	sand.u32 $0x1, s1  }
0x8c: {  	s17 =	sshll.u32 s0, $0xA;
	s2 =	sadd.s32 s3, s2  }
0x8d: {  	s2 =	sadd.s32 s2, s17  }
0x8e: {  	[smem:$0x3FC5] =	sst s2  }
0x8f: {  	_ = 	snop  }
0x90: {  	s2 =	sld [smem:$0x3FD0];
	(tm) =	ssettm $0x1  }
0x91: {  	s18 =	sld [smem:$0x3FFB];
	_ =	sdelay $0x3  }
0x92: {  	_ =	strace s18  }
0x93: {  	s3 =	sld [smem:$0x3FFC];
	_ =	sdelay $0x3  }
0x94: {  	_ =	strace s3  }
0x95: {  	s3 =	sld [smem:$0x3FFD];
	_ =	sdelay $0x3  }
0x96: {  	_ =	strace s3  }
0x97: {  	_ =	strace $0x8FFFFFFF  }
0x98: {  	s19 =	sld [smem:$0x3FDB];
	_ =	sdelay $0x1  }
0x99: {  	s4 =	simm.s32 $_scs_section_size  }
0x9a: {  	s5 =	simm.s32 $_size__tile_overlayer_lowered;
	s6 =	simm.s32 $_tile_overlayer_lowered  }
0x9b: {  	s22 =	simm.s32 $0x1BFF;
	s21 =	sshll.u32 s6, $0x1;
	s3 =	sadd.s32 s4, s19  }
0x9c: {  	s7 =	simm.s32 $0x0;
	s20 =	sshll.u32 s5, $0x1;
	s5 =	sadd.s32 s21, s3  }
0x9d: {  	[timem:s7], [sflag:s22] =	dma.local [hbm:s5], s20  }
0x9e: {  	_ =	swait.ge [sflag:s22], s20  }
0x9f: {  	s4 =	ssub.s32 $0x0, s20;
	[sflag:s22] =	ssyncset.done $0x0  }
0xa0: {  	[sflag:s22] =	ssyncadd.s32 s4;
	_ =	sdelay $0x1  }
0xa1: {  	s23 =	simm.s32 $0x1B8B  }
0xa2: {  	_ =	swait.ge [sflag:s23], $0x1  }
0xa3: {  	[sflag:s23] =	ssyncset.done $0x0  }
0xa4: {  	s25 =	simm.s32 $0x1B8E;
	s24 =	sld [smem:$0x3FFE];
	[sflag:s23] =	ssyncadd.s32 $0xFFFFFFFF  }
0xa5: {  	s26 =	simm.s32 $execute0_lowered;
	[smem:$0x3FD2] =	sst s25  }
0xa6: {  	s5 =	sshll.u32 s26, $0x1;
	_ =	strace $0x80000049;
	[dreg:$0x1] =	wrdreg $0xFFFFFFFF  }
0xa7: {  	s28 =	simm.s32 $_size_execute0_lowered;
	s3 =	sadd.s32 s3, s5;
	[dreg:$0x0] =	wrdreg $0x0  }
0xa8: {  	s5 =	sshll.u32 s28, $0x1;
	[dreg:$0x2] =	wrdreg s3  }
0xa9: {  	[dreg:$0x3] =	wrdreg s5  }
0xaa: {  	[dreg:$0x4] =	wrdreg $0xC0  }
0xab: {  	_ =	task [dreg:s7], $0x5FFFF  }
0xac: {  	[dreg:$0x1] =	wrdreg $0xFFFFFFFF  }
0xad: {  	[dreg:$0x0] =	wrdreg $0x60  }
0xae: {  	[dreg:$0x2] =	wrdreg s24  }
0xaf: {  	[dreg:$0x3] =	wrdreg s2  }
0xb0: {  	[dreg:$0x4] =	wrdreg $0x9  }
0xb1: {  	_ =	task.clear_ibuf [dreg:s7], $0x5FFFF;
	_ =	strace $0x90000049  }
0xb2: {  	s29 =	simm.s32 $0x9;
	_ =	strace $0x8000004B  }
0xb3: {  	_ =	swait.ge [sflag:s29], $0x1  }
0xb4: {  	[sflag:s29] =	ssyncadd.s32 $0xFFFFFFFF  }
0xb5: {  	_ =	strace $0x9000004B  }
0xb6: {  	_ =	sfence  }
0xb7: {  	s30 =	sld [smem:$0x0];
	_ =	sdelay $0x2  }
0xb8: {  	s31 =	sshll.u32 s1, $0xD;
	s1 =	sshrl.u32 s1, $0x2  }
0xb9: {  	s3 =	sand.u32 $0x4000, s31;
	s1 =	sadd.s32 s1, s30  }
0xba: {  	s0 =	sor.u32 s3, s0;
	s1 =	sshll.u32 s1, $0x11  }
0xbb: {  	s0 =	sor.u32 s1, s0  }
0xbc: {  	s0 =	sadd.s32 $0x8F2B, s0  }
0xbd: {  	[sflag:s0] =	ssyncadd.remote.s32 $0x1  }
0xbe: {  	_ =	sfence.sel $0xFFFF  }
0xbf: {  	[dreg:$0x0] =	wrdreg $0xFFFFFFFF;
	(pc) =	sbr.abs _section_cstart, $3  }
0xc0: {  	[dreg:$0x1] =	wrdreg $0xFFFFFFFF  }
0xc1: {  	_ =	task.clear_ibuf [dreg:s7], $0x2FFFF;
	_ =	strace $0x9FFFFFFF  }
0xc2: {  	(tm) =	ssettm $0x7FFFFFFF  }
0xc3: {  	_ =	shalt  }
tec
execute0_lowered:
.L_overlay_start_1:
0x0: {  	(tag) =	ssettag $0x1  }
0x1: {  	s0 =	rddreg [dreg:$0x0];
	s1 =	srdreg.scid  }
0x2: {  	s11 =	stileid.u32;
	s7 =	rddreg [dreg:$0x1]  }
0x3: {  	s2 =	simm.s32 $0x0;
	s13 =	simm.s32 $0x3;
	s14 =	simm.s32 $0x80  }
0x4: {  	s15 =	simm.s32 $0x400;
	s16 =	simm.s32 $0x2400;
	s17 =	simm.s32 $0x100  }
0x5: {  	s18 =	simm.s32 $0x4400;
	s19 =	simm.s32 $0x180;
	s28 =	simm.s32 $0x380  }
0x6: {  	s29 =	simm.s32 $0xE400;
	s30 =	simm.s32 $0x1;
	s9 =	smul.u32 $0xC800, s11  }
0x7: {  	s1 =	sand.u32 $0x1, s1;
	s3 =	sshll.u32 s11, $0x1;
	s11 =	smul.u32 $0x320000, s11  }
0x8: {  	[smem:$0x7FF] =	sst s2;
	s4 =	sadd.s32 $0x1E9600, s0;
	s10 =	smul.u32 $0x6400, s1  }
0x9: {  	s3 =	sor.u32 s1, s3;
	s8 =	ssub.s32 $0x2, s1;
	s1 =	smul.u32 $0x190000, s1  }
0xa: {  	s31 =	simm.s32 $0x2;
	_ =	strace $0x8000004A;
	s5 =	smul.u32 $0x6400, s3  }
0xb: {  	s6 =	smul.u32 $0x190000, s3;
	s3 =	sadd.s32 $0x98A800, s0;
	s20 =	sshrl.u32 s8, $0x1  }
0xc: {  	s0 =	ssub.s32 s8, s20;
	s23 =	sadd.s32 s10, s9;
	s1 =	sadd.s32 s1, s11  }
0xd: {  	s20 =	simm.s32 $0x6400;
	s5 =	sshrl.u32 s5, $0x3;
	s6 =	sshrl.u32 s6, $0x3  }
0xe: {  	s9 =	smax.u32 s0, $0x1;
	s24 =	sshrl.u32 s1, $0x3;
	s1 =	sor.u32 $0x8000, s1  }
0xf: {  	s8 =	sor.u32 $0x200, s23;
	s5 =	sadd.s32 s3, s5;
	s6 =	sadd.s32 s7, s6  }
0x10: {  	s0 =	sadd.s32 s24, s7;
	s25 =	sshrl.u32 s1, $0x3;
	s26 =	sshrl.u32 s8, $0x3  }
0x11: {  	s24 =	simm.s32 $0xA400;
	s1 =	simm.s32 $0x0;
	[dreg:$0x4] =	wrdreg s5  }
0x12: {  	s5 =	sadd.s32 $0xC40, s5;
	s21 =	sadd.s32 $0x30000, s6;
	s22 =	sadd.s32 $0x31000, s6  }
0x13: {  	s6 =	sadd.s32 $0x400, s23;
	[dreg:$0x3] =	wrdreg s0;
	s11 =	sadd.s32 s25, s7  }
0x14: {  	s7 =	sadd.s32 s26, s3;
	s23 =	simm.s32 $0x280;
	[dreg:$0x5] =	wrdreg s5  }
0x15: {  	s25 =	simm.s32 $0x300;
	s26 =	simm.s32 $0xC400;
	[dreg:$0x6] =	wrdreg s21  }
0x16: {  	[dreg:$0x7] =	wrdreg s22;
	s21 =	simm.s32 $0x200;
	s22 =	simm.s32 $0x8400  }
.LBB2_1:
0x17: {  	s0 =	rddreg [dreg:$0x4]  }
0x18: {  	[tilespmem:s2], [sflag:$0x3] =	stream.linear.gather [hbm4b:s0+s2], $0x200, $0x38;
	[tilespmem:$0x10400] =	vst v63  }
0x19: {  	_ =	swait.ge [sflag:s13], $0x200  }
0x1a: {  	[sflag:s13] =	ssyncset.done $0x0  }
0x1b: {  	[sflag:s13] =	ssyncadd.s32 $0xFFFFFE00  }
0x1c: {  	[tilespmem:s15], [sflag:$0x1] =	stream.indirect.gather [hbm4b:s4+s14], $0x40, s2, s14, $0xb8;
	[tilespmem:$0x10400] =	vst v63  }
0x1d: {  	_ = 	snop  }
0x1e: {  	[tilespmem:s16], [sflag:$0x1] =	stream.indirect.gather [hbm4b:s4+s14], $0x40, s14, s14, $0xb8;
	[tilespmem:$0x10400] =	vst v63  }
0x1f: {  	_ = 	snop  }
0x20: {  	[tilespmem:s18], [sflag:$0x1] =	stream.indirect.gather [hbm4b:s4+s14], $0x40, s17, s14, $0xb8;
	[tilespmem:$0x10400] =	vst v63  }
0x21: {  	_ = 	snop  }
0x22: {  	[tilespmem:s20], [sflag:$0x1] =	stream.indirect.gather [hbm4b:s4+s14], $0x40, s19, s14, $0xb8;
	[tilespmem:$0x10400] =	vst v63  }
0x23: {  	_ = 	snop  }
0x24: {  	[tilespmem:s21], [sflag:$0x3] =	stream.linear.gather [hbm4b:s7+s2], $0x200, $0x38;
	[tilespmem:$0x10400] =	vst v63  }
0x25: {  	_ =	swait.ge [sflag:s13], $0x200  }
0x26: {  	[sflag:s13] =	ssyncset.done $0x0  }
0x27: {  	[sflag:s13] =	ssyncadd.s32 $0xFFFFFE00  }
0x28: {  	[tilespmem:s22], [sflag:$0x2] =	stream.indirect.gather [hbm4b:s4+s14], $0x40, s21, s14, $0xb8;
	[tilespmem:$0x10400] =	vst v63  }
0x29: {  	_ = 	snop  }
0x2a: {  	[tilespmem:s24], [sflag:$0x2] =	stream.indirect.gather [hbm4b:s4+s14], $0x40, s23, s14, $0xb8;
	[tilespmem:$0x10400] =	vst v63  }
0x2b: {  	_ = 	snop  }
0x2c: {  	[tilespmem:s26], [sflag:$0x2] =	stream.indirect.gather [hbm4b:s4+s14], $0x40, s25, s14, $0xb8;
	[tilespmem:$0x10400] =	vst v63  }
0x2d: {  	_ = 	snop  }
0x2e: {  	[tilespmem:s29], [sflag:$0x2] =	stream.indirect.gather [hbm4b:s4+s14], $0x40, s28, s14, $0xb8;
	[tilespmem:$0x10400] =	vst v63  }
0x2f: {  	_ =	swait.ge [sflag:s30], $0x2000  }
0x30: {  	[sflag:s30] =	ssyncset.done $0x0  }
0x31: {  	[sflag:s30] =	ssyncadd.s32 $0xFFFFE000  }
0x32: {  	_ =	swait.ge [sflag:s30], $0x2000  }
0x33: {  	[sflag:s30] =	ssyncset.done $0x0  }
0x34: {  	[sflag:s30] =	ssyncadd.s32 $0xFFFFE000  }
0x35: {  	_ =	swait.ge [sflag:s30], $0x2000  }
0x36: {  	[sflag:s30] =	ssyncset.done $0x0  }
0x37: {  	[sflag:s30] =	ssyncadd.s32 $0xFFFFE000  }
0x38: {  	_ =	swait.ge [sflag:s30], $0x2000  }
0x39: {  	s8 =	rddreg [dreg:$0x3];
	[sflag:s30] =	ssyncset.done $0x0  }
0x3a: {  	[sflag:s30] =	ssyncadd.s32 $0xFFFFE000;
	s0 =	sadd.s32 $0x0, s8  }
0x3b: {  	[hbm4b:s0+s2] =	stream.linear.scatter [tilespmem:s15], [sflag:$0x3], $0x8000, $0x38;
	[tilespmem:$0x10400] =	vst v63  }
0x3c: {  	_ =	swait.ge [sflag:s13], $0x8000  }
0x3d: {  	s10 =	sshrl.u32 s6, $0x3;
	[sflag:s13] =	ssyncset.done $0x0  }
0x3e: {  	s0 =	sadd.s32 s3, s10;
	[sflag:s13] =	ssyncadd.s32 $0xFFFF8000  }
0x3f: {  	[tilespmem:s2], [sflag:$0x3] =	stream.linear.gather [hbm4b:s0+s2], $0x200, $0x38;
	[tilespmem:$0x10400] =	vst v63  }
0x40: {  	_ =	swait.ge [sflag:s13], $0x200  }
0x41: {  	[sflag:s13] =	ssyncset.done $0x0  }
0x42: {  	[sflag:s13] =	ssyncadd.s32 $0xFFFFFE00  }
0x43: {  	[tilespmem:s15], [sflag:$0x1] =	stream.indirect.gather [hbm4b:s4+s14], $0x40, s2, s14, $0xb8;
	[tilespmem:$0x10400] =	vst v63  }
0x44: {  	_ = 	snop  }
0x45: {  	[tilespmem:s16], [sflag:$0x1] =	stream.indirect.gather [hbm4b:s4+s14], $0x40, s14, s14, $0xb8;
	[tilespmem:$0x10400] =	vst v63  }
0x46: {  	_ = 	snop  }
0x47: {  	[tilespmem:s18], [sflag:$0x1] =	stream.indirect.gather [hbm4b:s4+s14], $0x40, s17, s14, $0xb8;
	[tilespmem:$0x10400] =	vst v63  }
0x48: {  	_ = 	snop  }
0x49: {  	[tilespmem:s20], [sflag:$0x1] =	stream.indirect.gather [hbm4b:s4+s14], $0x40, s19, s14, $0xb8;
	[tilespmem:$0x10400] =	vst v63  }
0x4a: {  	_ =	swait.ge [sflag:s31], $0x2000  }
0x4b: {  	[sflag:s31] =	ssyncset.done $0x0  }
0x4c: {  	[sflag:s31] =	ssyncadd.s32 $0xFFFFE000  }
0x4d: {  	_ =	swait.ge [sflag:s31], $0x2000  }
0x4e: {  	[sflag:s31] =	ssyncset.done $0x0  }
0x4f: {  	[sflag:s31] =	ssyncadd.s32 $0xFFFFE000  }
0x50: {  	_ =	swait.ge [sflag:s31], $0x2000  }
0x51: {  	[sflag:s31] =	ssyncset.done $0x0  }
0x52: {  	[sflag:s31] =	ssyncadd.s32 $0xFFFFE000  }
0x53: {  	_ =	swait.ge [sflag:s31], $0x2000  }
0x54: {  	[sflag:s31] =	ssyncset.done $0x0  }
0x55: {  	s12 =	sadd.s32 $0x0, s11;
	[sflag:s31] =	ssyncadd.s32 $0xFFFFE000  }
0x56: {  	[hbm4b:s12+s2] =	stream.linear.scatter [tilespmem:s22], [sflag:$0x3], $0x8000, $0x38;
	[tilespmem:$0x10400] =	vst v63  }
0x57: {  	s10 =	smov.u32 s6;
	_ =	swait.ge [sflag:s13], $0x8000  }
0x58: {  	s0 =	simm.s32 $0x2000;
	s12 =	smov.u32 s7;
	[sflag:s13] =	ssyncset.done $0x0  }
.LBB2_2:
0x59: {  	[sflag:s13] =	ssyncadd.s32 $0xFFFF8000;
	s12 =	sadd.s32 $0x80, s12  }
0x5a: {  	[tilespmem:s21], [sflag:$0x3] =	stream.linear.gather [hbm4b:s12+s2], $0x200, $0x38;
	[tilespmem:$0x10400] =	vst v63  }
0x5b: {  	_ =	swait.ge [sflag:s13], $0x200  }
0x5c: {  	[sflag:s13] =	ssyncset.done $0x0  }
0x5d: {  	[sflag:s13] =	ssyncadd.s32 $0xFFFFFE00  }
0x5e: {  	[tilespmem:s22], [sflag:$0x2] =	stream.indirect.gather [hbm4b:s4+s14], $0x40, s21, s14, $0xb8;
	[tilespmem:$0x10400] =	vst v63  }
0x5f: {  	_ = 	snop  }
0x60: {  	[tilespmem:s24], [sflag:$0x2] =	stream.indirect.gather [hbm4b:s4+s14], $0x40, s23, s14, $0xb8;
	[tilespmem:$0x10400] =	vst v63  }
0x61: {  	_ = 	snop  }
0x62: {  	[tilespmem:s26], [sflag:$0x2] =	stream.indirect.gather [hbm4b:s4+s14], $0x40, s25, s14, $0xb8;
	[tilespmem:$0x10400] =	vst v63  }
0x63: {  	_ = 	snop  }
0x64: {  	[tilespmem:s29], [sflag:$0x2] =	stream.indirect.gather [hbm4b:s4+s14], $0x40, s28, s14, $0xb8;
	[tilespmem:$0x10400] =	vst v63  }
0x65: {  	_ =	swait.ge [sflag:s30], $0x2000  }
0x66: {  	[sflag:s30] =	ssyncset.done $0x0  }
0x67: {  	[sflag:s30] =	ssyncadd.s32 $0xFFFFE000  }
0x68: {  	_ =	swait.ge [sflag:s30], $0x2000  }
0x69: {  	[sflag:s30] =	ssyncset.done $0x0  }
0x6a: {  	[sflag:s30] =	ssyncadd.s32 $0xFFFFE000  }
0x6b: {  	_ =	swait.ge [sflag:s30], $0x2000  }
0x6c: {  	[sflag:s30] =	ssyncset.done $0x0  }
0x6d: {  	[sflag:s30] =	ssyncadd.s32 $0xFFFFE000  }
0x6e: {  	_ =	swait.ge [sflag:s30], $0x2000  }
0x6f: {  	s8 =	smov.u32 s0;
	s5 =	rddreg [dreg:$0x3];
	[sflag:s30] =	ssyncset.done $0x0  }
0x70: {  	[sflag:s30] =	ssyncadd.s32 $0xFFFFE000;
	s5 =	sadd.s32 s8, s5  }
0x71: {  	[hbm4b:s5+s2] =	stream.linear.scatter [tilespmem:s15], [sflag:$0x3], $0x8000, $0x38;
	[tilespmem:$0x10400] =	vst v63  }
0x72: {  	s10 =	sadd.s32 $0x400, s10;
	_ =	swait.ge [sflag:s13], $0x8000  }
0x73: {  	s5 =	sshrl.u32 s10, $0x3;
	[sflag:s13] =	ssyncset.done $0x0  }
0x74: {  	s5 =	sadd.s32 s3, s5;
	[sflag:s13] =	ssyncadd.s32 $0xFFFF8000  }
0x75: {  	[tilespmem:s2], [sflag:$0x3] =	stream.linear.gather [hbm4b:s5+s2], $0x200, $0x38;
	[tilespmem:$0x10400] =	vst v63  }
0x76: {  	_ =	swait.ge [sflag:s13], $0x200  }
0x77: {  	[sflag:s13] =	ssyncset.done $0x0  }
0x78: {  	[sflag:s13] =	ssyncadd.s32 $0xFFFFFE00  }
0x79: {  	[tilespmem:s15], [sflag:$0x1] =	stream.indirect.gather [hbm4b:s4+s14], $0x40, s2, s14, $0xb8;
	[tilespmem:$0x10400] =	vst v63  }
0x7a: {  	_ = 	snop  }
0x7b: {  	[tilespmem:s16], [sflag:$0x1] =	stream.indirect.gather [hbm4b:s4+s14], $0x40, s14, s14, $0xb8;
	[tilespmem:$0x10400] =	vst v63  }
0x7c: {  	_ = 	snop  }
0x7d: {  	[tilespmem:s18], [sflag:$0x1] =	stream.indirect.gather [hbm4b:s4+s14], $0x40, s17, s14, $0xb8;
	[tilespmem:$0x10400] =	vst v63  }
0x7e: {  	_ = 	snop  }
0x7f: {  	[tilespmem:s20], [sflag:$0x1] =	stream.indirect.gather [hbm4b:s4+s14], $0x40, s19, s14, $0xb8;
	[tilespmem:$0x10400] =	vst v63  }
0x80: {  	_ =	swait.ge [sflag:s31], $0x2000  }
0x81: {  	[sflag:s31] =	ssyncset.done $0x0  }
0x82: {  	[sflag:s31] =	ssyncadd.s32 $0xFFFFE000  }
0x83: {  	_ =	swait.ge [sflag:s31], $0x2000  }
0x84: {  	[sflag:s31] =	ssyncset.done $0x0  }
0x85: {  	[sflag:s31] =	ssyncadd.s32 $0xFFFFE000  }
0x86: {  	_ =	swait.ge [sflag:s31], $0x2000  }
0x87: {  	[sflag:s31] =	ssyncset.done $0x0  }
0x88: {  	[sflag:s31] =	ssyncadd.s32 $0xFFFFE000  }
0x89: {  	p0 =	sne.s32 s0, $0x2E000;
	_ =	swait.ge [sflag:s31], $0x2000  }
.Ltmp0:
0x8a: {  	[sflag:s31] =	ssyncset.done $0x0;
	(pc) =	sbr.rel @p0 .LBB2_2-.Ltmp0, $4  }
0x8b: {  	s8 =	sadd.s32 s8, s11;
	[sflag:s31] =	ssyncadd.s32 $0xFFFFE000  }
0x8c: {  	[hbm4b:s8+s2] =	stream.linear.scatter [tilespmem:s22], [sflag:$0x3], $0x8000, $0x38;
	[tilespmem:$0x10400] =	vst v63  }
0x8d: {  	_ =	swait.ge [sflag:s13], $0x8000  }
0x8e: {  	s0 =	sadd.s32 $0x2000, s0;
	[sflag:s13] =	ssyncset.done $0x0  }
0x8f: {  	[sflag:s13] =	ssyncadd.s32 $0xFFFF8000;
	s0 =	rddreg [dreg:$0x5]  }
0x90: {  	[tilespmem:s21], [sflag:$0x3] =	stream.linear.gather [hbm4b:s0+s2], $0x200, $0x38;
	[tilespmem:$0x10400] =	vst v63  }
0x91: {  	_ =	swait.ge [sflag:s13], $0x200  }
0x92: {  	[sflag:s13] =	ssyncset.done $0x0  }
0x93: {  	[sflag:s13] =	ssyncadd.s32 $0xFFFFFE00  }
0x94: {  	[tilespmem:s22], [sflag:$0x2] =	stream.indirect.gather [hbm4b:s4+s14], $0x40, s21, s14, $0xb8;
	[tilespmem:$0x10400] =	vst v63  }
0x95: {  	_ = 	snop  }
0x96: {  	[tilespmem:s24], [sflag:$0x2] =	stream.indirect.gather [hbm4b:s4+s14], $0x40, s23, s14, $0xb8;
	[tilespmem:$0x10400] =	vst v63  }
0x97: {  	_ = 	snop  }
0x98: {  	[tilespmem:s26], [sflag:$0x2] =	stream.indirect.gather [hbm4b:s4+s14], $0x40, s25, s14, $0xb8;
	[tilespmem:$0x10400] =	vst v63  }
0x99: {  	_ = 	snop  }
0x9a: {  	[tilespmem:s29], [sflag:$0x2] =	stream.indirect.gather [hbm4b:s4+s14], $0x40, s28, s14, $0xb8;
	[tilespmem:$0x10400] =	vst v63  }
0x9b: {  	_ =	swait.ge [sflag:s30], $0x2000  }
0x9c: {  	[sflag:s30] =	ssyncset.done $0x0  }
0x9d: {  	[sflag:s30] =	ssyncadd.s32 $0xFFFFE000  }
0x9e: {  	_ =	swait.ge [sflag:s30], $0x2000  }
0x9f: {  	[sflag:s30] =	ssyncset.done $0x0  }
0xa0: {  	[sflag:s30] =	ssyncadd.s32 $0xFFFFE000  }
0xa1: {  	_ =	swait.ge [sflag:s30], $0x2000  }
0xa2: {  	[sflag:s30] =	ssyncset.done $0x0  }
0xa3: {  	[sflag:s30] =	ssyncadd.s32 $0xFFFFE000  }
0xa4: {  	_ =	swait.ge [sflag:s30], $0x2000  }
0xa5: {  	[sflag:s30] =	ssyncset.done $0x0  }
0xa6: {  	s10 =	rddreg [dreg:$0x6];
	[sflag:s30] =	ssyncadd.s32 $0xFFFFE000  }
0xa7: {  	[hbm4b:s10+s2] =	stream.linear.scatter [tilespmem:s15], [sflag:$0x3], $0x8000, $0x38;
	[tilespmem:$0x10400] =	vst v63  }
0xa8: {  	_ =	swait.ge [sflag:s13], $0x8000  }
0xa9: {  	[sflag:s13] =	ssyncset.done $0x0  }
0xaa: {  	[sflag:s13] =	ssyncadd.s32 $0xFFFF8000  }
0xab: {  	_ =	swait.ge [sflag:s31], $0x2000  }
0xac: {  	[sflag:s31] =	ssyncset.done $0x0  }
0xad: {  	[sflag:s31] =	ssyncadd.s32 $0xFFFFE000  }
0xae: {  	_ =	swait.ge [sflag:s31], $0x2000  }
0xaf: {  	[sflag:s31] =	ssyncset.done $0x0  }
0xb0: {  	[sflag:s31] =	ssyncadd.s32 $0xFFFFE000  }
0xb1: {  	_ =	swait.ge [sflag:s31], $0x2000  }
0xb2: {  	[sflag:s31] =	ssyncset.done $0x0  }
0xb3: {  	[sflag:s31] =	ssyncadd.s32 $0xFFFFE000  }
0xb4: {  	s1 =	sadd.s32 $0x1, s1;
	_ =	swait.ge [sflag:s31], $0x2000  }
0xb5: {  	p0 =	sne.s32 s1, s9;
	[sflag:s31] =	ssyncset.done $0x0  }
.Ltmp1:
0xb6: {  	s12 =	rddreg [dreg:$0x7];
	[sflag:s31] =	ssyncadd.s32 $0xFFFFE000;
	(pc) =	sbr.rel @p0 .LBB2_1-.Ltmp1, $4  }
0xb7: {  	[hbm4b:s12+s2] =	stream.linear.scatter [tilespmem:s22], [sflag:$0x3], $0x8000, $0x38;
	[tilespmem:$0x10400] =	vst v63  }
0xb8: {  	_ =	swait.ge [sflag:s13], $0x8000  }
0xb9: {  	[sflag:s13] =	ssyncset.done $0x0  }
0xba: {  	[sflag:s13] =	ssyncadd.s32 $0xFFFF8000  }
0xbb: {  	_ =	sfence.sel $0x180000  }
0xbc: {  	[bflag:$0x0] =	sbarrier.arrive $0xFFFF  }
0xbd: {  	_ =	strace $0x9000004A  }
0xbe: {  	s0 =	stileid.u32;
	[bflag:$0x2] =	sbarrier.arrive $0xFFFF  }
0xbf: {  	p0 =	sne.s32 s0, $0x0;
	s0 =	rddreg [dreg:$0x2]  }
0xc0: {  	s0 =	sadd.s32 @!p0 $0x100000, s0  }
0xc1: {  	[sflag:s0] =	ssyncadd.tile.s32 @!p0 $0x1;
	_ =	shalt  }
.Lfunc_end2:
_tile_overlayer_lowered:
.L_overlay_start_2:
0xc2: {  	(tag) =	ssettag $0x2  }
0xc3: {  	s0 =	rddreg [dreg:$0x0];
	s2 =	stileid.u32  }
0xc4: {  	s1 =	rddreg [dreg:$0x1];
	p0 =	sne.s32 s2, $0x0  }
0xc5: {  	s3 =	rddreg [dreg:$0x2];
	[bflag:$0x3] =	sbarrier.arrive $0xFFFF;
	s2 =	simm.s32 @!p0 $0x1C03  }
0xc6: {  	[timem:s3], [sflag:s2] =	dma.local @!p0 [hbm:s0], s1  }
0xc7: {  	s0 =	simm.s32 @!p0 $0x3  }
0xc8: {  	_ =	swait.ge @!p0 [sflag:s0], s1  }
0xc9: {  	s1 =	ssub.s32 @!p0 $0x0, s1;
	[sflag:s0] =	ssyncset.done @!p0 $0x0  }
0xca: {  	[sflag:s0] =	ssyncadd.s32 @!p0 s1  }
0xcb: {  	[bflag:$0x3] =	sbarrier.arrive $0xFFFF  }
0xcc: {  	_ =	shalt  }

// kernel: sparse-core-data-format-call.cloned.1.call-start
scs
called_computation_lowered:
.L_overlay_start_0:
0x0: {  	s2 =	sld [smem:$0x3FD9]  }
0x1: {  	s3 =	sld [smem:$0x3FFE];
	_ =	sdelay $0x1  }
0x2: {  	s1 =	srdreg.scid  }
0x3: {  	s0 =	sand.u32 $0x1, s1  }
0x4: {  	s18 =	sshll.u32 s0, $0xA;
	s2 =	sadd.s32 s3, s2  }
0x5: {  	s2 =	sadd.s32 s2, s18  }
0x6: {  	[smem:$0x3FC5] =	sst s2  }
0x7: {  	_ = 	snop  }
0x8: {  	s2 =	sld [smem:$0x3FD0];
	(tm) =	ssettm $0x1  }
0x9: {  	s19 =	sld [smem:$0x3FFB];
	_ =	sdelay $0x3  }
0xa: {  	_ =	strace s19  }
0xb: {  	s3 =	sld [smem:$0x3FFC];
	_ =	sdelay $0x3  }
0xc: {  	_ =	strace s3  }
0xd: {  	s3 =	sld [smem:$0x3FFD];
	_ =	sdelay $0x3  }
0xe: {  	_ =	strace s3  }
0xf: {  	_ =	strace $0x8FFFFFFF  }
0x10: {  	s20 =	sld [smem:$0x3FDB];
	_ =	sdelay $0x1  }
0x11: {  	s4 =	simm.s32 $_scs_section_size  }
0x12: {  	s5 =	simm.s32 $_size__tile_overlayer_lowered;
	s6 =	simm.s32 $_tile_overlayer_lowered  }
0x13: {  	s23 =	simm.s32 $0x1BFF;
	s22 =	sshll.u32 s6, $0x1;
	s3 =	sadd.s32 s4, s20  }
0x14: {  	s7 =	simm.s32 $0x0;
	s21 =	sshll.u32 s5, $0x1;
	s5 =	sadd.s32 s22, s3  }
0x15: {  	[timem:s7], [sflag:s23] =	dma.local [hbm:s5], s21  }
0x16: {  	_ =	swait.ge [sflag:s23], s21  }
0x17: {  	s4 =	ssub.s32 $0x0, s21;
	[sflag:s23] =	ssyncset.done $0x0  }
0x18: {  	[sflag:s23] =	ssyncadd.s32 s4;
	_ =	sdelay $0x1  }
0x19: {  	s24 =	simm.s32 $0x1B8B  }
0x1a: {  	_ =	swait.ge [sflag:s24], $0x1  }
0x1b: {  	[sflag:s24] =	ssyncset.done $0x0  }
0x1c: {  	s26 =	simm.s32 $0x1B8E;
	s25 =	sld [smem:$0x3FFE];
	[sflag:s24] =	ssyncadd.s32 $0xFFFFFFFF  }
0x1d: {  	s27 =	simm.s32 $execute0_lowered;
	[smem:$0x3FD2] =	sst s26  }
0x1e: {  	s5 =	sshll.u32 s27, $0x1;
	_ =	strace $0x8000004C;
	[dreg:$0x1] =	wrdreg $0xFFFFFFFF  }
0x1f: {  	s28 =	simm.s32 $_size_execute0_lowered;
	s3 =	sadd.s32 s3, s5;
	[dreg:$0x0] =	wrdreg $0x0  }
0x20: {  	s5 =	sshll.u32 s28, $0x1;
	[dreg:$0x2] =	wrdreg s3  }
0x21: {  	[dreg:$0x3] =	wrdreg s5  }
0x22: {  	[dreg:$0x4] =	wrdreg $0xC0  }
0x23: {  	_ =	task [dreg:s7], $0x5FFFF  }
0x24: {  	[dreg:$0x1] =	wrdreg $0xFFFFFFFF  }
0x25: {  	[dreg:$0x0] =	wrdreg $0x60  }
0x26: {  	[dreg:$0x2] =	wrdreg s25  }
0x27: {  	[dreg:$0x3] =	wrdreg s2  }
0x28: {  	[dreg:$0x4] =	wrdreg $0x9  }
0x29: {  	_ =	task.clear_ibuf [dreg:s7], $0x5FFFF;
	_ =	strace $0x9000004C  }
0x2a: {  	s29 =	simm.s32 $0x9;
	_ =	strace $0x8000004E  }
0x2b: {  	_ =	swait.ge [sflag:s29], $0x1  }
0x2c: {  	[sflag:s29] =	ssyncadd.s32 $0xFFFFFFFF  }
0x2d: {  	_ =	strace $0x9000004E  }
0x2e: {  	_ =	sfence  }
0x2f: {  	s30 =	sld [smem:$0x0];
	_ =	sdelay $0x2  }
0x30: {  	s31 =	sshll.u32 s1, $0xD;
	s1 =	sshrl.u32 s1, $0x2  }
0x31: {  	s3 =	sand.u32 $0x4000, s31;
	s1 =	sadd.s32 s1, s30  }
0x32: {  	s0 =	sor.u32 s3, s0;
	s1 =	sshll.u32 s1, $0x11  }
0x33: {  	s0 =	sor.u32 s1, s0  }
0x34: {  	s0 =	sadd.s32 $0x8F2B, s0  }
0x35: {  	[sflag:s0] =	ssyncadd.remote.s32 $0x1  }
0x36: {  	_ =	sfence.sel $0xFFFF  }
0x37: {  	[dreg:$0x0] =	wrdreg $0xFFFFFFFF;
	(pc) =	sbr.abs _section_cstart, $3  }
0x38: {  	[dreg:$0x1] =	wrdreg $0xFFFFFFFF  }
0x39: {  	_ =	task.clear_ibuf [dreg:s7], $0x2FFFF;
	_ =	strace $0x9FFFFFFF  }
0x3a: {  	(tm) =	ssettm $0x7FFFFFFF  }
0x3b: {  	_ =	shalt  }
tec
execute0_lowered:
.L_overlay_start_1:
0x0: {  	(tag) =	ssettag $0x1  }
0x1: {  	s0 =	srdreg.scid  }
0x2: {  	s1 =	sshll.u32 s0, $0x4  }
0x3: {  	s0 =	stileid.u32;
	s1 =	sand.u32 $0x10, s1  }
0x4: {  	s1 =	sor.u32 s0, s1  }
0x5: {  	s6 =	rddreg [dreg:$0x0];
	s4 =	simm.s32 $0x1;
	s2 =	sshll.u32 s1, $0x7  }
0x6: {  	s7 =	simm.s32 $0x2;
	s12 =	simm.s32 $0x0;
	s1 =	ssub.s32 $0x1000, s2  }
0x7: {  	s8 =	simm.s32 $0x8000;
	s13 =	simm.s32 $0x0;
	s3 =	sand.u32 $0xF80, s1  }
0x8: {  	s9 =	simm.s32 $0x0;
	s5 =	sshrl.u32 s1, $0xC;
	p0 =	sne.s32 s3, $0x0  }
.Ltmp0:
0x9: {  	s1 =	rddreg [dreg:$0x2];
	s4 =	simm.s32 @!p0 $0x0;
	(pc) =	sbr.rel .LBB1_1-.Ltmp0, $4  }
0xa: {  	s11 =	simm.s32 $0x0;
	s3 =	rddreg [dreg:$0x1];
	s5 =	sadd.s32 s4, s5  }
0xb: {  	_ =	strace $0x8000004D;
	s4 =	simm.s32 $0x1;
	s5 =	smul.u32 $0xC8, s5  }
0xc: {  	s6 =	sadd.s32 $0xE00, s6;
	s10 =	smov.u32 s2;
	[sflag:s4] =	ssyncpa.u1 $0x0  }
0xd: {  	p0 =	por $0x0, $0x0;
	[sflag:s7] =	ssyncpa.u1 $0x0;
	s7 =	sor.u32 $0x1, s5  }
.LBB1_4:
0xe: {  	s16 =	sshll.u32 s13, $0x3;
	s17 =	sand.u32 $0x78, s13  }
0xf: {  	s30 =	sand.u32 $0x7E00, s13;
	s12 =	sshll.u32 s12, $0xF;
	s16 =	sand.u32 $0xC00, s16  }
0x10: {  	[tilespmem:s15+$0x810 ss:$0x81] =	vst.msk $0xffff, v2;
	s31 =	sand.u32 $0x7, s13;
	s16 =	sor.u32 s17, s16;
	s17 =	sadd.s32 s3, s30  }
0x11: {  	[tilespmem:s15+$0x1020 ss:$0x81] =	vst.msk $0xffff, v0;
	s13 =	sshll.u32 s31, $0x12;
	s12 =	sadd.s32 s12, s17;
	s16 =	sshrl.u32 s16, $0x3  }
0x12: {  	[tilespmem:s15+$0x0 ss:$0x81] =	vst.msk $0xffff, v1;
	s13 =	sor.u32 $0x400, s13;
	s12 =	sadd.s32 s16, s12  }
0x13: {  	[hbm4b:s12+s13] =	stream.strided.scatter [tilespmem:s14], [sflag:$0x2], $0x2000, s8, s13, $0x20;
	[tilespmem:$0x8080] =	vst v63  }
.LBB1_5:
0x14: {  	s14 =	sadd.s32 $0x1, s9  }
0x15: {  	s12 =	sadd.s32 $0x1000, s10;
	s16 =	smov.u32 s10;
	p2 =	sgt.s32 s14, $0xC7  }
0x16: {  	s16 =	smov.u32 @p2 s12  }
0x17: {  	s14 =	simm.s32 @p2 $0x0;
	p2 =	sgt.s32 s16, $0xFFF  }
0x18: {  	s16 =	smov.u32 @p2 s2;
	p2 =	sne.s32 s11, s7  }
.Ltmp1:
0x19: {  	p1 =	slt.u32 s11, $0x2;
	(pc) =	sbr.rel @!p2 .LBB1_6-.Ltmp1, $4  }
0x1a: {  	s15 =	simm.s32 @!p1 $0x2  }
0x1b: {  	s13 =	smov.u32 s10;
	p0 =	por !p0, !p0;
	_ =	swait.ge @!p1 [sflag:s15], $0x2000  }
0x1c: {  	s12 =	smov.u32 s9;
	[sflag:s15] =	ssyncset.done @!p1 $0x0;
	s9 =	smov.u32 s14  }
0x1d: {  	s11 =	sadd.s32 $0x1, s11;
	[sflag:s15] =	ssyncadd.s32 @!p1 $0xFFFFE000;
	s10 =	smov.u32 s16  }
.LBB1_1:
0x1e: {  	p1 =	sge.u32 s11, s5  }
0x1f: {  	s14 =	sand.u32 @!p1 $0x1FFFFFF, s9  }
0x20: {  	s15 =	smulhi.u32 @!p1 $0x147AE15, s14;
	_ =	sdelay $0x1  }
0x21: {  	s15 =	smul.u32 @!p1 $0xC8, s15  }
0x22: {  	s16 =	sxor.u32 @!p1 $0xFFFFFFFF, s11;
	s17 =	smul.u32 @!p1 $0xC80, s10  }
0x23: {  	s31 =	sadd.s32 $0xFFFFFFFF, s11;
	s16 =	sshll.u32 @!p1 s16, $0xD;
	s14 =	ssub.s32 @!p1 s14, s15  }
0x24: {  	s15 =	sand.u32 @!p1 $0x2000, s16;
	s16 =	sadd.s32 @!p1 s6, s17;
	s14 =	sshll.u32 @!p1 s14, $0x4  }
0x25: {  	s17 =	simm.s32 @!p1 $0x6400;
	s14 =	sadd.s32 @!p1 s14, s16;
	s16 =	simm.s32 @!p1 $0x40  }
0x26: {  	[tilespmem:s15], [sflag:$0x1] =	stream.strided.gather @!p1 [hbm4b:s14+s16], $0x2000, s17, s16, $0x38;
	[tilespmem:$0x8080] =	vst v63  }
0x27: {  	p1 =	sge.u32 s31, s5  }
.Ltmp2:
0x28: {  	_ = 	snop;
	(pc) =	sbr.rel @p1 .LBB1_5-.Ltmp2, $1  }
0x29: {  	_ =	sdelay $0x3  }
0x2a: {  	s14 =	simm.s32 $0x1  }
0x2b: {  	_ =	swait.ge [sflag:s4], $0x2000;
	s14 =	simm.s32 @!p0 $0x0  }
0x2c: {  	[sflag:s4] =	ssyncset.done $0x0;
	s15 =	sshll.u32 s14, $0xD  }
0x2d: {  	[sflag:s4] =	ssyncadd.s32 $0xFFFFE000;
	s18 =	sor.u32 $0x20, s15  }
0x2e: {  	s14 =	smul.u32 $0x8100, s14;
	v3 =	vld [tilespmem:s18+$0x10]  }
0x2f: {  	s30 =	sand.u32 $0x1, s11;
	v2 =	vld [tilespmem:s18+$0xFFFFFFF0]  }
0x30: {  	s15 =	smul.u32 $0x8100, s30;
	s14 =	sshrl.u32 s14, $0x2;
	v0 =	vld [tilespmem:s18+$0x0]  }
0x31: {  	v1 =	vld [tilespmem:s18+$0xFFFFFFE0];
	s16 =	sor.u32 $0x4000, s14  }
0x32: {  	s31 =	sshrl.u32 s15, $0x2;
	s15 =	sadd.s32 $0x0, s16  }
0x33: {  	s17 =	simm.s32 $0x4;
	s18 =	sadd.s32 $0x40, s18;
	s14 =	sor.u32 $0x4000, s31;
	[tilespmem:s15+$0x1830 ss:$0x81] =	vst.msk $0xffff, v3  }
.LBB1_3:
0x34: {  	v3 =	vld [tilespmem:s18+$0x10];
	p1 =	sne.s32 s17, $0x1FC;
	[tilespmem:s15+$0x810 ss:$0x81] =	vst.msk $0xffff, v2;
	s19 =	smov.u32 s17;
	s17 =	sadd.s32 $0x4, s17  }
.Ltmp3:
0x35: {  	v2 =	vld [tilespmem:s18+$0xFFFFFFF0];
	[tilespmem:s15+$0x1020 ss:$0x81] =	vst.msk $0xffff, v0;
	(pc) =	sbr.rel @p1 .LBB1_3-.Ltmp3, $4  }
0x36: {  	v0 =	vld [tilespmem:s18+$0x0];
	[tilespmem:s15+$0x0 ss:$0x81] =	vst.msk $0xffff, v1  }
0x37: {  	s15 =	sshra.s32 s19, $0x2;
	v1 =	vld [tilespmem:s18+$0xFFFFFFE0]  }
0x38: {  	s15 =	sadd.s32 s15, s16  }
0x39: {  	s18 =	sadd.s32 $0x40, s18;
	[tilespmem:s15+$0x1830 ss:$0x81] =	vst.msk $0xffff, v3  }
.Ltmp4:
0x3a: {  	_ = 	snop;
	(pc) =	sbr.rel .LBB1_4-.Ltmp4, $1  }
0x3b: {  	_ =	sdelay $0x3  }
.LBB1_6:
0x3c: {  	_ =	sfence.sel $0x180000  }
0x3d: {  	s2 =	simm.s32 $0x1;
	[bflag:$0x0] =	sbarrier.arrive $0xFFFF  }
0x3e: {  	s31 =	simm.s32 $0x2;
	[sflag:s2] =	ssyncpa.u1 $0x1  }
0x3f: {  	[sflag:s31] =	ssyncpa.u1 $0x1  }
0x40: {  	p0 =	sne.s32 s0, $0x0;
	_ =	strace $0x9000004D  }
0x41: {  	s0 =	sadd.s32 @!p0 $0x100000, s1;
	[bflag:$0x2] =	sbarrier.arrive $0xFFFF  }
0x42: {  	[sflag:s0] =	ssyncadd.tile.s32 @!p0 $0x1;
	_ =	shalt  }
.Lfunc_end1:
_tile_overlayer_lowered:
.L_overlay_start_2:
0x43: {  	(tag) =	ssettag $0x2  }
0x44: {  	s0 =	rddreg [dreg:$0x0];
	s2 =	stileid.u32  }
0x45: {  	s1 =	rddreg [dreg:$0x1];
	p0 =	sne.s32 s2, $0x0  }
0x46: {  	s3 =	rddreg [dreg:$0x2];
	[bflag:$0x3] =	sbarrier.arrive $0xFFFF;
	s2 =	simm.s32 @!p0 $0x1C01  }
0x47: {  	[timem:s3], [sflag:s2] =	dma.local @!p0 [hbm:s0], s1  }
0x48: {  	s0 =	simm.s32 @!p0 $0x1  }
0x49: {  	_ =	swait.ge @!p0 [sflag:s0], s1  }
0x4a: {  	s1 =	ssub.s32 @!p0 $0x0, s1;
	[sflag:s0] =	ssyncset.done @!p0 $0x0  }
0x4b: {  	[sflag:s0] =	ssyncadd.s32 @!p0 s1  }
0x4c: {  	[bflag:$0x3] =	sbarrier.arrive $0xFFFF  }
0x4d: {  	_ =	shalt  }

</sc_bundles>
